<compile_context>
chip_gen: v7x
topology: tpu7x:2x2x1
jax: 0.10.2.dev20260603
libtpu: 0.0.44.dev20260713+nightly
codegen_flags: <defaults>
</compile_context>

<pallas_src>
import functools

import jax
import jax.numpy as jnp
from jax import lax
from jax.experimental import pallas as pl
from jax.experimental.pallas import tpu as pltpu
from jax.experimental.pallas import tpu_sc as plsc

N = 10000
E = 320000
D = 128
H = D // 2

NC = 2
NS = 16
NW = NC * NS
CD = 80
C = 100

EPW = E // NW
DSTEPS = EPW // CD
EPT = E // NS
SSTEPS = EPT // C

NP = 10240
RPT = NP // NS

_mesh = plsc.VectorSubcoreMesh(core_axis_name="c", subcore_axis_name="s")
_sc_params = pltpu.CompilerParams(use_tc_tiling_on_sc=False)


@functools.partial(
    pl.kernel,
    out_type=jax.ShapeDtypeStruct((NC * NP, 16), jnp.float32),
    mesh=_mesh,
    scratch_types=[
        pltpu.VMEM_SHARED((NP, 16), jnp.float32),
        pltpu.VMEM((DSTEPS, CD), jnp.int32),
        pltpu.VMEM((CD, 16), jnp.float32),
    ],
    compiler_params=_sc_params,
)
def _sc_degree(dstr_hbm, zeros_hbm, out_hbm, acc, didx, ones):
    c = lax.axis_index("c")
    s = lax.axis_index("s")
    wid = s * NC + c
    pltpu.sync_copy(zeros_hbm.at[pl.ds(s * RPT, RPT)], acc.at[pl.ds(s * RPT, RPT)])
    pltpu.sync_copy(dstr_hbm.at[wid], didx)

    def initb(i, carry):
        ones[i, :] = jnp.full((16,), 1.0, jnp.float32)
        return carry

    lax.fori_loop(0, CD, initb, 0)
    plsc.subcore_barrier()

    def body(i, carry):
        pltpu.sync_copy(ones, acc.at[didx.at[i]], add=True)
        return carry

    lax.fori_loop(0, DSTEPS, body, 0)
    plsc.subcore_barrier()
    pltpu.sync_copy(acc.at[pl.ds(s * RPT, RPT)],
                    out_hbm.at[pl.ds(c * NP + s * RPT, RPT)])


NB = 5
LA = 3


@functools.partial(
    pl.kernel,
    out_type=jax.ShapeDtypeStruct((NC * NP, H), jnp.float32),
    mesh=_mesh,
    scratch_types=[
        pltpu.VMEM_SHARED((NP, H), jnp.float32),
        pltpu.VMEM((SSTEPS, C), jnp.int32),
        pltpu.VMEM((SSTEPS, C), jnp.int32),
        pltpu.VMEM((NB, C, H), jnp.float32),
    ] + [pltpu.SemaphoreType.DMA] * (2 * NB),
    compiler_params=_sc_params,
)
def _sc_scatter(hsl_hbm, hsr_hbm, srcr_hbm, dstr_hbm, zeros_hbm, out_hbm,
                acc, sidx, didx, rows, *sems):
    gsems = sems[:NB]
    ssems = sems[NB:]
    c = lax.axis_index("c")
    s = lax.axis_index("s")
    pltpu.sync_copy(zeros_hbm.at[pl.ds(s * RPT, RPT)], acc.at[pl.ds(s * RPT, RPT)])
    pltpu.sync_copy(srcr_hbm.at[s], sidx)
    pltpu.sync_copy(dstr_hbm.at[s], didx)
    plsc.subcore_barrier()

    def gather(i, b):
        @pl.when(c == 0)
        def _():
            pltpu.async_copy(hsl_hbm.at[sidx.at[i]], rows.at[b], gsems[b])

        @pl.when(c == 1)
        def _():
            pltpu.async_copy(hsr_hbm.at[sidx.at[i]], rows.at[b], gsems[b])

    def drain(sem, b):
        pltpu.make_async_copy(zeros_hbm.at[pl.ds(0, C)], rows.at[b], sem).wait()

    for i in range(LA):
        gather(i, i % NB)

    def outer(o, carry):
        for b_off in range(NB):
            i = o * NB + b_off
            b = b_off
            bl = (b_off + LA) % NB

            @pl.when(i + LA < SSTEPS)
            def _():
                @pl.when(i >= NB - LA)
                def _():
                    drain(ssems[bl], bl)
                gather(i + LA, bl)

            drain(gsems[b], b)
            pltpu.async_copy(rows.at[b], acc.at[didx.at[i]], ssems[b], add=True)
        return carry

    lax.fori_loop(0, SSTEPS // NB, outer, 0)
    for b in range(NB):
        drain(ssems[b], b)
    plsc.subcore_barrier()
    pltpu.sync_copy(acc.at[pl.ds(s * RPT, RPT)],
                    out_hbm.at[pl.ds(c * NP + s * RPT, RPT)])


_BLK = 1000
_GRID = N // _BLK


def _dinv_blk(c0, c1):
    return lax.rsqrt(1.0 + c0[:, 0:1] + c1[:, 0:1])


def _tc_first_body(c0, c1, x, w, ol, orr):
    h = jnp.dot(x[...], w[...], preferred_element_type=jnp.float32)
    hs = h * _dinv_blk(c0[...], c1[...])
    ol[...] = hs[:, :H]
    orr[...] = hs[:, H:]


def _tc_mid_body(c0, c1, p0, p1, hsl, hsr, b, w, ol, orr):
    dinv = _dinv_blk(c0[...], c1[...])
    agg = jnp.concatenate([p0[...] + hsl[...], p1[...] + hsr[...]], axis=1)
    t = jnp.maximum(agg * dinv + b[...], 0.0)
    h2 = jnp.dot(t, w[...], preferred_element_type=jnp.float32) * dinv
    ol[...] = h2[:, :H]
    orr[...] = h2[:, H:]


def _tc_last_body(c0, c1, p0, p1, hsl, hsr, b, o):
    dinv = _dinv_blk(c0[...], c1[...])
    agg = jnp.concatenate([p0[...] + hsl[...], p1[...] + hsr[...]], axis=1)
    o[...] = agg * dinv + b[...]


_cnt_spec = pl.BlockSpec((_BLK, 16), lambda i: (i, 0))
_row_spec = pl.BlockSpec((_BLK, D), lambda i: (i, 0))
_half_spec = pl.BlockSpec((_BLK, H), lambda i: (i, 0))
_w_spec = pl.BlockSpec((D, D), lambda i: (0, 0))
_b_spec = pl.BlockSpec((1, D), lambda i: (0, 0))
_half_sds = jax.ShapeDtypeStruct((N, H), jnp.float32)

_tc_first = pl.pallas_call(
    _tc_first_body, grid=(_GRID,),
    in_specs=[_cnt_spec, _cnt_spec, _row_spec, _w_spec],
    out_specs=[_half_spec, _half_spec], out_shape=[_half_sds, _half_sds])

_tc_mid = pl.pallas_call(
    _tc_mid_body, grid=(_GRID,),
    in_specs=[_cnt_spec, _cnt_spec, _half_spec, _half_spec, _half_spec,
              _half_spec, _b_spec, _w_spec],
    out_specs=[_half_spec, _half_spec], out_shape=[_half_sds, _half_sds])

_tc_last = pl.pallas_call(
    _tc_last_body, grid=(_GRID,),
    in_specs=[_cnt_spec, _cnt_spec, _half_spec, _half_spec, _half_spec,
              _half_spec, _b_spec],
    out_specs=_row_spec, out_shape=jax.ShapeDtypeStruct((N, D), jnp.float32))


def kernel(x, edge_index, W1, b1, W2, b2):
    src = edge_index[0].astype(jnp.int32)
    dst = edge_index[1].astype(jnp.int32)
    srcr_s = src.reshape(NS, SSTEPS, C)
    dstr_s = dst.reshape(NS, SSTEPS, C)
    dstr_w = dst.reshape(NW, DSTEPS, CD)

    zeros16 = jnp.zeros((NP, 16), jnp.float32)
    zerosH = jnp.zeros((NP, H), jnp.float32)

    cnt = _sc_degree(dstr_w, zeros16)
    c0, c1 = cnt[:N], cnt[NP:NP + N]

    hs1l, hs1r = _tc_first(c0, c1, x, W1)
    p = _sc_scatter(hs1l, hs1r, srcr_s, dstr_s, zerosH)
    hs2l, hs2r = _tc_mid(c0, c1, p[:N], p[NP:NP + N], hs1l, hs1r,
                         b1.reshape(1, D), W2)
    p2 = _sc_scatter(hs2l, hs2r, srcr_s, dstr_s, zerosH)
    out = _tc_last(c0, c1, p2[:N], p2[NP:NP + N], hs2l, hs2r,
                   b2.reshape(1, D))
    return out

# --- scband reference (transcript-rebuilt; emitter-appended) ---
"""Pipeline reference for scband-gcnencoder-66056597012747 (READ-ONLY COPY).

The authoritative reference and input builder live on the scoring server;
editing this copy changes nothing except your own understanding.
"""

import jax, jax.numpy as jnp
import numpy as np

N_NODES = 10000
N_EDGES = 320000
D_IN = 128
D_HID = 128
D_OUT = 128


def setup_inputs(seed: int = 0) -> dict:
    key = jax.random.key(seed)
    kx, ke, kw1, kw2 = jax.random.split(key, 4)
    x = jax.random.normal(kx, (N_NODES, D_IN), dtype=jnp.float32)
    edge_index = jax.random.randint(ke, (2, N_EDGES), 0, N_NODES, dtype=jnp.int64)
    # GCNConv layer params (glorot-ish init)
    W1 = jax.random.normal(kw1, (D_IN, D_HID), dtype=jnp.float32) * (1.0 / np.sqrt(D_IN))
    b1 = jnp.zeros((D_HID,), dtype=jnp.float32)
    W2 = jax.random.normal(kw2, (D_HID, D_OUT), dtype=jnp.float32) * (1.0 / np.sqrt(D_HID))
    b2 = jnp.zeros((D_OUT,), dtype=jnp.float32)
    return {"x": x, "edge_index": edge_index, "W1": W1, "b1": b1, "W2": W2, "b2": b2}


def _gcn_layer(x, src, dst, W, b, n_nodes):
    # PyG GCNConv: add self-loops, symmetric normalization D^-1/2 (A+I) D^-1/2, then XW + b
    loop = jnp.arange(n_nodes, dtype=src.dtype)
    src_f = jnp.concatenate([src, loop])
    dst_f = jnp.concatenate([dst, loop])
    deg = jnp.zeros((n_nodes,), dtype=x.dtype).at[dst_f].add(1.0)
    dinv = jax.lax.rsqrt(jnp.maximum(deg, 1e-12))
    norm = dinv[src_f] * dinv[dst_f]
    h = x @ W
    msg = h[src_f] * norm[:, None]
    out = jnp.zeros((n_nodes, W.shape[1]), dtype=x.dtype).at[dst_f].add(msg)
    return out + b


def reference(x, edge_index, W1, b1, W2, b2):
    n_nodes = x.shape[0]
    src, dst = edge_index[0], edge_index[1]
    h = _gcn_layer(x, src, dst, W1, b1, n_nodes)
    h = jax.nn.relu(h)
    # dropout is identity in eval mode
    out = _gcn_layer(h, src, dst, W2, b2, n_nodes)
    return out

if __name__ == "__main__":
    import jax
    _d = setup_inputs()
    print(jax.jit(kernel)(*tuple(_d.values())))

</pallas_src>

<mosaic_0001>
#map = affine_map<(d0, d1) -> (0, 0)>
#map1 = affine_map<(d0, d1) -> (0, 0, 0)>
module attributes {stable_mosaic.version = 14 : i64} {
  func.func @_sc_scatter(%arg0: i32, %arg1: i32, %arg2: memref<10000x64xf32, #tpu.memory_space<hbm>>, %arg3: memref<10000x64xf32, #tpu.memory_space<hbm>>, %arg4: memref<16x200x100xi32, #tpu.memory_space<hbm>>, %arg5: memref<16x200x100xi32, #tpu.memory_space<hbm>>, %arg6: memref<10240x64xf32, #tpu.memory_space<hbm>>, %arg7: memref<20480x64xf32, #tpu.memory_space<hbm>>, %arg8: memref<10240x64xf32, #tpu.memory_space<vmem_shared>>, %arg9: memref<200x100xi32, #tpu.memory_space<vmem>>, %arg10: memref<200x100xi32, #tpu.memory_space<vmem>>, %arg11: memref<5x100x64xf32, #tpu.memory_space<vmem>>, %arg12: memref<!tpu.dma_semaphore, #tpu.memory_space<semaphore_mem>>, %arg13: memref<!tpu.dma_semaphore, #tpu.memory_space<semaphore_mem>>, %arg14: memref<!tpu.dma_semaphore, #tpu.memory_space<semaphore_mem>>, %arg15: memref<!tpu.dma_semaphore, #tpu.memory_space<semaphore_mem>>, %arg16: memref<!tpu.dma_semaphore, #tpu.memory_space<semaphore_mem>>, %arg17: memref<!tpu.dma_semaphore, #tpu.memory_space<semaphore_mem>>, %arg18: memref<!tpu.dma_semaphore, #tpu.memory_space<semaphore_mem>>, %arg19: memref<!tpu.dma_semaphore, #tpu.memory_space<semaphore_mem>>, %arg20: memref<!tpu.dma_semaphore, #tpu.memory_space<semaphore_mem>>, %arg21: memref<!tpu.dma_semaphore, #tpu.memory_space<semaphore_mem>>) attributes {dimension_semantics = [#tpu.dimension_semantics<core_parallel>, #tpu.dimension_semantics<subcore_parallel>], iteration_bounds = array<i64: 2, 16>, scalar_prefetch = 0 : i64, scratch_operands = 14 : i64, tpu.core_type = #tpu.core_type<sc_vector_subcore>, window_params = [{transform_indices = #map}, {transform_indices = #map}, {transform_indices = #map1}, {transform_indices = #map1}, {transform_indices = #map}, {transform_indices = #map}]} {
    %mul3A = arith.constant 640 : i32
    %mul3A_0 = arith.muli %arg1, %mul3A : i32
    %mul3A_1 = arith.constant 640 : i32
    %mul3A_2 = arith.muli %arg1, %mul3A_1 : i32
    "tpu.region"() ({
      %run_scoped3A = tpu.sem_alloc : memref<!tpu.dma_semaphore, #tpu.memory_space<semaphore_mem>>
      %dma_start3A = arith.constant 0 : i32
      %dma_start3A_116 = tpu.memref_slice %arg8[%mul3A_2, %dma_start3A] : memref<10240x64xf32, #tpu.memory_space<vmem_shared>> -> memref<640x64xf32, #tpu.memory_space<vmem_shared>>
      %dma_start3A_117 = arith.constant 0 : i32
      %dma_start3A_118 = tpu.memref_slice %arg6[%mul3A_0, %dma_start3A_117] : memref<10240x64xf32, #tpu.memory_space<hbm>> -> memref<640x64xf32, #tpu.memory_space<hbm>>
      tpu.enqueue_dma source(%dma_start3A_118 : memref<640x64xf32, #tpu.memory_space<hbm>>) target(%dma_start3A_116 : memref<640x64xf32, #tpu.memory_space<vmem_shared>>) target_semaphore(%run_scoped3A : memref<!tpu.dma_semaphore, #tpu.memory_space<semaphore_mem>>)
      %dma_wait3A_119 = arith.constant 0 : i32
      %dma_wait3A_120 = tpu.memref_slice %arg8[%mul3A_2, %dma_wait3A_119] : memref<10240x64xf32, #tpu.memory_space<vmem_shared>> -> memref<640x64xf32, #tpu.memory_space<vmem_shared>>
      %dma_wait3A_121 = arith.constant 0 : i32
      %dma_wait3A_122 = tpu.memref_slice %arg6[%mul3A_0, %dma_wait3A_121] : memref<10240x64xf32, #tpu.memory_space<hbm>> -> memref<640x64xf32, #tpu.memory_space<hbm>>
      tpu.wait_dma2 semaphore(%run_scoped3A : memref<!tpu.dma_semaphore, #tpu.memory_space<semaphore_mem>>) src(%dma_wait3A_122 : memref<640x64xf32, #tpu.memory_space<hbm>>) dst(%dma_wait3A_120 : memref<640x64xf32, #tpu.memory_space<vmem_shared>>)
      tpu.yield
    }) : () -> ()
    "tpu.region"() ({
      %run_scoped3A = tpu.sem_alloc : memref<!tpu.dma_semaphore, #tpu.memory_space<semaphore_mem>>
      %dma_start3A = arith.constant 0 : i32
      %dma_start3A_116 = arith.constant 0 : i32
      %dma_start3A_117 = tpu.memref_slice %arg4[%arg1, %dma_start3A, %dma_start3A_116] : memref<16x200x100xi32, #tpu.memory_space<hbm>> -> memref<1x200x100xi32, #tpu.memory_space<hbm>>
      %dma_start3A_118 = tpu.memref_squeeze %dma_start3A_117 : memref<1x200x100xi32, #tpu.memory_space<hbm>> -> memref<200x100xi32, #tpu.memory_space<hbm>>
      %dma_start3A_119 = arith.constant 0 : i32
      %dma_start3A_120 = arith.constant 0 : i32
      %dma_start3A_121 = tpu.memref_slice %arg4[%arg1, %dma_start3A_119, %dma_start3A_120] : memref<16x200x100xi32, #tpu.memory_space<hbm>> -> memref<1x200x100xi32, #tpu.memory_space<hbm>>
      %dma_start3A_122 = tpu.memref_squeeze %dma_start3A_121 : memref<1x200x100xi32, #tpu.memory_space<hbm>> -> memref<200x100xi32, #tpu.memory_space<hbm>>
      tpu.enqueue_dma source(%dma_start3A_122 : memref<200x100xi32, #tpu.memory_space<hbm>>) target(%arg9 : memref<200x100xi32, #tpu.memory_space<vmem>>) target_semaphore(%run_scoped3A : memref<!tpu.dma_semaphore, #tpu.memory_space<semaphore_mem>>)
      %dma_wait3A_123 = arith.constant 0 : i32
      %dma_wait3A_124 = arith.constant 0 : i32
      %dma_wait3A_125 = tpu.memref_slice %arg4[%arg1, %dma_wait3A_123, %dma_wait3A_124] : memref<16x200x100xi32, #tpu.memory_space<hbm>> -> memref<1x200x100xi32, #tpu.memory_space<hbm>>
      %dma_wait3A_126 = tpu.memref_squeeze %dma_wait3A_125 : memref<1x200x100xi32, #tpu.memory_space<hbm>> -> memref<200x100xi32, #tpu.memory_space<hbm>>
      %dma_wait3A_127 = arith.constant 0 : i32
      %dma_wait3A_128 = arith.constant 0 : i32
      %dma_wait3A_129 = tpu.memref_slice %arg4[%arg1, %dma_wait3A_127, %dma_wait3A_128] : memref<16x200x100xi32, #tpu.memory_space<hbm>> -> memref<1x200x100xi32, #tpu.memory_space<hbm>>
      %dma_wait3A_130 = tpu.memref_squeeze %dma_wait3A_129 : memref<1x200x100xi32, #tpu.memory_space<hbm>> -> memref<200x100xi32, #tpu.memory_space<hbm>>
      tpu.wait_dma2 semaphore(%run_scoped3A : memref<!tpu.dma_semaphore, #tpu.memory_space<semaphore_mem>>) src(%dma_wait3A_130 : memref<200x100xi32, #tpu.memory_space<hbm>>) dst(%arg9 : memref<200x100xi32, #tpu.memory_space<vmem>>)
      tpu.yield
    }) : () -> ()
    "tpu.region"() ({
      %run_scoped3A = tpu.sem_alloc : memref<!tpu.dma_semaphore, #tpu.memory_space<semaphore_mem>>
      %dma_start3A = arith.constant 0 : i32
      %dma_start3A_116 = arith.constant 0 : i32
      %dma_start3A_117 = tpu.memref_slice %arg5[%arg1, %dma_start3A, %dma_start3A_116] : memref<16x200x100xi32, #tpu.memory_space<hbm>> -> memref<1x200x100xi32, #tpu.memory_space<hbm>>
      %dma_start3A_118 = tpu.memref_squeeze %dma_start3A_117 : memref<1x200x100xi32, #tpu.memory_space<hbm>> -> memref<200x100xi32, #tpu.memory_space<hbm>>
      %dma_start3A_119 = arith.constant 0 : i32
      %dma_start3A_120 = arith.constant 0 : i32
      %dma_start3A_121 = tpu.memref_slice %arg5[%arg1, %dma_start3A_119, %dma_start3A_120] : memref<16x200x100xi32, #tpu.memory_space<hbm>> -> memref<1x200x100xi32, #tpu.memory_space<hbm>>
      %dma_start3A_122 = tpu.memref_squeeze %dma_start3A_121 : memref<1x200x100xi32, #tpu.memory_space<hbm>> -> memref<200x100xi32, #tpu.memory_space<hbm>>
      tpu.enqueue_dma source(%dma_start3A_122 : memref<200x100xi32, #tpu.memory_space<hbm>>) target(%arg10 : memref<200x100xi32, #tpu.memory_space<vmem>>) target_semaphore(%run_scoped3A : memref<!tpu.dma_semaphore, #tpu.memory_space<semaphore_mem>>)
      %dma_wait3A_123 = arith.constant 0 : i32
      %dma_wait3A_124 = arith.constant 0 : i32
      %dma_wait3A_125 = tpu.memref_slice %arg5[%arg1, %dma_wait3A_123, %dma_wait3A_124] : memref<16x200x100xi32, #tpu.memory_space<hbm>> -> memref<1x200x100xi32, #tpu.memory_space<hbm>>
      %dma_wait3A_126 = tpu.memref_squeeze %dma_wait3A_125 : memref<1x200x100xi32, #tpu.memory_space<hbm>> -> memref<200x100xi32, #tpu.memory_space<hbm>>
      %dma_wait3A_127 = arith.constant 0 : i32
      %dma_wait3A_128 = arith.constant 0 : i32
      %dma_wait3A_129 = tpu.memref_slice %arg5[%arg1, %dma_wait3A_127, %dma_wait3A_128] : memref<16x200x100xi32, #tpu.memory_space<hbm>> -> memref<1x200x100xi32, #tpu.memory_space<hbm>>
      %dma_wait3A_130 = tpu.memref_squeeze %dma_wait3A_129 : memref<1x200x100xi32, #tpu.memory_space<hbm>> -> memref<200x100xi32, #tpu.memory_space<hbm>>
      tpu.wait_dma2 semaphore(%run_scoped3A : memref<!tpu.dma_semaphore, #tpu.memory_space<semaphore_mem>>) src(%dma_wait3A_130 : memref<200x100xi32, #tpu.memory_space<hbm>>) dst(%arg10 : memref<200x100xi32, #tpu.memory_space<vmem>>)
      tpu.yield
    }) : () -> ()
    %barrier3A = arith.constant 0 : index
    tpu.barrier barrier_id(%barrier3A)
    %eq3A = arith.constant 0 : i32
    %eq3A_3 = arith.cmpi eq, %arg0, %eq3A : i32
    %convert_element_type3A = arith.extui %eq3A_3 : i1 to i32
    %cond3A = arith.constant 0 : i32
    %cond3A_4 = arith.cmpi ne, %convert_element_type3A, %cond3A : i32
    scf.if %cond3A_4 {
      %dma_start3A = arith.constant 0 : i32
      %dma_start3A_116 = arith.constant 0 : i32
      %dma_start3A_117 = arith.constant 0 : i32
      %dma_start3A_118 = arith.constant 0 : i32
      %dma_start3A_119 = tpu.memref_slice %arg11[%dma_start3A_116, %dma_start3A_117, %dma_start3A_118] : memref<5x100x64xf32, #tpu.memory_space<vmem>> -> memref<1x100x64xf32, #tpu.memory_space<vmem>>
      %dma_start3A_120 = tpu.memref_squeeze %dma_start3A_119 : memref<1x100x64xf32, #tpu.memory_space<vmem>> -> memref<100x64xf32, #tpu.memory_space<vmem>>
      %dma_start3A_121 = arith.constant 0 : i32
      %dma_start3A_122 = tpu.memref_slice %arg9[%dma_start3A, %dma_start3A_121] : memref<200x100xi32, #tpu.memory_space<vmem>> -> memref<1x100xi32, #tpu.memory_space<vmem>>
      %dma_start3A_123 = tpu.memref_squeeze %dma_start3A_122 : memref<1x100xi32, #tpu.memory_space<vmem>> -> memref<100xi32, #tpu.memory_space<vmem>>
      %dma_start3A_124 = arith.constant 0 : i32
      %dma_start3A_125 = arith.constant 0 : i32
      %dma_start3A_126 = tpu.memref_slice %arg2[%dma_start3A_124, %dma_start3A_125] : memref<10000x64xf32, #tpu.memory_space<hbm>> -> memref<10000x64xf32, #tpu.memory_space<hbm>>
      tpu.enqueue_indirect_dma source(%dma_start3A_126 : memref<10000x64xf32, #tpu.memory_space<hbm>>) target(%dma_start3A_120 : memref<100x64xf32, #tpu.memory_space<vmem>>) offsets(%dma_start3A_123 : memref<100xi32, #tpu.memory_space<vmem>>) semaphore(%arg12 : memref<!tpu.dma_semaphore, #tpu.memory_space<semaphore_mem>>)
    } else {
    }
    %eq3A_5 = arith.constant 1 : i32
    %eq3A_6 = arith.cmpi eq, %arg0, %eq3A_5 : i32
    %convert_element_type3A_7 = arith.extui %eq3A_6 : i1 to i32
    %cond3A_8 = arith.constant 0 : i32
    %cond3A_9 = arith.cmpi ne, %convert_element_type3A_7, %cond3A_8 : i32
    scf.if %cond3A_9 {
      %dma_start3A = arith.constant 0 : i32
      %dma_start3A_116 = arith.constant 0 : i32
      %dma_start3A_117 = arith.constant 0 : i32
      %dma_start3A_118 = arith.constant 0 : i32
      %dma_start3A_119 = tpu.memref_slice %arg11[%dma_start3A_116, %dma_start3A_117, %dma_start3A_118] : memref<5x100x64xf32, #tpu.memory_space<vmem>> -> memref<1x100x64xf32, #tpu.memory_space<vmem>>
      %dma_start3A_120 = tpu.memref_squeeze %dma_start3A_119 : memref<1x100x64xf32, #tpu.memory_space<vmem>> -> memref<100x64xf32, #tpu.memory_space<vmem>>
      %dma_start3A_121 = arith.constant 0 : i32
      %dma_start3A_122 = tpu.memref_slice %arg9[%dma_start3A, %dma_start3A_121] : memref<200x100xi32, #tpu.memory_space<vmem>> -> memref<1x100xi32, #tpu.memory_space<vmem>>
      %dma_start3A_123 = tpu.memref_squeeze %dma_start3A_122 : memref<1x100xi32, #tpu.memory_space<vmem>> -> memref<100xi32, #tpu.memory_space<vmem>>
      %dma_start3A_124 = arith.constant 0 : i32
      %dma_start3A_125 = arith.constant 0 : i32
      %dma_start3A_126 = tpu.memref_slice %arg3[%dma_start3A_124, %dma_start3A_125] : memref<10000x64xf32, #tpu.memory_space<hbm>> -> memref<10000x64xf32, #tpu.memory_space<hbm>>
      tpu.enqueue_indirect_dma source(%dma_start3A_126 : memref<10000x64xf32, #tpu.memory_space<hbm>>) target(%dma_start3A_120 : memref<100x64xf32, #tpu.memory_space<vmem>>) offsets(%dma_start3A_123 : memref<100xi32, #tpu.memory_space<vmem>>) semaphore(%arg12 : memref<!tpu.dma_semaphore, #tpu.memory_space<semaphore_mem>>)
    } else {
    }
    %eq3A_10 = arith.constant 0 : i32
    %eq3A_11 = arith.cmpi eq, %arg0, %eq3A_10 : i32
    %convert_element_type3A_12 = arith.extui %eq3A_11 : i1 to i32
    %cond3A_13 = arith.constant 0 : i32
    %cond3A_14 = arith.cmpi ne, %convert_element_type3A_12, %cond3A_13 : i32
    scf.if %cond3A_14 {
      %dma_start3A = arith.constant 1 : i32
      %dma_start3A_116 = arith.constant 1 : i32
      %dma_start3A_117 = arith.constant 0 : i32
      %dma_start3A_118 = arith.constant 0 : i32
      %dma_start3A_119 = tpu.memref_slice %arg11[%dma_start3A_116, %dma_start3A_117, %dma_start3A_118] : memref<5x100x64xf32, #tpu.memory_space<vmem>> -> memref<1x100x64xf32, #tpu.memory_space<vmem>>
      %dma_start3A_120 = tpu.memref_squeeze %dma_start3A_119 : memref<1x100x64xf32, #tpu.memory_space<vmem>> -> memref<100x64xf32, #tpu.memory_space<vmem>>
      %dma_start3A_121 = arith.constant 0 : i32
      %dma_start3A_122 = tpu.memref_slice %arg9[%dma_start3A, %dma_start3A_121] : memref<200x100xi32, #tpu.memory_space<vmem>> -> memref<1x100xi32, #tpu.memory_space<vmem>>
      %dma_start3A_123 = tpu.memref_squeeze %dma_start3A_122 : memref<1x100xi32, #tpu.memory_space<vmem>> -> memref<100xi32, #tpu.memory_space<vmem>>
      %dma_start3A_124 = arith.constant 0 : i32
      %dma_start3A_125 = arith.constant 0 : i32
      %dma_start3A_126 = tpu.memref_slice %arg2[%dma_start3A_124, %dma_start3A_125] : memref<10000x64xf32, #tpu.memory_space<hbm>> -> memref<10000x64xf32, #tpu.memory_space<hbm>>
      tpu.enqueue_indirect_dma source(%dma_start3A_126 : memref<10000x64xf32, #tpu.memory_space<hbm>>) target(%dma_start3A_120 : memref<100x64xf32, #tpu.memory_space<vmem>>) offsets(%dma_start3A_123 : memref<100xi32, #tpu.memory_space<vmem>>) semaphore(%arg13 : memref<!tpu.dma_semaphore, #tpu.memory_space<semaphore_mem>>)
    } else {
    }
    %eq3A_15 = arith.constant 1 : i32
    %eq3A_16 = arith.cmpi eq, %arg0, %eq3A_15 : i32
    %convert_element_type3A_17 = arith.extui %eq3A_16 : i1 to i32
    %cond3A_18 = arith.constant 0 : i32
    %cond3A_19 = arith.cmpi ne, %convert_element_type3A_17, %cond3A_18 : i32
    scf.if %cond3A_19 {
      %dma_start3A = arith.constant 1 : i32
      %dma_start3A_116 = arith.constant 1 : i32
      %dma_start3A_117 = arith.constant 0 : i32
      %dma_start3A_118 = arith.constant 0 : i32
      %dma_start3A_119 = tpu.memref_slice %arg11[%dma_start3A_116, %dma_start3A_117, %dma_start3A_118] : memref<5x100x64xf32, #tpu.memory_space<vmem>> -> memref<1x100x64xf32, #tpu.memory_space<vmem>>
      %dma_start3A_120 = tpu.memref_squeeze %dma_start3A_119 : memref<1x100x64xf32, #tpu.memory_space<vmem>> -> memref<100x64xf32, #tpu.memory_space<vmem>>
      %dma_start3A_121 = arith.constant 0 : i32
      %dma_start3A_122 = tpu.memref_slice %arg9[%dma_start3A, %dma_start3A_121] : memref<200x100xi32, #tpu.memory_space<vmem>> -> memref<1x100xi32, #tpu.memory_space<vmem>>
      %dma_start3A_123 = tpu.memref_squeeze %dma_start3A_122 : memref<1x100xi32, #tpu.memory_space<vmem>> -> memref<100xi32, #tpu.memory_space<vmem>>
      %dma_start3A_124 = arith.constant 0 : i32
      %dma_start3A_125 = arith.constant 0 : i32
      %dma_start3A_126 = tpu.memref_slice %arg3[%dma_start3A_124, %dma_start3A_125] : memref<10000x64xf32, #tpu.memory_space<hbm>> -> memref<10000x64xf32, #tpu.memory_space<hbm>>
      tpu.enqueue_indirect_dma source(%dma_start3A_126 : memref<10000x64xf32, #tpu.memory_space<hbm>>) target(%dma_start3A_120 : memref<100x64xf32, #tpu.memory_space<vmem>>) offsets(%dma_start3A_123 : memref<100xi32, #tpu.memory_space<vmem>>) semaphore(%arg13 : memref<!tpu.dma_semaphore, #tpu.memory_space<semaphore_mem>>)
    } else {
    }
    %eq3A_20 = arith.constant 0 : i32
    %eq3A_21 = arith.cmpi eq, %arg0, %eq3A_20 : i32
    %convert_element_type3A_22 = arith.extui %eq3A_21 : i1 to i32
    %cond3A_23 = arith.constant 0 : i32
    %cond3A_24 = arith.cmpi ne, %convert_element_type3A_22, %cond3A_23 : i32
    scf.if %cond3A_24 {
      %dma_start3A = arith.constant 2 : i32
      %dma_start3A_116 = arith.constant 2 : i32
      %dma_start3A_117 = arith.constant 0 : i32
      %dma_start3A_118 = arith.constant 0 : i32
      %dma_start3A_119 = tpu.memref_slice %arg11[%dma_start3A_116, %dma_start3A_117, %dma_start3A_118] : memref<5x100x64xf32, #tpu.memory_space<vmem>> -> memref<1x100x64xf32, #tpu.memory_space<vmem>>
      %dma_start3A_120 = tpu.memref_squeeze %dma_start3A_119 : memref<1x100x64xf32, #tpu.memory_space<vmem>> -> memref<100x64xf32, #tpu.memory_space<vmem>>
      %dma_start3A_121 = arith.constant 0 : i32
      %dma_start3A_122 = tpu.memref_slice %arg9[%dma_start3A, %dma_start3A_121] : memref<200x100xi32, #tpu.memory_space<vmem>> -> memref<1x100xi32, #tpu.memory_space<vmem>>
      %dma_start3A_123 = tpu.memref_squeeze %dma_start3A_122 : memref<1x100xi32, #tpu.memory_space<vmem>> -> memref<100xi32, #tpu.memory_space<vmem>>
      %dma_start3A_124 = arith.constant 0 : i32
      %dma_start3A_125 = arith.constant 0 : i32
      %dma_start3A_126 = tpu.memref_slice %arg2[%dma_start3A_124, %dma_start3A_125] : memref<10000x64xf32, #tpu.memory_space<hbm>> -> memref<10000x64xf32, #tpu.memory_space<hbm>>
      tpu.enqueue_indirect_dma source(%dma_start3A_126 : memref<10000x64xf32, #tpu.memory_space<hbm>>) target(%dma_start3A_120 : memref<100x64xf32, #tpu.memory_space<vmem>>) offsets(%dma_start3A_123 : memref<100xi32, #tpu.memory_space<vmem>>) semaphore(%arg14 : memref<!tpu.dma_semaphore, #tpu.memory_space<semaphore_mem>>)
    } else {
    }
    %eq3A_25 = arith.constant 1 : i32
    %eq3A_26 = arith.cmpi eq, %arg0, %eq3A_25 : i32
    %convert_element_type3A_27 = arith.extui %eq3A_26 : i1 to i32
    %cond3A_28 = arith.constant 0 : i32
    %cond3A_29 = arith.cmpi ne, %convert_element_type3A_27, %cond3A_28 : i32
    scf.if %cond3A_29 {
      %dma_start3A = arith.constant 2 : i32
      %dma_start3A_116 = arith.constant 2 : i32
      %dma_start3A_117 = arith.constant 0 : i32
      %dma_start3A_118 = arith.constant 0 : i32
      %dma_start3A_119 = tpu.memref_slice %arg11[%dma_start3A_116, %dma_start3A_117, %dma_start3A_118] : memref<5x100x64xf32, #tpu.memory_space<vmem>> -> memref<1x100x64xf32, #tpu.memory_space<vmem>>
      %dma_start3A_120 = tpu.memref_squeeze %dma_start3A_119 : memref<1x100x64xf32, #tpu.memory_space<vmem>> -> memref<100x64xf32, #tpu.memory_space<vmem>>
      %dma_start3A_121 = arith.constant 0 : i32
      %dma_start3A_122 = tpu.memref_slice %arg9[%dma_start3A, %dma_start3A_121] : memref<200x100xi32, #tpu.memory_space<vmem>> -> memref<1x100xi32, #tpu.memory_space<vmem>>
      %dma_start3A_123 = tpu.memref_squeeze %dma_start3A_122 : memref<1x100xi32, #tpu.memory_space<vmem>> -> memref<100xi32, #tpu.memory_space<vmem>>
      %dma_start3A_124 = arith.constant 0 : i32
      %dma_start3A_125 = arith.constant 0 : i32
      %dma_start3A_126 = tpu.memref_slice %arg3[%dma_start3A_124, %dma_start3A_125] : memref<10000x64xf32, #tpu.memory_space<hbm>> -> memref<10000x64xf32, #tpu.memory_space<hbm>>
      tpu.enqueue_indirect_dma source(%dma_start3A_126 : memref<10000x64xf32, #tpu.memory_space<hbm>>) target(%dma_start3A_120 : memref<100x64xf32, #tpu.memory_space<vmem>>) offsets(%dma_start3A_123 : memref<100xi32, #tpu.memory_space<vmem>>) semaphore(%arg14 : memref<!tpu.dma_semaphore, #tpu.memory_space<semaphore_mem>>)
    } else {
    }
    %scan3A = arith.constant 0 : i32
    %scan3A_30 = arith.constant 0 : i32
    %scan3A_31 = arith.constant 40 : i32
    %scan3A_32 = arith.addi %scan3A_30, %scan3A_31 : i32
    %scan3A_33 = arith.constant 1 : i32
    scf.for %scan3A_116 = %scan3A_30 to %scan3A_32 step %scan3A_33  : i32 {
      %mul3A_117 = arith.constant 5 : i32
      %mul3A_118 = arith.muli %scan3A_116, %mul3A_117 : i32
      %add3A_119 = arith.constant 0 : i32
      %add3A_120 = arith.addi %mul3A_118, %add3A_119 : i32
      %add3A_121 = arith.constant 3 : i32
      %add3A_122 = arith.addi %add3A_120, %add3A_121 : i32
      %lt3A = arith.constant 200 : i32
      %lt3A_123 = arith.cmpi slt, %add3A_122, %lt3A : i32
      %convert_element_type3A_124 = arith.extui %lt3A_123 : i1 to i32
      %cond3A_125 = arith.constant 0 : i32
      %cond3A_126 = arith.cmpi ne, %convert_element_type3A_124, %cond3A_125 : i32
      scf.if %cond3A_126 {
        %ge3A = arith.constant 2 : i32
        %ge3A_300 = arith.cmpi sge, %add3A_120, %ge3A : i32
        %convert_element_type3A_301 = arith.extui %ge3A_300 : i1 to i32
        %cond3A_302 = arith.constant 0 : i32
        %cond3A_303 = arith.cmpi ne, %convert_element_type3A_301, %cond3A_302 : i32
        scf.if %cond3A_303 {
          %dma_wait3A_316 = arith.constant 3 : i32
          %dma_wait3A_317 = arith.constant 0 : i32
          %dma_wait3A_318 = arith.constant 0 : i32
          %dma_wait3A_319 = tpu.memref_slice %arg11[%dma_wait3A_316, %dma_wait3A_317, %dma_wait3A_318] : memref<5x100x64xf32, #tpu.memory_space<vmem>> -> memref<1x100x64xf32, #tpu.memory_space<vmem>>
          %dma_wait3A_320 = tpu.memref_squeeze %dma_wait3A_319 : memref<1x100x64xf32, #tpu.memory_space<vmem>> -> memref<100x64xf32, #tpu.memory_space<vmem>>
          %dma_wait3A_321 = arith.constant 0 : i32
          %dma_wait3A_322 = arith.constant 0 : i32
          %dma_wait3A_323 = tpu.memref_slice %arg6[%dma_wait3A_321, %dma_wait3A_322] : memref<10240x64xf32, #tpu.memory_space<hbm>> -> memref<100x64xf32, #tpu.memory_space<hbm>>
          %dma_wait3A_324 = arith.constant 0 : i32
          %dma_wait3A_325 = arith.constant 0 : i32
          %dma_wait3A_326 = tpu.memref_slice %arg11[%dma_wait3A_316, %dma_wait3A_324, %dma_wait3A_325] : memref<5x100x64xf32, #tpu.memory_space<vmem>> -> memref<1x100x64xf32, #tpu.memory_space<vmem>>
          %dma_wait3A_327 = tpu.memref_squeeze %dma_wait3A_326 : memref<1x100x64xf32, #tpu.memory_space<vmem>> -> memref<100x64xf32, #tpu.memory_space<vmem>>
          %dma_wait3A_328 = arith.constant 0 : i32
          %dma_wait3A_329 = arith.constant 0 : i32
          %dma_wait3A_330 = tpu.memref_slice %arg6[%dma_wait3A_328, %dma_wait3A_329] : memref<10240x64xf32, #tpu.memory_space<hbm>> -> memref<100x64xf32, #tpu.memory_space<hbm>>
          tpu.wait_dma2 semaphore(%arg20 : memref<!tpu.dma_semaphore, #tpu.memory_space<semaphore_mem>>) src(%dma_wait3A_330 : memref<100x64xf32, #tpu.memory_space<hbm>>) dst(%dma_wait3A_327 : memref<100x64xf32, #tpu.memory_space<vmem>>)
        } else {
        }
        %add3A_304 = arith.constant 3 : i32
        %add3A_305 = arith.addi %add3A_120, %add3A_304 : i32
        %eq3A_306 = arith.constant 0 : i32
        %eq3A_307 = arith.cmpi eq, %arg0, %eq3A_306 : i32
        %convert_element_type3A_308 = arith.extui %eq3A_307 : i1 to i32
        %cond3A_309 = arith.constant 0 : i32
        %cond3A_310 = arith.cmpi ne, %convert_element_type3A_308, %cond3A_309 : i32
        scf.if %cond3A_310 {
          %dma_start3A_316 = arith.constant 3 : i32
          %dma_start3A_317 = arith.constant 0 : i32
          %dma_start3A_318 = arith.constant 0 : i32
          %dma_start3A_319 = tpu.memref_slice %arg11[%dma_start3A_316, %dma_start3A_317, %dma_start3A_318] : memref<5x100x64xf32, #tpu.memory_space<vmem>> -> memref<1x100x64xf32, #tpu.memory_space<vmem>>
          %dma_start3A_320 = tpu.memref_squeeze %dma_start3A_319 : memref<1x100x64xf32, #tpu.memory_space<vmem>> -> memref<100x64xf32, #tpu.memory_space<vmem>>
          %dma_start3A_321 = arith.constant 0 : i32
          %dma_start3A_322 = tpu.memref_slice %arg9[%add3A_305, %dma_start3A_321] : memref<200x100xi32, #tpu.memory_space<vmem>> -> memref<1x100xi32, #tpu.memory_space<vmem>>
          %dma_start3A_323 = tpu.memref_squeeze %dma_start3A_322 : memref<1x100xi32, #tpu.memory_space<vmem>> -> memref<100xi32, #tpu.memory_space<vmem>>
          %dma_start3A_324 = arith.constant 0 : i32
          %dma_start3A_325 = arith.constant 0 : i32
          %dma_start3A_326 = tpu.memref_slice %arg2[%dma_start3A_324, %dma_start3A_325] : memref<10000x64xf32, #tpu.memory_space<hbm>> -> memref<10000x64xf32, #tpu.memory_space<hbm>>
          tpu.enqueue_indirect_dma source(%dma_start3A_326 : memref<10000x64xf32, #tpu.memory_space<hbm>>) target(%dma_start3A_320 : memref<100x64xf32, #tpu.memory_space<vmem>>) offsets(%dma_start3A_323 : memref<100xi32, #tpu.memory_space<vmem>>) semaphore(%arg15 : memref<!tpu.dma_semaphore, #tpu.memory_space<semaphore_mem>>)
        } else {
        }
        %eq3A_311 = arith.constant 1 : i32
        %eq3A_312 = arith.cmpi eq, %arg0, %eq3A_311 : i32
        %convert_element_type3A_313 = arith.extui %eq3A_312 : i1 to i32
        %cond3A_314 = arith.constant 0 : i32
        %cond3A_315 = arith.cmpi ne, %convert_element_type3A_313, %cond3A_314 : i32
        scf.if %cond3A_315 {
          %dma_start3A_316 = arith.constant 3 : i32
          %dma_start3A_317 = arith.constant 0 : i32
          %dma_start3A_318 = arith.constant 0 : i32
          %dma_start3A_319 = tpu.memref_slice %arg11[%dma_start3A_316, %dma_start3A_317, %dma_start3A_318] : memref<5x100x64xf32, #tpu.memory_space<vmem>> -> memref<1x100x64xf32, #tpu.memory_space<vmem>>
          %dma_start3A_320 = tpu.memref_squeeze %dma_start3A_319 : memref<1x100x64xf32, #tpu.memory_space<vmem>> -> memref<100x64xf32, #tpu.memory_space<vmem>>
          %dma_start3A_321 = arith.constant 0 : i32
          %dma_start3A_322 = tpu.memref_slice %arg9[%add3A_305, %dma_start3A_321] : memref<200x100xi32, #tpu.memory_space<vmem>> -> memref<1x100xi32, #tpu.memory_space<vmem>>
          %dma_start3A_323 = tpu.memref_squeeze %dma_start3A_322 : memref<1x100xi32, #tpu.memory_space<vmem>> -> memref<100xi32, #tpu.memory_space<vmem>>
          %dma_start3A_324 = arith.constant 0 : i32
          %dma_start3A_325 = arith.constant 0 : i32
          %dma_start3A_326 = tpu.memref_slice %arg3[%dma_start3A_324, %dma_start3A_325] : memref<10000x64xf32, #tpu.memory_space<hbm>> -> memref<10000x64xf32, #tpu.memory_space<hbm>>
          tpu.enqueue_indirect_dma source(%dma_start3A_326 : memref<10000x64xf32, #tpu.memory_space<hbm>>) target(%dma_start3A_320 : memref<100x64xf32, #tpu.memory_space<vmem>>) offsets(%dma_start3A_323 : memref<100xi32, #tpu.memory_space<vmem>>) semaphore(%arg15 : memref<!tpu.dma_semaphore, #tpu.memory_space<semaphore_mem>>)
        } else {
        }
      } else {
      }
      %dma_wait3A_127 = arith.constant 0 : i32
      %dma_wait3A_128 = arith.constant 0 : i32
      %dma_wait3A_129 = arith.constant 0 : i32
      %dma_wait3A_130 = tpu.memref_slice %arg11[%dma_wait3A_127, %dma_wait3A_128, %dma_wait3A_129] : memref<5x100x64xf32, #tpu.memory_space<vmem>> -> memref<1x100x64xf32, #tpu.memory_space<vmem>>
      %dma_wait3A_131 = tpu.memref_squeeze %dma_wait3A_130 : memref<1x100x64xf32, #tpu.memory_space<vmem>> -> memref<100x64xf32, #tpu.memory_space<vmem>>
      %dma_wait3A_132 = arith.constant 0 : i32
      %dma_wait3A_133 = arith.constant 0 : i32
      %dma_wait3A_134 = tpu.memref_slice %arg6[%dma_wait3A_132, %dma_wait3A_133] : memref<10240x64xf32, #tpu.memory_space<hbm>> -> memref<100x64xf32, #tpu.memory_space<hbm>>
      %dma_wait3A_135 = arith.constant 0 : i32
      %dma_wait3A_136 = arith.constant 0 : i32
      %dma_wait3A_137 = tpu.memref_slice %arg11[%dma_wait3A_127, %dma_wait3A_135, %dma_wait3A_136] : memref<5x100x64xf32, #tpu.memory_space<vmem>> -> memref<1x100x64xf32, #tpu.memory_space<vmem>>
      %dma_wait3A_138 = tpu.memref_squeeze %dma_wait3A_137 : memref<1x100x64xf32, #tpu.memory_space<vmem>> -> memref<100x64xf32, #tpu.memory_space<vmem>>
      %dma_wait3A_139 = arith.constant 0 : i32
      %dma_wait3A_140 = arith.constant 0 : i32
      %dma_wait3A_141 = tpu.memref_slice %arg6[%dma_wait3A_139, %dma_wait3A_140] : memref<10240x64xf32, #tpu.memory_space<hbm>> -> memref<100x64xf32, #tpu.memory_space<hbm>>
      tpu.wait_dma2 semaphore(%arg12 : memref<!tpu.dma_semaphore, #tpu.memory_space<semaphore_mem>>) src(%dma_wait3A_141 : memref<100x64xf32, #tpu.memory_space<hbm>>) dst(%dma_wait3A_138 : memref<100x64xf32, #tpu.memory_space<vmem>>)
      %dma_start3A = arith.constant 0 : i32
      %dma_start3A_142 = arith.constant 0 : i32
      %dma_start3A_143 = arith.constant 0 : i32
      %dma_start3A_144 = tpu.memref_slice %arg11[%dma_start3A, %dma_start3A_142, %dma_start3A_143] : memref<5x100x64xf32, #tpu.memory_space<vmem>> -> memref<1x100x64xf32, #tpu.memory_space<vmem>>
      %dma_start3A_145 = tpu.memref_squeeze %dma_start3A_144 : memref<1x100x64xf32, #tpu.memory_space<vmem>> -> memref<100x64xf32, #tpu.memory_space<vmem>>
      %dma_start3A_146 = arith.constant 0 : i32
      %dma_start3A_147 = tpu.memref_slice %arg10[%add3A_120, %dma_start3A_146] : memref<200x100xi32, #tpu.memory_space<vmem>> -> memref<1x100xi32, #tpu.memory_space<vmem>>
      %dma_start3A_148 = tpu.memref_squeeze %dma_start3A_147 : memref<1x100xi32, #tpu.memory_space<vmem>> -> memref<100xi32, #tpu.memory_space<vmem>>
      %dma_start3A_149 = arith.constant 0 : i32
      %dma_start3A_150 = arith.constant 0 : i32
      %dma_start3A_151 = tpu.memref_slice %arg8[%dma_start3A_149, %dma_start3A_150] : memref<10240x64xf32, #tpu.memory_space<vmem_shared>> -> memref<10240x64xf32, #tpu.memory_space<vmem_shared>>
      tpu.enqueue_indirect_dma source(%dma_start3A_145 : memref<100x64xf32, #tpu.memory_space<vmem>>) target(%dma_start3A_151 : memref<10240x64xf32, #tpu.memory_space<vmem_shared>>) offsets(%dma_start3A_148 : memref<100xi32, #tpu.memory_space<vmem>>) semaphore(%arg17 : memref<!tpu.dma_semaphore, #tpu.memory_space<semaphore_mem>>) {add = true}
      %mul3A_152 = arith.constant 5 : i32
      %mul3A_153 = arith.muli %scan3A_116, %mul3A_152 : i32
      %add3A_154 = arith.constant 1 : i32
      %add3A_155 = arith.addi %mul3A_153, %add3A_154 : i32
      %add3A_156 = arith.constant 3 : i32
      %add3A_157 = arith.addi %add3A_155, %add3A_156 : i32
      %lt3A_158 = arith.constant 200 : i32
      %lt3A_159 = arith.cmpi slt, %add3A_157, %lt3A_158 : i32
      %convert_element_type3A_160 = arith.extui %lt3A_159 : i1 to i32
      %cond3A_161 = arith.constant 0 : i32
      %cond3A_162 = arith.cmpi ne, %convert_element_type3A_160, %cond3A_161 : i32
      scf.if %cond3A_162 {
        %ge3A = arith.constant 2 : i32
        %ge3A_300 = arith.cmpi sge, %add3A_155, %ge3A : i32
        %convert_element_type3A_301 = arith.extui %ge3A_300 : i1 to i32
        %cond3A_302 = arith.constant 0 : i32
        %cond3A_303 = arith.cmpi ne, %convert_element_type3A_301, %cond3A_302 : i32
        scf.if %cond3A_303 {
          %dma_wait3A_316 = arith.constant 4 : i32
          %dma_wait3A_317 = arith.constant 0 : i32
          %dma_wait3A_318 = arith.constant 0 : i32
          %dma_wait3A_319 = tpu.memref_slice %arg11[%dma_wait3A_316, %dma_wait3A_317, %dma_wait3A_318] : memref<5x100x64xf32, #tpu.memory_space<vmem>> -> memref<1x100x64xf32, #tpu.memory_space<vmem>>
          %dma_wait3A_320 = tpu.memref_squeeze %dma_wait3A_319 : memref<1x100x64xf32, #tpu.memory_space<vmem>> -> memref<100x64xf32, #tpu.memory_space<vmem>>
          %dma_wait3A_321 = arith.constant 0 : i32
          %dma_wait3A_322 = arith.constant 0 : i32
          %dma_wait3A_323 = tpu.memref_slice %arg6[%dma_wait3A_321, %dma_wait3A_322] : memref<10240x64xf32, #tpu.memory_space<hbm>> -> memref<100x64xf32, #tpu.memory_space<hbm>>
          %dma_wait3A_324 = arith.constant 0 : i32
          %dma_wait3A_325 = arith.constant 0 : i32
          %dma_wait3A_326 = tpu.memref_slice %arg11[%dma_wait3A_316, %dma_wait3A_324, %dma_wait3A_325] : memref<5x100x64xf32, #tpu.memory_space<vmem>> -> memref<1x100x64xf32, #tpu.memory_space<vmem>>
          %dma_wait3A_327 = tpu.memref_squeeze %dma_wait3A_326 : memref<1x100x64xf32, #tpu.memory_space<vmem>> -> memref<100x64xf32, #tpu.memory_space<vmem>>
          %dma_wait3A_328 = arith.constant 0 : i32
          %dma_wait3A_329 = arith.constant 0 : i32
          %dma_wait3A_330 = tpu.memref_slice %arg6[%dma_wait3A_328, %dma_wait3A_329] : memref<10240x64xf32, #tpu.memory_space<hbm>> -> memref<100x64xf32, #tpu.memory_space<hbm>>
          tpu.wait_dma2 semaphore(%arg21 : memref<!tpu.dma_semaphore, #tpu.memory_space<semaphore_mem>>) src(%dma_wait3A_330 : memref<100x64xf32, #tpu.memory_space<hbm>>) dst(%dma_wait3A_327 : memref<100x64xf32, #tpu.memory_space<vmem>>)
        } else {
        }
        %add3A_304 = arith.constant 3 : i32
        %add3A_305 = arith.addi %add3A_155, %add3A_304 : i32
        %eq3A_306 = arith.constant 0 : i32
        %eq3A_307 = arith.cmpi eq, %arg0, %eq3A_306 : i32
        %convert_element_type3A_308 = arith.extui %eq3A_307 : i1 to i32
        %cond3A_309 = arith.constant 0 : i32
        %cond3A_310 = arith.cmpi ne, %convert_element_type3A_308, %cond3A_309 : i32
        scf.if %cond3A_310 {
          %dma_start3A_316 = arith.constant 4 : i32
          %dma_start3A_317 = arith.constant 0 : i32
          %dma_start3A_318 = arith.constant 0 : i32
          %dma_start3A_319 = tpu.memref_slice %arg11[%dma_start3A_316, %dma_start3A_317, %dma_start3A_318] : memref<5x100x64xf32, #tpu.memory_space<vmem>> -> memref<1x100x64xf32, #tpu.memory_space<vmem>>
          %dma_start3A_320 = tpu.memref_squeeze %dma_start3A_319 : memref<1x100x64xf32, #tpu.memory_space<vmem>> -> memref<100x64xf32, #tpu.memory_space<vmem>>
          %dma_start3A_321 = arith.constant 0 : i32
          %dma_start3A_322 = tpu.memref_slice %arg9[%add3A_305, %dma_start3A_321] : memref<200x100xi32, #tpu.memory_space<vmem>> -> memref<1x100xi32, #tpu.memory_space<vmem>>
          %dma_start3A_323 = tpu.memref_squeeze %dma_start3A_322 : memref<1x100xi32, #tpu.memory_space<vmem>> -> memref<100xi32, #tpu.memory_space<vmem>>
          %dma_start3A_324 = arith.constant 0 : i32
          %dma_start3A_325 = arith.constant 0 : i32
          %dma_start3A_326 = tpu.memref_slice %arg2[%dma_start3A_324, %dma_start3A_325] : memref<10000x64xf32, #tpu.memory_space<hbm>> -> memref<10000x64xf32, #tpu.memory_space<hbm>>
          tpu.enqueue_indirect_dma source(%dma_start3A_326 : memref<10000x64xf32, #tpu.memory_space<hbm>>) target(%dma_start3A_320 : memref<100x64xf32, #tpu.memory_space<vmem>>) offsets(%dma_start3A_323 : memref<100xi32, #tpu.memory_space<vmem>>) semaphore(%arg16 : memref<!tpu.dma_semaphore, #tpu.memory_space<semaphore_mem>>)
        } else {
        }
        %eq3A_311 = arith.constant 1 : i32
        %eq3A_312 = arith.cmpi eq, %arg0, %eq3A_311 : i32
        %convert_element_type3A_313 = arith.extui %eq3A_312 : i1 to i32
        %cond3A_314 = arith.constant 0 : i32
        %cond3A_315 = arith.cmpi ne, %convert_element_type3A_313, %cond3A_314 : i32
        scf.if %cond3A_315 {
          %dma_start3A_316 = arith.constant 4 : i32
          %dma_start3A_317 = arith.constant 0 : i32
          %dma_start3A_318 = arith.constant 0 : i32
          %dma_start3A_319 = tpu.memref_slice %arg11[%dma_start3A_316, %dma_start3A_317, %dma_start3A_318] : memref<5x100x64xf32, #tpu.memory_space<vmem>> -> memref<1x100x64xf32, #tpu.memory_space<vmem>>
          %dma_start3A_320 = tpu.memref_squeeze %dma_start3A_319 : memref<1x100x64xf32, #tpu.memory_space<vmem>> -> memref<100x64xf32, #tpu.memory_space<vmem>>
          %dma_start3A_321 = arith.constant 0 : i32
          %dma_start3A_322 = tpu.memref_slice %arg9[%add3A_305, %dma_start3A_321] : memref<200x100xi32, #tpu.memory_space<vmem>> -> memref<1x100xi32, #tpu.memory_space<vmem>>
          %dma_start3A_323 = tpu.memref_squeeze %dma_start3A_322 : memref<1x100xi32, #tpu.memory_space<vmem>> -> memref<100xi32, #tpu.memory_space<vmem>>
          %dma_start3A_324 = arith.constant 0 : i32
          %dma_start3A_325 = arith.constant 0 : i32
          %dma_start3A_326 = tpu.memref_slice %arg3[%dma_start3A_324, %dma_start3A_325] : memref<10000x64xf32, #tpu.memory_space<hbm>> -> memref<10000x64xf32, #tpu.memory_space<hbm>>
          tpu.enqueue_indirect_dma source(%dma_start3A_326 : memref<10000x64xf32, #tpu.memory_space<hbm>>) target(%dma_start3A_320 : memref<100x64xf32, #tpu.memory_space<vmem>>) offsets(%dma_start3A_323 : memref<100xi32, #tpu.memory_space<vmem>>) semaphore(%arg16 : memref<!tpu.dma_semaphore, #tpu.memory_space<semaphore_mem>>)
        } else {
        }
      } else {
      }
      %dma_wait3A_163 = arith.constant 1 : i32
      %dma_wait3A_164 = arith.constant 0 : i32
      %dma_wait3A_165 = arith.constant 0 : i32
      %dma_wait3A_166 = tpu.memref_slice %arg11[%dma_wait3A_163, %dma_wait3A_164, %dma_wait3A_165] : memref<5x100x64xf32, #tpu.memory_space<vmem>> -> memref<1x100x64xf32, #tpu.memory_space<vmem>>
      %dma_wait3A_167 = tpu.memref_squeeze %dma_wait3A_166 : memref<1x100x64xf32, #tpu.memory_space<vmem>> -> memref<100x64xf32, #tpu.memory_space<vmem>>
      %dma_wait3A_168 = arith.constant 0 : i32
      %dma_wait3A_169 = arith.constant 0 : i32
      %dma_wait3A_170 = tpu.memref_slice %arg6[%dma_wait3A_168, %dma_wait3A_169] : memref<10240x64xf32, #tpu.memory_space<hbm>> -> memref<100x64xf32, #tpu.memory_space<hbm>>
      %dma_wait3A_171 = arith.constant 0 : i32
      %dma_wait3A_172 = arith.constant 0 : i32
      %dma_wait3A_173 = tpu.memref_slice %arg11[%dma_wait3A_163, %dma_wait3A_171, %dma_wait3A_172] : memref<5x100x64xf32, #tpu.memory_space<vmem>> -> memref<1x100x64xf32, #tpu.memory_space<vmem>>
      %dma_wait3A_174 = tpu.memref_squeeze %dma_wait3A_173 : memref<1x100x64xf32, #tpu.memory_space<vmem>> -> memref<100x64xf32, #tpu.memory_space<vmem>>
      %dma_wait3A_175 = arith.constant 0 : i32
      %dma_wait3A_176 = arith.constant 0 : i32
      %dma_wait3A_177 = tpu.memref_slice %arg6[%dma_wait3A_175, %dma_wait3A_176] : memref<10240x64xf32, #tpu.memory_space<hbm>> -> memref<100x64xf32, #tpu.memory_space<hbm>>
      tpu.wait_dma2 semaphore(%arg13 : memref<!tpu.dma_semaphore, #tpu.memory_space<semaphore_mem>>) src(%dma_wait3A_177 : memref<100x64xf32, #tpu.memory_space<hbm>>) dst(%dma_wait3A_174 : memref<100x64xf32, #tpu.memory_space<vmem>>)
      %dma_start3A_178 = arith.constant 1 : i32
      %dma_start3A_179 = arith.constant 0 : i32
      %dma_start3A_180 = arith.constant 0 : i32
      %dma_start3A_181 = tpu.memref_slice %arg11[%dma_start3A_178, %dma_start3A_179, %dma_start3A_180] : memref<5x100x64xf32, #tpu.memory_space<vmem>> -> memref<1x100x64xf32, #tpu.memory_space<vmem>>
      %dma_start3A_182 = tpu.memref_squeeze %dma_start3A_181 : memref<1x100x64xf32, #tpu.memory_space<vmem>> -> memref<100x64xf32, #tpu.memory_space<vmem>>
      %dma_start3A_183 = arith.constant 0 : i32
      %dma_start3A_184 = tpu.memref_slice %arg10[%add3A_155, %dma_start3A_183] : memref<200x100xi32, #tpu.memory_space<vmem>> -> memref<1x100xi32, #tpu.memory_space<vmem>>
      %dma_start3A_185 = tpu.memref_squeeze %dma_start3A_184 : memref<1x100xi32, #tpu.memory_space<vmem>> -> memref<100xi32, #tpu.memory_space<vmem>>
      %dma_start3A_186 = arith.constant 0 : i32
      %dma_start3A_187 = arith.constant 0 : i32
      %dma_start3A_188 = tpu.memref_slice %arg8[%dma_start3A_186, %dma_start3A_187] : memref<10240x64xf32, #tpu.memory_space<vmem_shared>> -> memref<10240x64xf32, #tpu.memory_space<vmem_shared>>
      tpu.enqueue_indirect_dma source(%dma_start3A_182 : memref<100x64xf32, #tpu.memory_space<vmem>>) target(%dma_start3A_188 : memref<10240x64xf32, #tpu.memory_space<vmem_shared>>) offsets(%dma_start3A_185 : memref<100xi32, #tpu.memory_space<vmem>>) semaphore(%arg18 : memref<!tpu.dma_semaphore, #tpu.memory_space<semaphore_mem>>) {add = true}
      %mul3A_189 = arith.constant 5 : i32
      %mul3A_190 = arith.muli %scan3A_116, %mul3A_189 : i32
      %add3A_191 = arith.constant 2 : i32
      %add3A_192 = arith.addi %mul3A_190, %add3A_191 : i32
      %add3A_193 = arith.constant 3 : i32
      %add3A_194 = arith.addi %add3A_192, %add3A_193 : i32
      %lt3A_195 = arith.constant 200 : i32
      %lt3A_196 = arith.cmpi slt, %add3A_194, %lt3A_195 : i32
      %convert_element_type3A_197 = arith.extui %lt3A_196 : i1 to i32
      %cond3A_198 = arith.constant 0 : i32
      %cond3A_199 = arith.cmpi ne, %convert_element_type3A_197, %cond3A_198 : i32
      scf.if %cond3A_199 {
        %ge3A = arith.constant 2 : i32
        %ge3A_300 = arith.cmpi sge, %add3A_192, %ge3A : i32
        %convert_element_type3A_301 = arith.extui %ge3A_300 : i1 to i32
        %cond3A_302 = arith.constant 0 : i32
        %cond3A_303 = arith.cmpi ne, %convert_element_type3A_301, %cond3A_302 : i32
        scf.if %cond3A_303 {
          %dma_wait3A_316 = arith.constant 0 : i32
          %dma_wait3A_317 = arith.constant 0 : i32
          %dma_wait3A_318 = arith.constant 0 : i32
          %dma_wait3A_319 = tpu.memref_slice %arg11[%dma_wait3A_316, %dma_wait3A_317, %dma_wait3A_318] : memref<5x100x64xf32, #tpu.memory_space<vmem>> -> memref<1x100x64xf32, #tpu.memory_space<vmem>>
          %dma_wait3A_320 = tpu.memref_squeeze %dma_wait3A_319 : memref<1x100x64xf32, #tpu.memory_space<vmem>> -> memref<100x64xf32, #tpu.memory_space<vmem>>
          %dma_wait3A_321 = arith.constant 0 : i32
          %dma_wait3A_322 = arith.constant 0 : i32
          %dma_wait3A_323 = tpu.memref_slice %arg6[%dma_wait3A_321, %dma_wait3A_322] : memref<10240x64xf32, #tpu.memory_space<hbm>> -> memref<100x64xf32, #tpu.memory_space<hbm>>
          %dma_wait3A_324 = arith.constant 0 : i32
          %dma_wait3A_325 = arith.constant 0 : i32
          %dma_wait3A_326 = tpu.memref_slice %arg11[%dma_wait3A_316, %dma_wait3A_324, %dma_wait3A_325] : memref<5x100x64xf32, #tpu.memory_space<vmem>> -> memref<1x100x64xf32, #tpu.memory_space<vmem>>
          %dma_wait3A_327 = tpu.memref_squeeze %dma_wait3A_326 : memref<1x100x64xf32, #tpu.memory_space<vmem>> -> memref<100x64xf32, #tpu.memory_space<vmem>>
          %dma_wait3A_328 = arith.constant 0 : i32
          %dma_wait3A_329 = arith.constant 0 : i32
          %dma_wait3A_330 = tpu.memref_slice %arg6[%dma_wait3A_328, %dma_wait3A_329] : memref<10240x64xf32, #tpu.memory_space<hbm>> -> memref<100x64xf32, #tpu.memory_space<hbm>>
          tpu.wait_dma2 semaphore(%arg17 : memref<!tpu.dma_semaphore, #tpu.memory_space<semaphore_mem>>) src(%dma_wait3A_330 : memref<100x64xf32, #tpu.memory_space<hbm>>) dst(%dma_wait3A_327 : memref<100x64xf32, #tpu.memory_space<vmem>>)
        } else {
        }
        %add3A_304 = arith.constant 3 : i32
        %add3A_305 = arith.addi %add3A_192, %add3A_304 : i32
        %eq3A_306 = arith.constant 0 : i32
        %eq3A_307 = arith.cmpi eq, %arg0, %eq3A_306 : i32
        %convert_element_type3A_308 = arith.extui %eq3A_307 : i1 to i32
        %cond3A_309 = arith.constant 0 : i32
        %cond3A_310 = arith.cmpi ne, %convert_element_type3A_308, %cond3A_309 : i32
        scf.if %cond3A_310 {
          %dma_start3A_316 = arith.constant 0 : i32
          %dma_start3A_317 = arith.constant 0 : i32
          %dma_start3A_318 = arith.constant 0 : i32
          %dma_start3A_319 = tpu.memref_slice %arg11[%dma_start3A_316, %dma_start3A_317, %dma_start3A_318] : memref<5x100x64xf32, #tpu.memory_space<vmem>> -> memref<1x100x64xf32, #tpu.memory_space<vmem>>
          %dma_start3A_320 = tpu.memref_squeeze %dma_start3A_319 : memref<1x100x64xf32, #tpu.memory_space<vmem>> -> memref<100x64xf32, #tpu.memory_space<vmem>>
          %dma_start3A_321 = arith.constant 0 : i32
          %dma_start3A_322 = tpu.memref_slice %arg9[%add3A_305, %dma_start3A_321] : memref<200x100xi32, #tpu.memory_space<vmem>> -> memref<1x100xi32, #tpu.memory_space<vmem>>
          %dma_start3A_323 = tpu.memref_squeeze %dma_start3A_322 : memref<1x100xi32, #tpu.memory_space<vmem>> -> memref<100xi32, #tpu.memory_space<vmem>>
          %dma_start3A_324 = arith.constant 0 : i32
          %dma_start3A_325 = arith.constant 0 : i32
          %dma_start3A_326 = tpu.memref_slice %arg2[%dma_start3A_324, %dma_start3A_325] : memref<10000x64xf32, #tpu.memory_space<hbm>> -> memref<10000x64xf32, #tpu.memory_space<hbm>>
          tpu.enqueue_indirect_dma source(%dma_start3A_326 : memref<10000x64xf32, #tpu.memory_space<hbm>>) target(%dma_start3A_320 : memref<100x64xf32, #tpu.memory_space<vmem>>) offsets(%dma_start3A_323 : memref<100xi32, #tpu.memory_space<vmem>>) semaphore(%arg12 : memref<!tpu.dma_semaphore, #tpu.memory_space<semaphore_mem>>)
        } else {
        }
        %eq3A_311 = arith.constant 1 : i32
        %eq3A_312 = arith.cmpi eq, %arg0, %eq3A_311 : i32
        %convert_element_type3A_313 = arith.extui %eq3A_312 : i1 to i32
        %cond3A_314 = arith.constant 0 : i32
        %cond3A_315 = arith.cmpi ne, %convert_element_type3A_313, %cond3A_314 : i32
        scf.if %cond3A_315 {
          %dma_start3A_316 = arith.constant 0 : i32
          %dma_start3A_317 = arith.constant 0 : i32
          %dma_start3A_318 = arith.constant 0 : i32
          %dma_start3A_319 = tpu.memref_slice %arg11[%dma_start3A_316, %dma_start3A_317, %dma_start3A_318] : memref<5x100x64xf32, #tpu.memory_space<vmem>> -> memref<1x100x64xf32, #tpu.memory_space<vmem>>
          %dma_start3A_320 = tpu.memref_squeeze %dma_start3A_319 : memref<1x100x64xf32, #tpu.memory_space<vmem>> -> memref<100x64xf32, #tpu.memory_space<vmem>>
          %dma_start3A_321 = arith.constant 0 : i32
          %dma_start3A_322 = tpu.memref_slice %arg9[%add3A_305, %dma_start3A_321] : memref<200x100xi32, #tpu.memory_space<vmem>> -> memref<1x100xi32, #tpu.memory_space<vmem>>
          %dma_start3A_323 = tpu.memref_squeeze %dma_start3A_322 : memref<1x100xi32, #tpu.memory_space<vmem>> -> memref<100xi32, #tpu.memory_space<vmem>>
          %dma_start3A_324 = arith.constant 0 : i32
          %dma_start3A_325 = arith.constant 0 : i32
          %dma_start3A_326 = tpu.memref_slice %arg3[%dma_start3A_324, %dma_start3A_325] : memref<10000x64xf32, #tpu.memory_space<hbm>> -> memref<10000x64xf32, #tpu.memory_space<hbm>>
          tpu.enqueue_indirect_dma source(%dma_start3A_326 : memref<10000x64xf32, #tpu.memory_space<hbm>>) target(%dma_start3A_320 : memref<100x64xf32, #tpu.memory_space<vmem>>) offsets(%dma_start3A_323 : memref<100xi32, #tpu.memory_space<vmem>>) semaphore(%arg12 : memref<!tpu.dma_semaphore, #tpu.memory_space<semaphore_mem>>)
        } else {
        }
      } else {
      }
      %dma_wait3A_200 = arith.constant 2 : i32
      %dma_wait3A_201 = arith.constant 0 : i32
      %dma_wait3A_202 = arith.constant 0 : i32
      %dma_wait3A_203 = tpu.memref_slice %arg11[%dma_wait3A_200, %dma_wait3A_201, %dma_wait3A_202] : memref<5x100x64xf32, #tpu.memory_space<vmem>> -> memref<1x100x64xf32, #tpu.memory_space<vmem>>
      %dma_wait3A_204 = tpu.memref_squeeze %dma_wait3A_203 : memref<1x100x64xf32, #tpu.memory_space<vmem>> -> memref<100x64xf32, #tpu.memory_space<vmem>>
      %dma_wait3A_205 = arith.constant 0 : i32
      %dma_wait3A_206 = arith.constant 0 : i32
      %dma_wait3A_207 = tpu.memref_slice %arg6[%dma_wait3A_205, %dma_wait3A_206] : memref<10240x64xf32, #tpu.memory_space<hbm>> -> memref<100x64xf32, #tpu.memory_space<hbm>>
      %dma_wait3A_208 = arith.constant 0 : i32
      %dma_wait3A_209 = arith.constant 0 : i32
      %dma_wait3A_210 = tpu.memref_slice %arg11[%dma_wait3A_200, %dma_wait3A_208, %dma_wait3A_209] : memref<5x100x64xf32, #tpu.memory_space<vmem>> -> memref<1x100x64xf32, #tpu.memory_space<vmem>>
      %dma_wait3A_211 = tpu.memref_squeeze %dma_wait3A_210 : memref<1x100x64xf32, #tpu.memory_space<vmem>> -> memref<100x64xf32, #tpu.memory_space<vmem>>
      %dma_wait3A_212 = arith.constant 0 : i32
      %dma_wait3A_213 = arith.constant 0 : i32
      %dma_wait3A_214 = tpu.memref_slice %arg6[%dma_wait3A_212, %dma_wait3A_213] : memref<10240x64xf32, #tpu.memory_space<hbm>> -> memref<100x64xf32, #tpu.memory_space<hbm>>
      tpu.wait_dma2 semaphore(%arg14 : memref<!tpu.dma_semaphore, #tpu.memory_space<semaphore_mem>>) src(%dma_wait3A_214 : memref<100x64xf32, #tpu.memory_space<hbm>>) dst(%dma_wait3A_211 : memref<100x64xf32, #tpu.memory_space<vmem>>)
      %dma_start3A_215 = arith.constant 2 : i32
      %dma_start3A_216 = arith.constant 0 : i32
      %dma_start3A_217 = arith.constant 0 : i32
      %dma_start3A_218 = tpu.memref_slice %arg11[%dma_start3A_215, %dma_start3A_216, %dma_start3A_217] : memref<5x100x64xf32, #tpu.memory_space<vmem>> -> memref<1x100x64xf32, #tpu.memory_space<vmem>>
      %dma_start3A_219 = tpu.memref_squeeze %dma_start3A_218 : memref<1x100x64xf32, #tpu.memory_space<vmem>> -> memref<100x64xf32, #tpu.memory_space<vmem>>
      %dma_start3A_220 = arith.constant 0 : i32
      %dma_start3A_221 = tpu.memref_slice %arg10[%add3A_192, %dma_start3A_220] : memref<200x100xi32, #tpu.memory_space<vmem>> -> memref<1x100xi32, #tpu.memory_space<vmem>>
      %dma_start3A_222 = tpu.memref_squeeze %dma_start3A_221 : memref<1x100xi32, #tpu.memory_space<vmem>> -> memref<100xi32, #tpu.memory_space<vmem>>
      %dma_start3A_223 = arith.constant 0 : i32
      %dma_start3A_224 = arith.constant 0 : i32
      %dma_start3A_225 = tpu.memref_slice %arg8[%dma_start3A_223, %dma_start3A_224] : memref<10240x64xf32, #tpu.memory_space<vmem_shared>> -> memref<10240x64xf32, #tpu.memory_space<vmem_shared>>
      tpu.enqueue_indirect_dma source(%dma_start3A_219 : memref<100x64xf32, #tpu.memory_space<vmem>>) target(%dma_start3A_225 : memref<10240x64xf32, #tpu.memory_space<vmem_shared>>) offsets(%dma_start3A_222 : memref<100xi32, #tpu.memory_space<vmem>>) semaphore(%arg19 : memref<!tpu.dma_semaphore, #tpu.memory_space<semaphore_mem>>) {add = true}
      %mul3A_226 = arith.constant 5 : i32
      %mul3A_227 = arith.muli %scan3A_116, %mul3A_226 : i32
      %add3A_228 = arith.constant 3 : i32
      %add3A_229 = arith.addi %mul3A_227, %add3A_228 : i32
      %add3A_230 = arith.constant 3 : i32
      %add3A_231 = arith.addi %add3A_229, %add3A_230 : i32
      %lt3A_232 = arith.constant 200 : i32
      %lt3A_233 = arith.cmpi slt, %add3A_231, %lt3A_232 : i32
      %convert_element_type3A_234 = arith.extui %lt3A_233 : i1 to i32
      %cond3A_235 = arith.constant 0 : i32
      %cond3A_236 = arith.cmpi ne, %convert_element_type3A_234, %cond3A_235 : i32
      scf.if %cond3A_236 {
        %ge3A = arith.constant 2 : i32
        %ge3A_300 = arith.cmpi sge, %add3A_229, %ge3A : i32
        %convert_element_type3A_301 = arith.extui %ge3A_300 : i1 to i32
        %cond3A_302 = arith.constant 0 : i32
        %cond3A_303 = arith.cmpi ne, %convert_element_type3A_301, %cond3A_302 : i32
        scf.if %cond3A_303 {
          %dma_wait3A_316 = arith.constant 1 : i32
          %dma_wait3A_317 = arith.constant 0 : i32
          %dma_wait3A_318 = arith.constant 0 : i32
          %dma_wait3A_319 = tpu.memref_slice %arg11[%dma_wait3A_316, %dma_wait3A_317, %dma_wait3A_318] : memref<5x100x64xf32, #tpu.memory_space<vmem>> -> memref<1x100x64xf32, #tpu.memory_space<vmem>>
          %dma_wait3A_320 = tpu.memref_squeeze %dma_wait3A_319 : memref<1x100x64xf32, #tpu.memory_space<vmem>> -> memref<100x64xf32, #tpu.memory_space<vmem>>
          %dma_wait3A_321 = arith.constant 0 : i32
          %dma_wait3A_322 = arith.constant 0 : i32
          %dma_wait3A_323 = tpu.memref_slice %arg6[%dma_wait3A_321, %dma_wait3A_322] : memref<10240x64xf32, #tpu.memory_space<hbm>> -> memref<100x64xf32, #tpu.memory_space<hbm>>
          %dma_wait3A_324 = arith.constant 0 : i32
          %dma_wait3A_325 = arith.constant 0 : i32
          %dma_wait3A_326 = tpu.memref_slice %arg11[%dma_wait3A_316, %dma_wait3A_324, %dma_wait3A_325] : memref<5x100x64xf32, #tpu.memory_space<vmem>> -> memref<1x100x64xf32, #tpu.memory_space<vmem>>
          %dma_wait3A_327 = tpu.memref_squeeze %dma_wait3A_326 : memref<1x100x64xf32, #tpu.memory_space<vmem>> -> memref<100x64xf32, #tpu.memory_space<vmem>>
          %dma_wait3A_328 = arith.constant 0 : i32
          %dma_wait3A_329 = arith.constant 0 : i32
          %dma_wait3A_330 = tpu.memref_slice %arg6[%dma_wait3A_328, %dma_wait3A_329] : memref<10240x64xf32, #tpu.memory_space<hbm>> -> memref<100x64xf32, #tpu.memory_space<hbm>>
          tpu.wait_dma2 semaphore(%arg18 : memref<!tpu.dma_semaphore, #tpu.memory_space<semaphore_mem>>) src(%dma_wait3A_330 : memref<100x64xf32, #tpu.memory_space<hbm>>) dst(%dma_wait3A_327 : memref<100x64xf32, #tpu.memory_space<vmem>>)
        } else {
        }
        %add3A_304 = arith.constant 3 : i32
        %add3A_305 = arith.addi %add3A_229, %add3A_304 : i32
        %eq3A_306 = arith.constant 0 : i32
        %eq3A_307 = arith.cmpi eq, %arg0, %eq3A_306 : i32
        %convert_element_type3A_308 = arith.extui %eq3A_307 : i1 to i32
        %cond3A_309 = arith.constant 0 : i32
        %cond3A_310 = arith.cmpi ne, %convert_element_type3A_308, %cond3A_309 : i32
        scf.if %cond3A_310 {
          %dma_start3A_316 = arith.constant 1 : i32
          %dma_start3A_317 = arith.constant 0 : i32
          %dma_start3A_318 = arith.constant 0 : i32
          %dma_start3A_319 = tpu.memref_slice %arg11[%dma_start3A_316, %dma_start3A_317, %dma_start3A_318] : memref<5x100x64xf32, #tpu.memory_space<vmem>> -> memref<1x100x64xf32, #tpu.memory_space<vmem>>
          %dma_start3A_320 = tpu.memref_squeeze %dma_start3A_319 : memref<1x100x64xf32, #tpu.memory_space<vmem>> -> memref<100x64xf32, #tpu.memory_space<vmem>>
          %dma_start3A_321 = arith.constant 0 : i32
          %dma_start3A_322 = tpu.memref_slice %arg9[%add3A_305, %dma_start3A_321] : memref<200x100xi32, #tpu.memory_space<vmem>> -> memref<1x100xi32, #tpu.memory_space<vmem>>
          %dma_start3A_323 = tpu.memref_squeeze %dma_start3A_322 : memref<1x100xi32, #tpu.memory_space<vmem>> -> memref<100xi32, #tpu.memory_space<vmem>>
          %dma_start3A_324 = arith.constant 0 : i32
          %dma_start3A_325 = arith.constant 0 : i32
          %dma_start3A_326 = tpu.memref_slice %arg2[%dma_start3A_324, %dma_start3A_325] : memref<10000x64xf32, #tpu.memory_space<hbm>> -> memref<10000x64xf32, #tpu.memory_space<hbm>>
          tpu.enqueue_indirect_dma source(%dma_start3A_326 : memref<10000x64xf32, #tpu.memory_space<hbm>>) target(%dma_start3A_320 : memref<100x64xf32, #tpu.memory_space<vmem>>) offsets(%dma_start3A_323 : memref<100xi32, #tpu.memory_space<vmem>>) semaphore(%arg13 : memref<!tpu.dma_semaphore, #tpu.memory_space<semaphore_mem>>)
        } else {
        }
        %eq3A_311 = arith.constant 1 : i32
        %eq3A_312 = arith.cmpi eq, %arg0, %eq3A_311 : i32
        %convert_element_type3A_313 = arith.extui %eq3A_312 : i1 to i32
        %cond3A_314 = arith.constant 0 : i32
        %cond3A_315 = arith.cmpi ne, %convert_element_type3A_313, %cond3A_314 : i32
        scf.if %cond3A_315 {
          %dma_start3A_316 = arith.constant 1 : i32
          %dma_start3A_317 = arith.constant 0 : i32
          %dma_start3A_318 = arith.constant 0 : i32
          %dma_start3A_319 = tpu.memref_slice %arg11[%dma_start3A_316, %dma_start3A_317, %dma_start3A_318] : memref<5x100x64xf32, #tpu.memory_space<vmem>> -> memref<1x100x64xf32, #tpu.memory_space<vmem>>
          %dma_start3A_320 = tpu.memref_squeeze %dma_start3A_319 : memref<1x100x64xf32, #tpu.memory_space<vmem>> -> memref<100x64xf32, #tpu.memory_space<vmem>>
          %dma_start3A_321 = arith.constant 0 : i32
          %dma_start3A_322 = tpu.memref_slice %arg9[%add3A_305, %dma_start3A_321] : memref<200x100xi32, #tpu.memory_space<vmem>> -> memref<1x100xi32, #tpu.memory_space<vmem>>
          %dma_start3A_323 = tpu.memref_squeeze %dma_start3A_322 : memref<1x100xi32, #tpu.memory_space<vmem>> -> memref<100xi32, #tpu.memory_space<vmem>>
          %dma_start3A_324 = arith.constant 0 : i32
          %dma_start3A_325 = arith.constant 0 : i32
          %dma_start3A_326 = tpu.memref_slice %arg3[%dma_start3A_324, %dma_start3A_325] : memref<10000x64xf32, #tpu.memory_space<hbm>> -> memref<10000x64xf32, #tpu.memory_space<hbm>>
          tpu.enqueue_indirect_dma source(%dma_start3A_326 : memref<10000x64xf32, #tpu.memory_space<hbm>>) target(%dma_start3A_320 : memref<100x64xf32, #tpu.memory_space<vmem>>) offsets(%dma_start3A_323 : memref<100xi32, #tpu.memory_space<vmem>>) semaphore(%arg13 : memref<!tpu.dma_semaphore, #tpu.memory_space<semaphore_mem>>)
        } else {
        }
      } else {
      }
      %dma_wait3A_237 = arith.constant 3 : i32
      %dma_wait3A_238 = arith.constant 0 : i32
      %dma_wait3A_239 = arith.constant 0 : i32
      %dma_wait3A_240 = tpu.memref_slice %arg11[%dma_wait3A_237, %dma_wait3A_238, %dma_wait3A_239] : memref<5x100x64xf32, #tpu.memory_space<vmem>> -> memref<1x100x64xf32, #tpu.memory_space<vmem>>
      %dma_wait3A_241 = tpu.memref_squeeze %dma_wait3A_240 : memref<1x100x64xf32, #tpu.memory_space<vmem>> -> memref<100x64xf32, #tpu.memory_space<vmem>>
      %dma_wait3A_242 = arith.constant 0 : i32
      %dma_wait3A_243 = arith.constant 0 : i32
      %dma_wait3A_244 = tpu.memref_slice %arg6[%dma_wait3A_242, %dma_wait3A_243] : memref<10240x64xf32, #tpu.memory_space<hbm>> -> memref<100x64xf32, #tpu.memory_space<hbm>>
      %dma_wait3A_245 = arith.constant 0 : i32
      %dma_wait3A_246 = arith.constant 0 : i32
      %dma_wait3A_247 = tpu.memref_slice %arg11[%dma_wait3A_237, %dma_wait3A_245, %dma_wait3A_246] : memref<5x100x64xf32, #tpu.memory_space<vmem>> -> memref<1x100x64xf32, #tpu.memory_space<vmem>>
      %dma_wait3A_248 = tpu.memref_squeeze %dma_wait3A_247 : memref<1x100x64xf32, #tpu.memory_space<vmem>> -> memref<100x64xf32, #tpu.memory_space<vmem>>
      %dma_wait3A_249 = arith.constant 0 : i32
      %dma_wait3A_250 = arith.constant 0 : i32
      %dma_wait3A_251 = tpu.memref_slice %arg6[%dma_wait3A_249, %dma_wait3A_250] : memref<10240x64xf32, #tpu.memory_space<hbm>> -> memref<100x64xf32, #tpu.memory_space<hbm>>
      tpu.wait_dma2 semaphore(%arg15 : memref<!tpu.dma_semaphore, #tpu.memory_space<semaphore_mem>>) src(%dma_wait3A_251 : memref<100x64xf32, #tpu.memory_space<hbm>>) dst(%dma_wait3A_248 : memref<100x64xf32, #tpu.memory_space<vmem>>)
      %dma_start3A_252 = arith.constant 3 : i32
      %dma_start3A_253 = arith.constant 0 : i32
      %dma_start3A_254 = arith.constant 0 : i32
      %dma_start3A_255 = tpu.memref_slice %arg11[%dma_start3A_252, %dma_start3A_253, %dma_start3A_254] : memref<5x100x64xf32, #tpu.memory_space<vmem>> -> memref<1x100x64xf32, #tpu.memory_space<vmem>>
      %dma_start3A_256 = tpu.memref_squeeze %dma_start3A_255 : memref<1x100x64xf32, #tpu.memory_space<vmem>> -> memref<100x64xf32, #tpu.memory_space<vmem>>
      %dma_start3A_257 = arith.constant 0 : i32
      %dma_start3A_258 = tpu.memref_slice %arg10[%add3A_229, %dma_start3A_257] : memref<200x100xi32, #tpu.memory_space<vmem>> -> memref<1x100xi32, #tpu.memory_space<vmem>>
      %dma_start3A_259 = tpu.memref_squeeze %dma_start3A_258 : memref<1x100xi32, #tpu.memory_space<vmem>> -> memref<100xi32, #tpu.memory_space<vmem>>
      %dma_start3A_260 = arith.constant 0 : i32
      %dma_start3A_261 = arith.constant 0 : i32
      %dma_start3A_262 = tpu.memref_slice %arg8[%dma_start3A_260, %dma_start3A_261] : memref<10240x64xf32, #tpu.memory_space<vmem_shared>> -> memref<10240x64xf32, #tpu.memory_space<vmem_shared>>
      tpu.enqueue_indirect_dma source(%dma_start3A_256 : memref<100x64xf32, #tpu.memory_space<vmem>>) target(%dma_start3A_262 : memref<10240x64xf32, #tpu.memory_space<vmem_shared>>) offsets(%dma_start3A_259 : memref<100xi32, #tpu.memory_space<vmem>>) semaphore(%arg20 : memref<!tpu.dma_semaphore, #tpu.memory_space<semaphore_mem>>) {add = true}
      %mul3A_263 = arith.constant 5 : i32
      %mul3A_264 = arith.muli %scan3A_116, %mul3A_263 : i32
      %add3A_265 = arith.constant 4 : i32
      %add3A_266 = arith.addi %mul3A_264, %add3A_265 : i32
      %add3A_267 = arith.constant 3 : i32
      %add3A_268 = arith.addi %add3A_266, %add3A_267 : i32
      %lt3A_269 = arith.constant 200 : i32
      %lt3A_270 = arith.cmpi slt, %add3A_268, %lt3A_269 : i32
      %convert_element_type3A_271 = arith.extui %lt3A_270 : i1 to i32
      %cond3A_272 = arith.constant 0 : i32
      %cond3A_273 = arith.cmpi ne, %convert_element_type3A_271, %cond3A_272 : i32
      scf.if %cond3A_273 {
        %ge3A = arith.constant 2 : i32
        %ge3A_300 = arith.cmpi sge, %add3A_266, %ge3A : i32
        %convert_element_type3A_301 = arith.extui %ge3A_300 : i1 to i32
        %cond3A_302 = arith.constant 0 : i32
        %cond3A_303 = arith.cmpi ne, %convert_element_type3A_301, %cond3A_302 : i32
        scf.if %cond3A_303 {
          %dma_wait3A_316 = arith.constant 2 : i32
          %dma_wait3A_317 = arith.constant 0 : i32
          %dma_wait3A_318 = arith.constant 0 : i32
          %dma_wait3A_319 = tpu.memref_slice %arg11[%dma_wait3A_316, %dma_wait3A_317, %dma_wait3A_318] : memref<5x100x64xf32, #tpu.memory_space<vmem>> -> memref<1x100x64xf32, #tpu.memory_space<vmem>>
          %dma_wait3A_320 = tpu.memref_squeeze %dma_wait3A_319 : memref<1x100x64xf32, #tpu.memory_space<vmem>> -> memref<100x64xf32, #tpu.memory_space<vmem>>
          %dma_wait3A_321 = arith.constant 0 : i32
          %dma_wait3A_322 = arith.constant 0 : i32
          %dma_wait3A_323 = tpu.memref_slice %arg6[%dma_wait3A_321, %dma_wait3A_322] : memref<10240x64xf32, #tpu.memory_space<hbm>> -> memref<100x64xf32, #tpu.memory_space<hbm>>
          %dma_wait3A_324 = arith.constant 0 : i32
          %dma_wait3A_325 = arith.constant 0 : i32
          %dma_wait3A_326 = tpu.memref_slice %arg11[%dma_wait3A_316, %dma_wait3A_324, %dma_wait3A_325] : memref<5x100x64xf32, #tpu.memory_space<vmem>> -> memref<1x100x64xf32, #tpu.memory_space<vmem>>
          %dma_wait3A_327 = tpu.memref_squeeze %dma_wait3A_326 : memref<1x100x64xf32, #tpu.memory_space<vmem>> -> memref<100x64xf32, #tpu.memory_space<vmem>>
          %dma_wait3A_328 = arith.constant 0 : i32
          %dma_wait3A_329 = arith.constant 0 : i32
          %dma_wait3A_330 = tpu.memref_slice %arg6[%dma_wait3A_328, %dma_wait3A_329] : memref<10240x64xf32, #tpu.memory_space<hbm>> -> memref<100x64xf32, #tpu.memory_space<hbm>>
          tpu.wait_dma2 semaphore(%arg19 : memref<!tpu.dma_semaphore, #tpu.memory_space<semaphore_mem>>) src(%dma_wait3A_330 : memref<100x64xf32, #tpu.memory_space<hbm>>) dst(%dma_wait3A_327 : memref<100x64xf32, #tpu.memory_space<vmem>>)
        } else {
        }
        %add3A_304 = arith.constant 3 : i32
        %add3A_305 = arith.addi %add3A_266, %add3A_304 : i32
        %eq3A_306 = arith.constant 0 : i32
        %eq3A_307 = arith.cmpi eq, %arg0, %eq3A_306 : i32
        %convert_element_type3A_308 = arith.extui %eq3A_307 : i1 to i32
        %cond3A_309 = arith.constant 0 : i32
        %cond3A_310 = arith.cmpi ne, %convert_element_type3A_308, %cond3A_309 : i32
        scf.if %cond3A_310 {
          %dma_start3A_316 = arith.constant 2 : i32
          %dma_start3A_317 = arith.constant 0 : i32
          %dma_start3A_318 = arith.constant 0 : i32
          %dma_start3A_319 = tpu.memref_slice %arg11[%dma_start3A_316, %dma_start3A_317, %dma_start3A_318] : memref<5x100x64xf32, #tpu.memory_space<vmem>> -> memref<1x100x64xf32, #tpu.memory_space<vmem>>
          %dma_start3A_320 = tpu.memref_squeeze %dma_start3A_319 : memref<1x100x64xf32, #tpu.memory_space<vmem>> -> memref<100x64xf32, #tpu.memory_space<vmem>>
          %dma_start3A_321 = arith.constant 0 : i32
          %dma_start3A_322 = tpu.memref_slice %arg9[%add3A_305, %dma_start3A_321] : memref<200x100xi32, #tpu.memory_space<vmem>> -> memref<1x100xi32, #tpu.memory_space<vmem>>
          %dma_start3A_323 = tpu.memref_squeeze %dma_start3A_322 : memref<1x100xi32, #tpu.memory_space<vmem>> -> memref<100xi32, #tpu.memory_space<vmem>>
          %dma_start3A_324 = arith.constant 0 : i32
          %dma_start3A_325 = arith.constant 0 : i32
          %dma_start3A_326 = tpu.memref_slice %arg2[%dma_start3A_324, %dma_start3A_325] : memref<10000x64xf32, #tpu.memory_space<hbm>> -> memref<10000x64xf32, #tpu.memory_space<hbm>>
          tpu.enqueue_indirect_dma source(%dma_start3A_326 : memref<10000x64xf32, #tpu.memory_space<hbm>>) target(%dma_start3A_320 : memref<100x64xf32, #tpu.memory_space<vmem>>) offsets(%dma_start3A_323 : memref<100xi32, #tpu.memory_space<vmem>>) semaphore(%arg14 : memref<!tpu.dma_semaphore, #tpu.memory_space<semaphore_mem>>)
        } else {
        }
        %eq3A_311 = arith.constant 1 : i32
        %eq3A_312 = arith.cmpi eq, %arg0, %eq3A_311 : i32
        %convert_element_type3A_313 = arith.extui %eq3A_312 : i1 to i32
        %cond3A_314 = arith.constant 0 : i32
        %cond3A_315 = arith.cmpi ne, %convert_element_type3A_313, %cond3A_314 : i32
        scf.if %cond3A_315 {
          %dma_start3A_316 = arith.constant 2 : i32
          %dma_start3A_317 = arith.constant 0 : i32
          %dma_start3A_318 = arith.constant 0 : i32
          %dma_start3A_319 = tpu.memref_slice %arg11[%dma_start3A_316, %dma_start3A_317, %dma_start3A_318] : memref<5x100x64xf32, #tpu.memory_space<vmem>> -> memref<1x100x64xf32, #tpu.memory_space<vmem>>
          %dma_start3A_320 = tpu.memref_squeeze %dma_start3A_319 : memref<1x100x64xf32, #tpu.memory_space<vmem>> -> memref<100x64xf32, #tpu.memory_space<vmem>>
          %dma_start3A_321 = arith.constant 0 : i32
          %dma_start3A_322 = tpu.memref_slice %arg9[%add3A_305, %dma_start3A_321] : memref<200x100xi32, #tpu.memory_space<vmem>> -> memref<1x100xi32, #tpu.memory_space<vmem>>
          %dma_start3A_323 = tpu.memref_squeeze %dma_start3A_322 : memref<1x100xi32, #tpu.memory_space<vmem>> -> memref<100xi32, #tpu.memory_space<vmem>>
          %dma_start3A_324 = arith.constant 0 : i32
          %dma_start3A_325 = arith.constant 0 : i32
          %dma_start3A_326 = tpu.memref_slice %arg3[%dma_start3A_324, %dma_start3A_325] : memref<10000x64xf32, #tpu.memory_space<hbm>> -> memref<10000x64xf32, #tpu.memory_space<hbm>>
          tpu.enqueue_indirect_dma source(%dma_start3A_326 : memref<10000x64xf32, #tpu.memory_space<hbm>>) target(%dma_start3A_320 : memref<100x64xf32, #tpu.memory_space<vmem>>) offsets(%dma_start3A_323 : memref<100xi32, #tpu.memory_space<vmem>>) semaphore(%arg14 : memref<!tpu.dma_semaphore, #tpu.memory_space<semaphore_mem>>)
        } else {
        }
      } else {
      }
      %dma_wait3A_274 = arith.constant 4 : i32
      %dma_wait3A_275 = arith.constant 0 : i32
      %dma_wait3A_276 = arith.constant 0 : i32
      %dma_wait3A_277 = tpu.memref_slice %arg11[%dma_wait3A_274, %dma_wait3A_275, %dma_wait3A_276] : memref<5x100x64xf32, #tpu.memory_space<vmem>> -> memref<1x100x64xf32, #tpu.memory_space<vmem>>
      %dma_wait3A_278 = tpu.memref_squeeze %dma_wait3A_277 : memref<1x100x64xf32, #tpu.memory_space<vmem>> -> memref<100x64xf32, #tpu.memory_space<vmem>>
      %dma_wait3A_279 = arith.constant 0 : i32
      %dma_wait3A_280 = arith.constant 0 : i32
      %dma_wait3A_281 = tpu.memref_slice %arg6[%dma_wait3A_279, %dma_wait3A_280] : memref<10240x64xf32, #tpu.memory_space<hbm>> -> memref<100x64xf32, #tpu.memory_space<hbm>>
      %dma_wait3A_282 = arith.constant 0 : i32
      %dma_wait3A_283 = arith.constant 0 : i32
      %dma_wait3A_284 = tpu.memref_slice %arg11[%dma_wait3A_274, %dma_wait3A_282, %dma_wait3A_283] : memref<5x100x64xf32, #tpu.memory_space<vmem>> -> memref<1x100x64xf32, #tpu.memory_space<vmem>>
      %dma_wait3A_285 = tpu.memref_squeeze %dma_wait3A_284 : memref<1x100x64xf32, #tpu.memory_space<vmem>> -> memref<100x64xf32, #tpu.memory_space<vmem>>
      %dma_wait3A_286 = arith.constant 0 : i32
      %dma_wait3A_287 = arith.constant 0 : i32
      %dma_wait3A_288 = tpu.memref_slice %arg6[%dma_wait3A_286, %dma_wait3A_287] : memref<10240x64xf32, #tpu.memory_space<hbm>> -> memref<100x64xf32, #tpu.memory_space<hbm>>
      tpu.wait_dma2 semaphore(%arg16 : memref<!tpu.dma_semaphore, #tpu.memory_space<semaphore_mem>>) src(%dma_wait3A_288 : memref<100x64xf32, #tpu.memory_space<hbm>>) dst(%dma_wait3A_285 : memref<100x64xf32, #tpu.memory_space<vmem>>)
      %dma_start3A_289 = arith.constant 4 : i32
      %dma_start3A_290 = arith.constant 0 : i32
      %dma_start3A_291 = arith.constant 0 : i32
      %dma_start3A_292 = tpu.memref_slice %arg11[%dma_start3A_289, %dma_start3A_290, %dma_start3A_291] : memref<5x100x64xf32, #tpu.memory_space<vmem>> -> memref<1x100x64xf32, #tpu.memory_space<vmem>>
      %dma_start3A_293 = tpu.memref_squeeze %dma_start3A_292 : memref<1x100x64xf32, #tpu.memory_space<vmem>> -> memref<100x64xf32, #tpu.memory_space<vmem>>
      %dma_start3A_294 = arith.constant 0 : i32
      %dma_start3A_295 = tpu.memref_slice %arg10[%add3A_266, %dma_start3A_294] : memref<200x100xi32, #tpu.memory_space<vmem>> -> memref<1x100xi32, #tpu.memory_space<vmem>>
      %dma_start3A_296 = tpu.memref_squeeze %dma_start3A_295 : memref<1x100xi32, #tpu.memory_space<vmem>> -> memref<100xi32, #tpu.memory_space<vmem>>
      %dma_start3A_297 = arith.constant 0 : i32
      %dma_start3A_298 = arith.constant 0 : i32
      %dma_start3A_299 = tpu.memref_slice %arg8[%dma_start3A_297, %dma_start3A_298] : memref<10240x64xf32, #tpu.memory_space<vmem_shared>> -> memref<10240x64xf32, #tpu.memory_space<vmem_shared>>
      tpu.enqueue_indirect_dma source(%dma_start3A_293 : memref<100x64xf32, #tpu.memory_space<vmem>>) target(%dma_start3A_299 : memref<10240x64xf32, #tpu.memory_space<vmem_shared>>) offsets(%dma_start3A_296 : memref<100xi32, #tpu.memory_space<vmem>>) semaphore(%arg21 : memref<!tpu.dma_semaphore, #tpu.memory_space<semaphore_mem>>) {add = true}
    }
    %scan3A_34 = arith.constant 40 : i32
    %dma_wait3A = arith.constant 0 : i32
    %dma_wait3A_35 = arith.constant 0 : i32
    %dma_wait3A_36 = arith.constant 0 : i32
    %dma_wait3A_37 = tpu.memref_slice %arg11[%dma_wait3A, %dma_wait3A_35, %dma_wait3A_36] : memref<5x100x64xf32, #tpu.memory_space<vmem>> -> memref<1x100x64xf32, #tpu.memory_space<vmem>>
    %dma_wait3A_38 = tpu.memref_squeeze %dma_wait3A_37 : memref<1x100x64xf32, #tpu.memory_space<vmem>> -> memref<100x64xf32, #tpu.memory_space<vmem>>
    %dma_wait3A_39 = arith.constant 0 : i32
    %dma_wait3A_40 = arith.constant 0 : i32
    %dma_wait3A_41 = tpu.memref_slice %arg6[%dma_wait3A_39, %dma_wait3A_40] : memref<10240x64xf32, #tpu.memory_space<hbm>> -> memref<100x64xf32, #tpu.memory_space<hbm>>
    %dma_wait3A_42 = arith.constant 0 : i32
    %dma_wait3A_43 = arith.constant 0 : i32
    %dma_wait3A_44 = tpu.memref_slice %arg11[%dma_wait3A, %dma_wait3A_42, %dma_wait3A_43] : memref<5x100x64xf32, #tpu.memory_space<vmem>> -> memref<1x100x64xf32, #tpu.memory_space<vmem>>
    %dma_wait3A_45 = tpu.memref_squeeze %dma_wait3A_44 : memref<1x100x64xf32, #tpu.memory_space<vmem>> -> memref<100x64xf32, #tpu.memory_space<vmem>>
    %dma_wait3A_46 = arith.constant 0 : i32
    %dma_wait3A_47 = arith.constant 0 : i32
    %dma_wait3A_48 = tpu.memref_slice %arg6[%dma_wait3A_46, %dma_wait3A_47] : memref<10240x64xf32, #tpu.memory_space<hbm>> -> memref<100x64xf32, #tpu.memory_space<hbm>>
    tpu.wait_dma2 semaphore(%arg17 : memref<!tpu.dma_semaphore, #tpu.memory_space<semaphore_mem>>) src(%dma_wait3A_48 : memref<100x64xf32, #tpu.memory_space<hbm>>) dst(%dma_wait3A_45 : memref<100x64xf32, #tpu.memory_space<vmem>>)
    %dma_wait3A_49 = arith.constant 1 : i32
    %dma_wait3A_50 = arith.constant 0 : i32
    %dma_wait3A_51 = arith.constant 0 : i32
    %dma_wait3A_52 = tpu.memref_slice %arg11[%dma_wait3A_49, %dma_wait3A_50, %dma_wait3A_51] : memref<5x100x64xf32, #tpu.memory_space<vmem>> -> memref<1x100x64xf32, #tpu.memory_space<vmem>>
    %dma_wait3A_53 = tpu.memref_squeeze %dma_wait3A_52 : memref<1x100x64xf32, #tpu.memory_space<vmem>> -> memref<100x64xf32, #tpu.memory_space<vmem>>
    %dma_wait3A_54 = arith.constant 0 : i32
    %dma_wait3A_55 = arith.constant 0 : i32
    %dma_wait3A_56 = tpu.memref_slice %arg6[%dma_wait3A_54, %dma_wait3A_55] : memref<10240x64xf32, #tpu.memory_space<hbm>> -> memref<100x64xf32, #tpu.memory_space<hbm>>
    %dma_wait3A_57 = arith.constant 0 : i32
    %dma_wait3A_58 = arith.constant 0 : i32
    %dma_wait3A_59 = tpu.memref_slice %arg11[%dma_wait3A_49, %dma_wait3A_57, %dma_wait3A_58] : memref<5x100x64xf32, #tpu.memory_space<vmem>> -> memref<1x100x64xf32, #tpu.memory_space<vmem>>
    %dma_wait3A_60 = tpu.memref_squeeze %dma_wait3A_59 : memref<1x100x64xf32, #tpu.memory_space<vmem>> -> memref<100x64xf32, #tpu.memory_space<vmem>>
    %dma_wait3A_61 = arith.constant 0 : i32
    %dma_wait3A_62 = arith.constant 0 : i32
    %dma_wait3A_63 = tpu.memref_slice %arg6[%dma_wait3A_61, %dma_wait3A_62] : memref<10240x64xf32, #tpu.memory_space<hbm>> -> memref<100x64xf32, #tpu.memory_space<hbm>>
    tpu.wait_dma2 semaphore(%arg18 : memref<!tpu.dma_semaphore, #tpu.memory_space<semaphore_mem>>) src(%dma_wait3A_63 : memref<100x64xf32, #tpu.memory_space<hbm>>) dst(%dma_wait3A_60 : memref<100x64xf32, #tpu.memory_space<vmem>>)
    %dma_wait3A_64 = arith.constant 2 : i32
    %dma_wait3A_65 = arith.constant 0 : i32
    %dma_wait3A_66 = arith.constant 0 : i32
    %dma_wait3A_67 = tpu.memref_slice %arg11[%dma_wait3A_64, %dma_wait3A_65, %dma_wait3A_66] : memref<5x100x64xf32, #tpu.memory_space<vmem>> -> memref<1x100x64xf32, #tpu.memory_space<vmem>>
    %dma_wait3A_68 = tpu.memref_squeeze %dma_wait3A_67 : memref<1x100x64xf32, #tpu.memory_space<vmem>> -> memref<100x64xf32, #tpu.memory_space<vmem>>
    %dma_wait3A_69 = arith.constant 0 : i32
    %dma_wait3A_70 = arith.constant 0 : i32
    %dma_wait3A_71 = tpu.memref_slice %arg6[%dma_wait3A_69, %dma_wait3A_70] : memref<10240x64xf32, #tpu.memory_space<hbm>> -> memref<100x64xf32, #tpu.memory_space<hbm>>
    %dma_wait3A_72 = arith.constant 0 : i32
    %dma_wait3A_73 = arith.constant 0 : i32
    %dma_wait3A_74 = tpu.memref_slice %arg11[%dma_wait3A_64, %dma_wait3A_72, %dma_wait3A_73] : memref<5x100x64xf32, #tpu.memory_space<vmem>> -> memref<1x100x64xf32, #tpu.memory_space<vmem>>
    %dma_wait3A_75 = tpu.memref_squeeze %dma_wait3A_74 : memref<1x100x64xf32, #tpu.memory_space<vmem>> -> memref<100x64xf32, #tpu.memory_space<vmem>>
    %dma_wait3A_76 = arith.constant 0 : i32
    %dma_wait3A_77 = arith.constant 0 : i32
    %dma_wait3A_78 = tpu.memref_slice %arg6[%dma_wait3A_76, %dma_wait3A_77] : memref<10240x64xf32, #tpu.memory_space<hbm>> -> memref<100x64xf32, #tpu.memory_space<hbm>>
    tpu.wait_dma2 semaphore(%arg19 : memref<!tpu.dma_semaphore, #tpu.memory_space<semaphore_mem>>) src(%dma_wait3A_78 : memref<100x64xf32, #tpu.memory_space<hbm>>) dst(%dma_wait3A_75 : memref<100x64xf32, #tpu.memory_space<vmem>>)
    %dma_wait3A_79 = arith.constant 3 : i32
    %dma_wait3A_80 = arith.constant 0 : i32
    %dma_wait3A_81 = arith.constant 0 : i32
    %dma_wait3A_82 = tpu.memref_slice %arg11[%dma_wait3A_79, %dma_wait3A_80, %dma_wait3A_81] : memref<5x100x64xf32, #tpu.memory_space<vmem>> -> memref<1x100x64xf32, #tpu.memory_space<vmem>>
    %dma_wait3A_83 = tpu.memref_squeeze %dma_wait3A_82 : memref<1x100x64xf32, #tpu.memory_space<vmem>> -> memref<100x64xf32, #tpu.memory_space<vmem>>
    %dma_wait3A_84 = arith.constant 0 : i32
    %dma_wait3A_85 = arith.constant 0 : i32
    %dma_wait3A_86 = tpu.memref_slice %arg6[%dma_wait3A_84, %dma_wait3A_85] : memref<10240x64xf32, #tpu.memory_space<hbm>> -> memref<100x64xf32, #tpu.memory_space<hbm>>
    %dma_wait3A_87 = arith.constant 0 : i32
    %dma_wait3A_88 = arith.constant 0 : i32
    %dma_wait3A_89 = tpu.memref_slice %arg11[%dma_wait3A_79, %dma_wait3A_87, %dma_wait3A_88] : memref<5x100x64xf32, #tpu.memory_space<vmem>> -> memref<1x100x64xf32, #tpu.memory_space<vmem>>
    %dma_wait3A_90 = tpu.memref_squeeze %dma_wait3A_89 : memref<1x100x64xf32, #tpu.memory_space<vmem>> -> memref<100x64xf32, #tpu.memory_space<vmem>>
    %dma_wait3A_91 = arith.constant 0 : i32
    %dma_wait3A_92 = arith.constant 0 : i32
    %dma_wait3A_93 = tpu.memref_slice %arg6[%dma_wait3A_91, %dma_wait3A_92] : memref<10240x64xf32, #tpu.memory_space<hbm>> -> memref<100x64xf32, #tpu.memory_space<hbm>>
    tpu.wait_dma2 semaphore(%arg20 : memref<!tpu.dma_semaphore, #tpu.memory_space<semaphore_mem>>) src(%dma_wait3A_93 : memref<100x64xf32, #tpu.memory_space<hbm>>) dst(%dma_wait3A_90 : memref<100x64xf32, #tpu.memory_space<vmem>>)
    %dma_wait3A_94 = arith.constant 4 : i32
    %dma_wait3A_95 = arith.constant 0 : i32
    %dma_wait3A_96 = arith.constant 0 : i32
    %dma_wait3A_97 = tpu.memref_slice %arg11[%dma_wait3A_94, %dma_wait3A_95, %dma_wait3A_96] : memref<5x100x64xf32, #tpu.memory_space<vmem>> -> memref<1x100x64xf32, #tpu.memory_space<vmem>>
    %dma_wait3A_98 = tpu.memref_squeeze %dma_wait3A_97 : memref<1x100x64xf32, #tpu.memory_space<vmem>> -> memref<100x64xf32, #tpu.memory_space<vmem>>
    %dma_wait3A_99 = arith.constant 0 : i32
    %dma_wait3A_100 = arith.constant 0 : i32
    %dma_wait3A_101 = tpu.memref_slice %arg6[%dma_wait3A_99, %dma_wait3A_100] : memref<10240x64xf32, #tpu.memory_space<hbm>> -> memref<100x64xf32, #tpu.memory_space<hbm>>
    %dma_wait3A_102 = arith.constant 0 : i32
    %dma_wait3A_103 = arith.constant 0 : i32
    %dma_wait3A_104 = tpu.memref_slice %arg11[%dma_wait3A_94, %dma_wait3A_102, %dma_wait3A_103] : memref<5x100x64xf32, #tpu.memory_space<vmem>> -> memref<1x100x64xf32, #tpu.memory_space<vmem>>
    %dma_wait3A_105 = tpu.memref_squeeze %dma_wait3A_104 : memref<1x100x64xf32, #tpu.memory_space<vmem>> -> memref<100x64xf32, #tpu.memory_space<vmem>>
    %dma_wait3A_106 = arith.constant 0 : i32
    %dma_wait3A_107 = arith.constant 0 : i32
    %dma_wait3A_108 = tpu.memref_slice %arg6[%dma_wait3A_106, %dma_wait3A_107] : memref<10240x64xf32, #tpu.memory_space<hbm>> -> memref<100x64xf32, #tpu.memory_space<hbm>>
    tpu.wait_dma2 semaphore(%arg21 : memref<!tpu.dma_semaphore, #tpu.memory_space<semaphore_mem>>) src(%dma_wait3A_108 : memref<100x64xf32, #tpu.memory_space<hbm>>) dst(%dma_wait3A_105 : memref<100x64xf32, #tpu.memory_space<vmem>>)
    %barrier3A_109 = arith.constant 0 : index
    tpu.barrier barrier_id(%barrier3A_109)
    %mul3A_110 = arith.constant 640 : i32
    %mul3A_111 = arith.muli %arg1, %mul3A_110 : i32
    %mul3A_112 = arith.constant 10240 : i32
    %mul3A_113 = arith.muli %arg0, %mul3A_112 : i32
    %mul3A_114 = arith.constant 640 : i32
    %mul3A_115 = arith.muli %arg1, %mul3A_114 : i32
    %add3A = arith.addi %mul3A_113, %mul3A_115 : i32
    "tpu.region"() ({
      %run_scoped3A = tpu.sem_alloc : memref<!tpu.dma_semaphore, #tpu.memory_space<semaphore_mem>>
      %dma_start3A = arith.constant 0 : i32
      %dma_start3A_116 = tpu.memref_slice %arg7[%add3A, %dma_start3A] : memref<20480x64xf32, #tpu.memory_space<hbm>> -> memref<640x64xf32, #tpu.memory_space<hbm>>
      %dma_start3A_117 = arith.constant 0 : i32
      %dma_start3A_118 = tpu.memref_slice %arg8[%mul3A_111, %dma_start3A_117] : memref<10240x64xf32, #tpu.memory_space<vmem_shared>> -> memref<640x64xf32, #tpu.memory_space<vmem_shared>>
      tpu.enqueue_dma source(%dma_start3A_118 : memref<640x64xf32, #tpu.memory_space<vmem_shared>>) target(%dma_start3A_116 : memref<640x64xf32, #tpu.memory_space<hbm>>) target_semaphore(%run_scoped3A : memref<!tpu.dma_semaphore, #tpu.memory_space<semaphore_mem>>)
      %dma_wait3A_119 = arith.constant 0 : i32
      %dma_wait3A_120 = tpu.memref_slice %arg7[%add3A, %dma_wait3A_119] : memref<20480x64xf32, #tpu.memory_space<hbm>> -> memref<640x64xf32, #tpu.memory_space<hbm>>
      %dma_wait3A_121 = arith.constant 0 : i32
      %dma_wait3A_122 = tpu.memref_slice %arg8[%mul3A_111, %dma_wait3A_121] : memref<10240x64xf32, #tpu.memory_space<vmem_shared>> -> memref<640x64xf32, #tpu.memory_space<vmem_shared>>
      tpu.wait_dma2 semaphore(%run_scoped3A : memref<!tpu.dma_semaphore, #tpu.memory_space<semaphore_mem>>) src(%dma_wait3A_122 : memref<640x64xf32, #tpu.memory_space<vmem_shared>>) dst(%dma_wait3A_120 : memref<640x64xf32, #tpu.memory_space<hbm>>)
      tpu.yield
    }) : () -> ()
    return
  }
}

#map = affine_map<(d0, d1) -> (0, 0)>
#map1 = affine_map<(d0, d1) -> (0, 0, 0)>
module attributes {stable_mosaic.version = 14 : i64} {
  func.func @_sc_scatter(%arg0: i32, %arg1: i32, %arg2: memref<10000x64xf32, #tpu.memory_space<hbm>>, %arg3: memref<10000x64xf32, #tpu.memory_space<hbm>>, %arg4: memref<16x200x100xi32, #tpu.memory_space<hbm>>, %arg5: memref<16x200x100xi32, #tpu.memory_space<hbm>>, %arg6: memref<10240x64xf32, #tpu.memory_space<hbm>>, %arg7: memref<20480x64xf32, #tpu.memory_space<hbm>>, %arg8: memref<10240x64xf32, #tpu.memory_space<vmem_shared>>, %arg9: memref<200x100xi32, #tpu.memory_space<vmem>>, %arg10: memref<200x100xi32, #tpu.memory_space<vmem>>, %arg11: memref<5x100x64xf32, #tpu.memory_space<vmem>>, %arg12: memref<!tpu.dma_semaphore, #tpu.memory_space<semaphore_mem>>, %arg13: memref<!tpu.dma_semaphore, #tpu.memory_space<semaphore_mem>>, %arg14: memref<!tpu.dma_semaphore, #tpu.memory_space<semaphore_mem>>, %arg15: memref<!tpu.dma_semaphore, #tpu.memory_space<semaphore_mem>>, %arg16: memref<!tpu.dma_semaphore, #tpu.memory_space<semaphore_mem>>, %arg17: memref<!tpu.dma_semaphore, #tpu.memory_space<semaphore_mem>>, %arg18: memref<!tpu.dma_semaphore, #tpu.memory_space<semaphore_mem>>, %arg19: memref<!tpu.dma_semaphore, #tpu.memory_space<semaphore_mem>>, %arg20: memref<!tpu.dma_semaphore, #tpu.memory_space<semaphore_mem>>, %arg21: memref<!tpu.dma_semaphore, #tpu.memory_space<semaphore_mem>>) attributes {dimension_semantics = [#tpu.dimension_semantics<core_parallel>, #tpu.dimension_semantics<subcore_parallel>], iteration_bounds = array<i64: 2, 16>, scalar_prefetch = 0 : i64, scratch_operands = 14 : i64, tpu.core_type = #tpu.core_type<sc_vector_subcore>, window_params = [{transform_indices = #map}, {transform_indices = #map}, {transform_indices = #map1}, {transform_indices = #map1}, {transform_indices = #map}, {transform_indices = #map}]} {
    %mul3A = arith.constant 640 : i32
    %mul3A_0 = arith.muli %arg1, %mul3A : i32
    %mul3A_1 = arith.constant 640 : i32
    %mul3A_2 = arith.muli %arg1, %mul3A_1 : i32
    "tpu.region"() ({
      %run_scoped3A = tpu.sem_alloc : memref<!tpu.dma_semaphore, #tpu.memory_space<semaphore_mem>>
      %dma_start3A = arith.constant 0 : i32
      %dma_start3A_116 = tpu.memref_slice %arg8[%mul3A_2, %dma_start3A] : memref<10240x64xf32, #tpu.memory_space<vmem_shared>> -> memref<640x64xf32, #tpu.memory_space<vmem_shared>>
      %dma_start3A_117 = arith.constant 0 : i32
      %dma_start3A_118 = tpu.memref_slice %arg6[%mul3A_0, %dma_start3A_117] : memref<10240x64xf32, #tpu.memory_space<hbm>> -> memref<640x64xf32, #tpu.memory_space<hbm>>
      tpu.enqueue_dma source(%dma_start3A_118 : memref<640x64xf32, #tpu.memory_space<hbm>>) target(%dma_start3A_116 : memref<640x64xf32, #tpu.memory_space<vmem_shared>>) target_semaphore(%run_scoped3A : memref<!tpu.dma_semaphore, #tpu.memory_space<semaphore_mem>>)
      %dma_wait3A_119 = arith.constant 0 : i32
      %dma_wait3A_120 = tpu.memref_slice %arg8[%mul3A_2, %dma_wait3A_119] : memref<10240x64xf32, #tpu.memory_space<vmem_shared>> -> memref<640x64xf32, #tpu.memory_space<vmem_shared>>
      %dma_wait3A_121 = arith.constant 0 : i32
      %dma_wait3A_122 = tpu.memref_slice %arg6[%mul3A_0, %dma_wait3A_121] : memref<10240x64xf32, #tpu.memory_space<hbm>> -> memref<640x64xf32, #tpu.memory_space<hbm>>
      tpu.wait_dma2 semaphore(%run_scoped3A : memref<!tpu.dma_semaphore, #tpu.memory_space<semaphore_mem>>) src(%dma_wait3A_122 : memref<640x64xf32, #tpu.memory_space<hbm>>) dst(%dma_wait3A_120 : memref<640x64xf32, #tpu.memory_space<vmem_shared>>)
      tpu.yield
    }) : () -> ()
    "tpu.region"() ({
      %run_scoped3A = tpu.sem_alloc : memref<!tpu.dma_semaphore, #tpu.memory_space<semaphore_mem>>
      %dma_start3A = arith.constant 0 : i32
      %dma_start3A_116 = arith.constant 0 : i32
      %dma_start3A_117 = tpu.memref_slice %arg4[%arg1, %dma_start3A, %dma_start3A_116] : memref<16x200x100xi32, #tpu.memory_space<hbm>> -> memref<1x200x100xi32, #tpu.memory_space<hbm>>
      %dma_start3A_118 = tpu.memref_squeeze %dma_start3A_117 : memref<1x200x100xi32, #tpu.memory_space<hbm>> -> memref<200x100xi32, #tpu.memory_space<hbm>>
      %dma_start3A_119 = arith.constant 0 : i32
      %dma_start3A_120 = arith.constant 0 : i32
      %dma_start3A_121 = tpu.memref_slice %arg4[%arg1, %dma_start3A_119, %dma_start3A_120] : memref<16x200x100xi32, #tpu.memory_space<hbm>> -> memref<1x200x100xi32, #tpu.memory_space<hbm>>
      %dma_start3A_122 = tpu.memref_squeeze %dma_start3A_121 : memref<1x200x100xi32, #tpu.memory_space<hbm>> -> memref<200x100xi32, #tpu.memory_space<hbm>>
      tpu.enqueue_dma source(%dma_start3A_122 : memref<200x100xi32, #tpu.memory_space<hbm>>) target(%arg9 : memref<200x100xi32, #tpu.memory_space<vmem>>) target_semaphore(%run_scoped3A : memref<!tpu.dma_semaphore, #tpu.memory_space<semaphore_mem>>)
      %dma_wait3A_123 = arith.constant 0 : i32
      %dma_wait3A_124 = arith.constant 0 : i32
      %dma_wait3A_125 = tpu.memref_slice %arg4[%arg1, %dma_wait3A_123, %dma_wait3A_124] : memref<16x200x100xi32, #tpu.memory_space<hbm>> -> memref<1x200x100xi32, #tpu.memory_space<hbm>>
      %dma_wait3A_126 = tpu.memref_squeeze %dma_wait3A_125 : memref<1x200x100xi32, #tpu.memory_space<hbm>> -> memref<200x100xi32, #tpu.memory_space<hbm>>
      %dma_wait3A_127 = arith.constant 0 : i32
      %dma_wait3A_128 = arith.constant 0 : i32
      %dma_wait3A_129 = tpu.memref_slice %arg4[%arg1, %dma_wait3A_127, %dma_wait3A_128] : memref<16x200x100xi32, #tpu.memory_space<hbm>> -> memref<1x200x100xi32, #tpu.memory_space<hbm>>
      %dma_wait3A_130 = tpu.memref_squeeze %dma_wait3A_129 : memref<1x200x100xi32, #tpu.memory_space<hbm>> -> memref<200x100xi32, #tpu.memory_space<hbm>>
      tpu.wait_dma2 semaphore(%run_scoped3A : memref<!tpu.dma_semaphore, #tpu.memory_space<semaphore_mem>>) src(%dma_wait3A_130 : memref<200x100xi32, #tpu.memory_space<hbm>>) dst(%arg9 : memref<200x100xi32, #tpu.memory_space<vmem>>)
      tpu.yield
    }) : () -> ()
    "tpu.region"() ({
      %run_scoped3A = tpu.sem_alloc : memref<!tpu.dma_semaphore, #tpu.memory_space<semaphore_mem>>
      %dma_start3A = arith.constant 0 : i32
      %dma_start3A_116 = arith.constant 0 : i32
      %dma_start3A_117 = tpu.memref_slice %arg5[%arg1, %dma_start3A, %dma_start3A_116] : memref<16x200x100xi32, #tpu.memory_space<hbm>> -> memref<1x200x100xi32, #tpu.memory_space<hbm>>
      %dma_start3A_118 = tpu.memref_squeeze %dma_start3A_117 : memref<1x200x100xi32, #tpu.memory_space<hbm>> -> memref<200x100xi32, #tpu.memory_space<hbm>>
      %dma_start3A_119 = arith.constant 0 : i32
      %dma_start3A_120 = arith.constant 0 : i32
      %dma_start3A_121 = tpu.memref_slice %arg5[%arg1, %dma_start3A_119, %dma_start3A_120] : memref<16x200x100xi32, #tpu.memory_space<hbm>> -> memref<1x200x100xi32, #tpu.memory_space<hbm>>
      %dma_start3A_122 = tpu.memref_squeeze %dma_start3A_121 : memref<1x200x100xi32, #tpu.memory_space<hbm>> -> memref<200x100xi32, #tpu.memory_space<hbm>>
      tpu.enqueue_dma source(%dma_start3A_122 : memref<200x100xi32, #tpu.memory_space<hbm>>) target(%arg10 : memref<200x100xi32, #tpu.memory_space<vmem>>) target_semaphore(%run_scoped3A : memref<!tpu.dma_semaphore, #tpu.memory_space<semaphore_mem>>)
      %dma_wait3A_123 = arith.constant 0 : i32
      %dma_wait3A_124 = arith.constant 0 : i32
      %dma_wait3A_125 = tpu.memref_slice %arg5[%arg1, %dma_wait3A_123, %dma_wait3A_124] : memref<16x200x100xi32, #tpu.memory_space<hbm>> -> memref<1x200x100xi32, #tpu.memory_space<hbm>>
      %dma_wait3A_126 = tpu.memref_squeeze %dma_wait3A_125 : memref<1x200x100xi32, #tpu.memory_space<hbm>> -> memref<200x100xi32, #tpu.memory_space<hbm>>
      %dma_wait3A_127 = arith.constant 0 : i32
      %dma_wait3A_128 = arith.constant 0 : i32
      %dma_wait3A_129 = tpu.memref_slice %arg5[%arg1, %dma_wait3A_127, %dma_wait3A_128] : memref<16x200x100xi32, #tpu.memory_space<hbm>> -> memref<1x200x100xi32, #tpu.memory_space<hbm>>
      %dma_wait3A_130 = tpu.memref_squeeze %dma_wait3A_129 : memref<1x200x100xi32, #tpu.memory_space<hbm>> -> memref<200x100xi32, #tpu.memory_space<hbm>>
      tpu.wait_dma2 semaphore(%run_scoped3A : memref<!tpu.dma_semaphore, #tpu.memory_space<semaphore_mem>>) src(%dma_wait3A_130 : memref<200x100xi32, #tpu.memory_space<hbm>>) dst(%arg10 : memref<200x100xi32, #tpu.memory_space<vmem>>)
      tpu.yield
    }) : () -> ()
    %barrier3A = arith.constant 0 : index
    tpu.barrier barrier_id(%barrier3A)
    %eq3A = arith.constant 0 : i32
    %eq3A_3 = arith.cmpi eq, %arg0, %eq3A : i32
    %convert_element_type3A = arith.extui %eq3A_3 : i1 to i32
    %cond3A = arith.constant 0 : i32
    %cond3A_4 = arith.cmpi ne, %convert_element_type3A, %cond3A : i32
    scf.if %cond3A_4 {
      %dma_start3A = arith.constant 0 : i32
      %dma_start3A_116 = arith.constant 0 : i32
      %dma_start3A_117 = arith.constant 0 : i32
      %dma_start3A_118 = arith.constant 0 : i32
      %dma_start3A_119 = tpu.memref_slice %arg11[%dma_start3A_116, %dma_start3A_117, %dma_start3A_118] : memref<5x100x64xf32, #tpu.memory_space<vmem>> -> memref<1x100x64xf32, #tpu.memory_space<vmem>>
      %dma_start3A_120 = tpu.memref_squeeze %dma_start3A_119 : memref<1x100x64xf32, #tpu.memory_space<vmem>> -> memref<100x64xf32, #tpu.memory_space<vmem>>
      %dma_start3A_121 = arith.constant 0 : i32
      %dma_start3A_122 = tpu.memref_slice %arg9[%dma_start3A, %dma_start3A_121] : memref<200x100xi32, #tpu.memory_space<vmem>> -> memref<1x100xi32, #tpu.memory_space<vmem>>
      %dma_start3A_123 = tpu.memref_squeeze %dma_start3A_122 : memref<1x100xi32, #tpu.memory_space<vmem>> -> memref<100xi32, #tpu.memory_space<vmem>>
      %dma_start3A_124 = arith.constant 0 : i32
      %dma_start3A_125 = arith.constant 0 : i32
      %dma_start3A_126 = tpu.memref_slice %arg2[%dma_start3A_124, %dma_start3A_125] : memref<10000x64xf32, #tpu.memory_space<hbm>> -> memref<10000x64xf32, #tpu.memory_space<hbm>>
      tpu.enqueue_indirect_dma source(%dma_start3A_126 : memref<10000x64xf32, #tpu.memory_space<hbm>>) target(%dma_start3A_120 : memref<100x64xf32, #tpu.memory_space<vmem>>) offsets(%dma_start3A_123 : memref<100xi32, #tpu.memory_space<vmem>>) semaphore(%arg12 : memref<!tpu.dma_semaphore, #tpu.memory_space<semaphore_mem>>)
    } else {
    }
    %eq3A_5 = arith.constant 1 : i32
    %eq3A_6 = arith.cmpi eq, %arg0, %eq3A_5 : i32
    %convert_element_type3A_7 = arith.extui %eq3A_6 : i1 to i32
    %cond3A_8 = arith.constant 0 : i32
    %cond3A_9 = arith.cmpi ne, %convert_element_type3A_7, %cond3A_8 : i32
    scf.if %cond3A_9 {
      %dma_start3A = arith.constant 0 : i32
      %dma_start3A_116 = arith.constant 0 : i32
      %dma_start3A_117 = arith.constant 0 : i32
      %dma_start3A_118 = arith.constant 0 : i32
      %dma_start3A_119 = tpu.memref_slice %arg11[%dma_start3A_116, %dma_start3A_117, %dma_start3A_118] : memref<5x100x64xf32, #tpu.memory_space<vmem>> -> memref<1x100x64xf32, #tpu.memory_space<vmem>>
      %dma_start3A_120 = tpu.memref_squeeze %dma_start3A_119 : memref<1x100x64xf32, #tpu.memory_space<vmem>> -> memref<100x64xf32, #tpu.memory_space<vmem>>
      %dma_start3A_121 = arith.constant 0 : i32
      %dma_start3A_122 = tpu.memref_slice %arg9[%dma_start3A, %dma_start3A_121] : memref<200x100xi32, #tpu.memory_space<vmem>> -> memref<1x100xi32, #tpu.memory_space<vmem>>
      %dma_start3A_123 = tpu.memref_squeeze %dma_start3A_122 : memref<1x100xi32, #tpu.memory_space<vmem>> -> memref<100xi32, #tpu.memory_space<vmem>>
      %dma_start3A_124 = arith.constant 0 : i32
      %dma_start3A_125 = arith.constant 0 : i32
      %dma_start3A_126 = tpu.memref_slice %arg3[%dma_start3A_124, %dma_start3A_125] : memref<10000x64xf32, #tpu.memory_space<hbm>> -> memref<10000x64xf32, #tpu.memory_space<hbm>>
      tpu.enqueue_indirect_dma source(%dma_start3A_126 : memref<10000x64xf32, #tpu.memory_space<hbm>>) target(%dma_start3A_120 : memref<100x64xf32, #tpu.memory_space<vmem>>) offsets(%dma_start3A_123 : memref<100xi32, #tpu.memory_space<vmem>>) semaphore(%arg12 : memref<!tpu.dma_semaphore, #tpu.memory_space<semaphore_mem>>)
    } else {
    }
    %eq3A_10 = arith.constant 0 : i32
    %eq3A_11 = arith.cmpi eq, %arg0, %eq3A_10 : i32
    %convert_element_type3A_12 = arith.extui %eq3A_11 : i1 to i32
    %cond3A_13 = arith.constant 0 : i32
    %cond3A_14 = arith.cmpi ne, %convert_element_type3A_12, %cond3A_13 : i32
    scf.if %cond3A_14 {
      %dma_start3A = arith.constant 1 : i32
      %dma_start3A_116 = arith.constant 1 : i32
      %dma_start3A_117 = arith.constant 0 : i32
      %dma_start3A_118 = arith.constant 0 : i32
      %dma_start3A_119 = tpu.memref_slice %arg11[%dma_start3A_116, %dma_start3A_117, %dma_start3A_118] : memref<5x100x64xf32, #tpu.memory_space<vmem>> -> memref<1x100x64xf32, #tpu.memory_space<vmem>>
      %dma_start3A_120 = tpu.memref_squeeze %dma_start3A_119 : memref<1x100x64xf32, #tpu.memory_space<vmem>> -> memref<100x64xf32, #tpu.memory_space<vmem>>
      %dma_start3A_121 = arith.constant 0 : i32
      %dma_start3A_122 = tpu.memref_slice %arg9[%dma_start3A, %dma_start3A_121] : memref<200x100xi32, #tpu.memory_space<vmem>> -> memref<1x100xi32, #tpu.memory_space<vmem>>
      %dma_start3A_123 = tpu.memref_squeeze %dma_start3A_122 : memref<1x100xi32, #tpu.memory_space<vmem>> -> memref<100xi32, #tpu.memory_space<vmem>>
      %dma_start3A_124 = arith.constant 0 : i32
      %dma_start3A_125 = arith.constant 0 : i32
      %dma_start3A_126 = tpu.memref_slice %arg2[%dma_start3A_124, %dma_start3A_125] : memref<10000x64xf32, #tpu.memory_space<hbm>> -> memref<10000x64xf32, #tpu.memory_space<hbm>>
      tpu.enqueue_indirect_dma source(%dma_start3A_126 : memref<10000x64xf32, #tpu.memory_space<hbm>>) target(%dma_start3A_120 : memref<100x64xf32, #tpu.memory_space<vmem>>) offsets(%dma_start3A_123 : memref<100xi32, #tpu.memory_space<vmem>>) semaphore(%arg13 : memref<!tpu.dma_semaphore, #tpu.memory_space<semaphore_mem>>)
    } else {
    }
    %eq3A_15 = arith.constant 1 : i32
    %eq3A_16 = arith.cmpi eq, %arg0, %eq3A_15 : i32
    %convert_element_type3A_17 = arith.extui %eq3A_16 : i1 to i32
    %cond3A_18 = arith.constant 0 : i32
    %cond3A_19 = arith.cmpi ne, %convert_element_type3A_17, %cond3A_18 : i32
    scf.if %cond3A_19 {
      %dma_start3A = arith.constant 1 : i32
      %dma_start3A_116 = arith.constant 1 : i32
      %dma_start3A_117 = arith.constant 0 : i32
      %dma_start3A_118 = arith.constant 0 : i32
      %dma_start3A_119 = tpu.memref_slice %arg11[%dma_start3A_116, %dma_start3A_117, %dma_start3A_118] : memref<5x100x64xf32, #tpu.memory_space<vmem>> -> memref<1x100x64xf32, #tpu.memory_space<vmem>>
      %dma_start3A_120 = tpu.memref_squeeze %dma_start3A_119 : memref<1x100x64xf32, #tpu.memory_space<vmem>> -> memref<100x64xf32, #tpu.memory_space<vmem>>
      %dma_start3A_121 = arith.constant 0 : i32
      %dma_start3A_122 = tpu.memref_slice %arg9[%dma_start3A, %dma_start3A_121] : memref<200x100xi32, #tpu.memory_space<vmem>> -> memref<1x100xi32, #tpu.memory_space<vmem>>
      %dma_start3A_123 = tpu.memref_squeeze %dma_start3A_122 : memref<1x100xi32, #tpu.memory_space<vmem>> -> memref<100xi32, #tpu.memory_space<vmem>>
      %dma_start3A_124 = arith.constant 0 : i32
      %dma_start3A_125 = arith.constant 0 : i32
      %dma_start3A_126 = tpu.memref_slice %arg3[%dma_start3A_124, %dma_start3A_125] : memref<10000x64xf32, #tpu.memory_space<hbm>> -> memref<10000x64xf32, #tpu.memory_space<hbm>>
      tpu.enqueue_indirect_dma source(%dma_start3A_126 : memref<10000x64xf32, #tpu.memory_space<hbm>>) target(%dma_start3A_120 : memref<100x64xf32, #tpu.memory_space<vmem>>) offsets(%dma_start3A_123 : memref<100xi32, #tpu.memory_space<vmem>>) semaphore(%arg13 : memref<!tpu.dma_semaphore, #tpu.memory_space<semaphore_mem>>)
    } else {
    }
    %eq3A_20 = arith.constant 0 : i32
    %eq3A_21 = arith.cmpi eq, %arg0, %eq3A_20 : i32
    %convert_element_type3A_22 = arith.extui %eq3A_21 : i1 to i32
    %cond3A_23 = arith.constant 0 : i32
    %cond3A_24 = arith.cmpi ne, %convert_element_type3A_22, %cond3A_23 : i32
    scf.if %cond3A_24 {
      %dma_start3A = arith.constant 2 : i32
      %dma_start3A_116 = arith.constant 2 : i32
      %dma_start3A_117 = arith.constant 0 : i32
      %dma_start3A_118 = arith.constant 0 : i32
      %dma_start3A_119 = tpu.memref_slice %arg11[%dma_start3A_116, %dma_start3A_117, %dma_start3A_118] : memref<5x100x64xf32, #tpu.memory_space<vmem>> -> memref<1x100x64xf32, #tpu.memory_space<vmem>>
      %dma_start3A_120 = tpu.memref_squeeze %dma_start3A_119 : memref<1x100x64xf32, #tpu.memory_space<vmem>> -> memref<100x64xf32, #tpu.memory_space<vmem>>
      %dma_start3A_121 = arith.constant 0 : i32
      %dma_start3A_122 = tpu.memref_slice %arg9[%dma_start3A, %dma_start3A_121] : memref<200x100xi32, #tpu.memory_space<vmem>> -> memref<1x100xi32, #tpu.memory_space<vmem>>
      %dma_start3A_123 = tpu.memref_squeeze %dma_start3A_122 : memref<1x100xi32, #tpu.memory_space<vmem>> -> memref<100xi32, #tpu.memory_space<vmem>>
      %dma_start3A_124 = arith.constant 0 : i32
      %dma_start3A_125 = arith.constant 0 : i32
      %dma_start3A_126 = tpu.memref_slice %arg2[%dma_start3A_124, %dma_start3A_125] : memref<10000x64xf32, #tpu.memory_space<hbm>> -> memref<10000x64xf32, #tpu.memory_space<hbm>>
      tpu.enqueue_indirect_dma source(%dma_start3A_126 : memref<10000x64xf32, #tpu.memory_space<hbm>>) target(%dma_start3A_120 : memref<100x64xf32, #tpu.memory_space<vmem>>) offsets(%dma_start3A_123 : memref<100xi32, #tpu.memory_space<vmem>>) semaphore(%arg14 : memref<!tpu.dma_semaphore, #tpu.memory_space<semaphore_mem>>)
    } else {
    }
    %eq3A_25 = arith.constant 1 : i32
    %eq3A_26 = arith.cmpi eq, %arg0, %eq3A_25 : i32
    %convert_element_type3A_27 = arith.extui %eq3A_26 : i1 to i32
    %cond3A_28 = arith.constant 0 : i32
    %cond3A_29 = arith.cmpi ne, %convert_element_type3A_27, %cond3A_28 : i32
    scf.if %cond3A_29 {
      %dma_start3A = arith.constant 2 : i32
      %dma_start3A_116 = arith.constant 2 : i32
      %dma_start3A_117 = arith.constant 0 : i32
      %dma_start3A_118 = arith.constant 0 : i32
      %dma_start3A_119 = tpu.memref_slice %arg11[%dma_start3A_116, %dma_start3A_117, %dma_start3A_118] : memref<5x100x64xf32, #tpu.memory_space<vmem>> -> memref<1x100x64xf32, #tpu.memory_space<vmem>>
      %dma_start3A_120 = tpu.memref_squeeze %dma_start3A_119 : memref<1x100x64xf32, #tpu.memory_space<vmem>> -> memref<100x64xf32, #tpu.memory_space<vmem>>
      %dma_start3A_121 = arith.constant 0 : i32
      %dma_start3A_122 = tpu.memref_slice %arg9[%dma_start3A, %dma_start3A_121] : memref<200x100xi32, #tpu.memory_space<vmem>> -> memref<1x100xi32, #tpu.memory_space<vmem>>
      %dma_start3A_123 = tpu.memref_squeeze %dma_start3A_122 : memref<1x100xi32, #tpu.memory_space<vmem>> -> memref<100xi32, #tpu.memory_space<vmem>>
      %dma_start3A_124 = arith.constant 0 : i32
      %dma_start3A_125 = arith.constant 0 : i32
      %dma_start3A_126 = tpu.memref_slice %arg3[%dma_start3A_124, %dma_start3A_125] : memref<10000x64xf32, #tpu.memory_space<hbm>> -> memref<10000x64xf32, #tpu.memory_space<hbm>>
      tpu.enqueue_indirect_dma source(%dma_start3A_126 : memref<10000x64xf32, #tpu.memory_space<hbm>>) target(%dma_start3A_120 : memref<100x64xf32, #tpu.memory_space<vmem>>) offsets(%dma_start3A_123 : memref<100xi32, #tpu.memory_space<vmem>>) semaphore(%arg14 : memref<!tpu.dma_semaphore, #tpu.memory_space<semaphore_mem>>)
    } else {
    }
    %scan3A = arith.constant 0 : i32
    %scan3A_30 = arith.constant 0 : i32
    %scan3A_31 = arith.constant 40 : i32
    %scan3A_32 = arith.addi %scan3A_30, %scan3A_31 : i32
    %scan3A_33 = arith.constant 1 : i32
    scf.for %scan3A_116 = %scan3A_30 to %scan3A_32 step %scan3A_33  : i32 {
      %mul3A_117 = arith.constant 5 : i32
      %mul3A_118 = arith.muli %scan3A_116, %mul3A_117 : i32
      %add3A_119 = arith.constant 0 : i32
      %add3A_120 = arith.addi %mul3A_118, %add3A_119 : i32
      %add3A_121 = arith.constant 3 : i32
      %add3A_122 = arith.addi %add3A_120, %add3A_121 : i32
      %lt3A = arith.constant 200 : i32
      %lt3A_123 = arith.cmpi slt, %add3A_122, %lt3A : i32
      %convert_element_type3A_124 = arith.extui %lt3A_123 : i1 to i32
      %cond3A_125 = arith.constant 0 : i32
      %cond3A_126 = arith.cmpi ne, %convert_element_type3A_124, %cond3A_125 : i32
      scf.if %cond3A_126 {
        %ge3A = arith.constant 2 : i32
        %ge3A_300 = arith.cmpi sge, %add3A_120, %ge3A : i32
        %convert_element_type3A_301 = arith.extui %ge3A_300 : i1 to i32
        %cond3A_302 = arith.constant 0 : i32
        %cond3A_303 = arith.cmpi ne, %convert_element_type3A_301, %cond3A_302 : i32
        scf.if %cond3A_303 {
          %dma_wait3A_316 = arith.constant 3 : i32
          %dma_wait3A_317 = arith.constant 0 : i32
          %dma_wait3A_318 = arith.constant 0 : i32
          %dma_wait3A_319 = tpu.memref_slice %arg11[%dma_wait3A_316, %dma_wait3A_317, %dma_wait3A_318] : memref<5x100x64xf32, #tpu.memory_space<vmem>> -> memref<1x100x64xf32, #tpu.memory_space<vmem>>
          %dma_wait3A_320 = tpu.memref_squeeze %dma_wait3A_319 : memref<1x100x64xf32, #tpu.memory_space<vmem>> -> memref<100x64xf32, #tpu.memory_space<vmem>>
          %dma_wait3A_321 = arith.constant 0 : i32
          %dma_wait3A_322 = arith.constant 0 : i32
          %dma_wait3A_323 = tpu.memref_slice %arg6[%dma_wait3A_321, %dma_wait3A_322] : memref<10240x64xf32, #tpu.memory_space<hbm>> -> memref<100x64xf32, #tpu.memory_space<hbm>>
          %dma_wait3A_324 = arith.constant 0 : i32
          %dma_wait3A_325 = arith.constant 0 : i32
          %dma_wait3A_326 = tpu.memref_slice %arg11[%dma_wait3A_316, %dma_wait3A_324, %dma_wait3A_325] : memref<5x100x64xf32, #tpu.memory_space<vmem>> -> memref<1x100x64xf32, #tpu.memory_space<vmem>>
          %dma_wait3A_327 = tpu.memref_squeeze %dma_wait3A_326 : memref<1x100x64xf32, #tpu.memory_space<vmem>> -> memref<100x64xf32, #tpu.memory_space<vmem>>
          %dma_wait3A_328 = arith.constant 0 : i32
          %dma_wait3A_329 = arith.constant 0 : i32
          %dma_wait3A_330 = tpu.memref_slice %arg6[%dma_wait3A_328, %dma_wait3A_329] : memref<10240x64xf32, #tpu.memory_space<hbm>> -> memref<100x64xf32, #tpu.memory_space<hbm>>
          tpu.wait_dma2 semaphore(%arg20 : memref<!tpu.dma_semaphore, #tpu.memory_space<semaphore_mem>>) src(%dma_wait3A_330 : memref<100x64xf32, #tpu.memory_space<hbm>>) dst(%dma_wait3A_327 : memref<100x64xf32, #tpu.memory_space<vmem>>)
        } else {
        }
        %add3A_304 = arith.constant 3 : i32
        %add3A_305 = arith.addi %add3A_120, %add3A_304 : i32
        %eq3A_306 = arith.constant 0 : i32
        %eq3A_307 = arith.cmpi eq, %arg0, %eq3A_306 : i32
        %convert_element_type3A_308 = arith.extui %eq3A_307 : i1 to i32
        %cond3A_309 = arith.constant 0 : i32
        %cond3A_310 = arith.cmpi ne, %convert_element_type3A_308, %cond3A_309 : i32
        scf.if %cond3A_310 {
          %dma_start3A_316 = arith.constant 3 : i32
          %dma_start3A_317 = arith.constant 0 : i32
          %dma_start3A_318 = arith.constant 0 : i32
          %dma_start3A_319 = tpu.memref_slice %arg11[%dma_start3A_316, %dma_start3A_317, %dma_start3A_318] : memref<5x100x64xf32, #tpu.memory_space<vmem>> -> memref<1x100x64xf32, #tpu.memory_space<vmem>>
          %dma_start3A_320 = tpu.memref_squeeze %dma_start3A_319 : memref<1x100x64xf32, #tpu.memory_space<vmem>> -> memref<100x64xf32, #tpu.memory_space<vmem>>
          %dma_start3A_321 = arith.constant 0 : i32
          %dma_start3A_322 = tpu.memref_slice %arg9[%add3A_305, %dma_start3A_321] : memref<200x100xi32, #tpu.memory_space<vmem>> -> memref<1x100xi32, #tpu.memory_space<vmem>>
          %dma_start3A_323 = tpu.memref_squeeze %dma_start3A_322 : memref<1x100xi32, #tpu.memory_space<vmem>> -> memref<100xi32, #tpu.memory_space<vmem>>
          %dma_start3A_324 = arith.constant 0 : i32
          %dma_start3A_325 = arith.constant 0 : i32
          %dma_start3A_326 = tpu.memref_slice %arg2[%dma_start3A_324, %dma_start3A_325] : memref<10000x64xf32, #tpu.memory_space<hbm>> -> memref<10000x64xf32, #tpu.memory_space<hbm>>
          tpu.enqueue_indirect_dma source(%dma_start3A_326 : memref<10000x64xf32, #tpu.memory_space<hbm>>) target(%dma_start3A_320 : memref<100x64xf32, #tpu.memory_space<vmem>>) offsets(%dma_start3A_323 : memref<100xi32, #tpu.memory_space<vmem>>) semaphore(%arg15 : memref<!tpu.dma_semaphore, #tpu.memory_space<semaphore_mem>>)
        } else {
        }
        %eq3A_311 = arith.constant 1 : i32
        %eq3A_312 = arith.cmpi eq, %arg0, %eq3A_311 : i32
        %convert_element_type3A_313 = arith.extui %eq3A_312 : i1 to i32
        %cond3A_314 = arith.constant 0 : i32
        %cond3A_315 = arith.cmpi ne, %convert_element_type3A_313, %cond3A_314 : i32
        scf.if %cond3A_315 {
          %dma_start3A_316 = arith.constant 3 : i32
          %dma_start3A_317 = arith.constant 0 : i32
          %dma_start3A_318 = arith.constant 0 : i32
          %dma_start3A_319 = tpu.memref_slice %arg11[%dma_start3A_316, %dma_start3A_317, %dma_start3A_318] : memref<5x100x64xf32, #tpu.memory_space<vmem>> -> memref<1x100x64xf32, #tpu.memory_space<vmem>>
          %dma_start3A_320 = tpu.memref_squeeze %dma_start3A_319 : memref<1x100x64xf32, #tpu.memory_space<vmem>> -> memref<100x64xf32, #tpu.memory_space<vmem>>
          %dma_start3A_321 = arith.constant 0 : i32
          %dma_start3A_322 = tpu.memref_slice %arg9[%add3A_305, %dma_start3A_321] : memref<200x100xi32, #tpu.memory_space<vmem>> -> memref<1x100xi32, #tpu.memory_space<vmem>>
          %dma_start3A_323 = tpu.memref_squeeze %dma_start3A_322 : memref<1x100xi32, #tpu.memory_space<vmem>> -> memref<100xi32, #tpu.memory_space<vmem>>
          %dma_start3A_324 = arith.constant 0 : i32
          %dma_start3A_325 = arith.constant 0 : i32
          %dma_start3A_326 = tpu.memref_slice %arg3[%dma_start3A_324, %dma_start3A_325] : memref<10000x64xf32, #tpu.memory_space<hbm>> -> memref<10000x64xf32, #tpu.memory_space<hbm>>
          tpu.enqueue_indirect_dma source(%dma_start3A_326 : memref<10000x64xf32, #tpu.memory_space<hbm>>) target(%dma_start3A_320 : memref<100x64xf32, #tpu.memory_space<vmem>>) offsets(%dma_start3A_323 : memref<100xi32, #tpu.memory_space<vmem>>) semaphore(%arg15 : memref<!tpu.dma_semaphore, #tpu.memory_space<semaphore_mem>>)
        } else {
        }
      } else {
      }
      %dma_wait3A_127 = arith.constant 0 : i32
      %dma_wait3A_128 = arith.constant 0 : i32
      %dma_wait3A_129 = arith.constant 0 : i32
      %dma_wait3A_130 = tpu.memref_slice %arg11[%dma_wait3A_127, %dma_wait3A_128, %dma_wait3A_129] : memref<5x100x64xf32, #tpu.memory_space<vmem>> -> memref<1x100x64xf32, #tpu.memory_space<vmem>>
      %dma_wait3A_131 = tpu.memref_squeeze %dma_wait3A_130 : memref<1x100x64xf32, #tpu.memory_space<vmem>> -> memref<100x64xf32, #tpu.memory_space<vmem>>
      %dma_wait3A_132 = arith.constant 0 : i32
      %dma_wait3A_133 = arith.constant 0 : i32
      %dma_wait3A_134 = tpu.memref_slice %arg6[%dma_wait3A_132, %dma_wait3A_133] : memref<10240x64xf32, #tpu.memory_space<hbm>> -> memref<100x64xf32, #tpu.memory_space<hbm>>
      %dma_wait3A_135 = arith.constant 0 : i32
      %dma_wait3A_136 = arith.constant 0 : i32
      %dma_wait3A_137 = tpu.memref_slice %arg11[%dma_wait3A_127, %dma_wait3A_135, %dma_wait3A_136] : memref<5x100x64xf32, #tpu.memory_space<vmem>> -> memref<1x100x64xf32, #tpu.memory_space<vmem>>
      %dma_wait3A_138 = tpu.memref_squeeze %dma_wait3A_137 : memref<1x100x64xf32, #tpu.memory_space<vmem>> -> memref<100x64xf32, #tpu.memory_space<vmem>>
      %dma_wait3A_139 = arith.constant 0 : i32
      %dma_wait3A_140 = arith.constant 0 : i32
      %dma_wait3A_141 = tpu.memref_slice %arg6[%dma_wait3A_139, %dma_wait3A_140] : memref<10240x64xf32, #tpu.memory_space<hbm>> -> memref<100x64xf32, #tpu.memory_space<hbm>>
      tpu.wait_dma2 semaphore(%arg12 : memref<!tpu.dma_semaphore, #tpu.memory_space<semaphore_mem>>) src(%dma_wait3A_141 : memref<100x64xf32, #tpu.memory_space<hbm>>) dst(%dma_wait3A_138 : memref<100x64xf32, #tpu.memory_space<vmem>>)
      %dma_start3A = arith.constant 0 : i32
      %dma_start3A_142 = arith.constant 0 : i32
      %dma_start3A_143 = arith.constant 0 : i32
      %dma_start3A_144 = tpu.memref_slice %arg11[%dma_start3A, %dma_start3A_142, %dma_start3A_143] : memref<5x100x64xf32, #tpu.memory_space<vmem>> -> memref<1x100x64xf32, #tpu.memory_space<vmem>>
      %dma_start3A_145 = tpu.memref_squeeze %dma_start3A_144 : memref<1x100x64xf32, #tpu.memory_space<vmem>> -> memref<100x64xf32, #tpu.memory_space<vmem>>
      %dma_start3A_146 = arith.constant 0 : i32
      %dma_start3A_147 = tpu.memref_slice %arg10[%add3A_120, %dma_start3A_146] : memref<200x100xi32, #tpu.memory_space<vmem>> -> memref<1x100xi32, #tpu.memory_space<vmem>>
      %dma_start3A_148 = tpu.memref_squeeze %dma_start3A_147 : memref<1x100xi32, #tpu.memory_space<vmem>> -> memref<100xi32, #tpu.memory_space<vmem>>
      %dma_start3A_149 = arith.constant 0 : i32
      %dma_start3A_150 = arith.constant 0 : i32
      %dma_start3A_151 = tpu.memref_slice %arg8[%dma_start3A_149, %dma_start3A_150] : memref<10240x64xf32, #tpu.memory_space<vmem_shared>> -> memref<10240x64xf32, #tpu.memory_space<vmem_shared>>
      tpu.enqueue_indirect_dma source(%dma_start3A_145 : memref<100x64xf32, #tpu.memory_space<vmem>>) target(%dma_start3A_151 : memref<10240x64xf32, #tpu.memory_space<vmem_shared>>) offsets(%dma_start3A_148 : memref<100xi32, #tpu.memory_space<vmem>>) semaphore(%arg17 : memref<!tpu.dma_semaphore, #tpu.memory_space<semaphore_mem>>) {add = true}
      %mul3A_152 = arith.constant 5 : i32
      %mul3A_153 = arith.muli %scan3A_116, %mul3A_152 : i32
      %add3A_154 = arith.constant 1 : i32
      %add3A_155 = arith.addi %mul3A_153, %add3A_154 : i32
      %add3A_156 = arith.constant 3 : i32
      %add3A_157 = arith.addi %add3A_155, %add3A_156 : i32
      %lt3A_158 = arith.constant 200 : i32
      %lt3A_159 = arith.cmpi slt, %add3A_157, %lt3A_158 : i32
      %convert_element_type3A_160 = arith.extui %lt3A_159 : i1 to i32
      %cond3A_161 = arith.constant 0 : i32
      %cond3A_162 = arith.cmpi ne, %convert_element_type3A_160, %cond3A_161 : i32
      scf.if %cond3A_162 {
        %ge3A = arith.constant 2 : i32
        %ge3A_300 = arith.cmpi sge, %add3A_155, %ge3A : i32
        %convert_element_type3A_301 = arith.extui %ge3A_300 : i1 to i32
        %cond3A_302 = arith.constant 0 : i32
        %cond3A_303 = arith.cmpi ne, %convert_element_type3A_301, %cond3A_302 : i32
        scf.if %cond3A_303 {
          %dma_wait3A_316 = arith.constant 4 : i32
          %dma_wait3A_317 = arith.constant 0 : i32
          %dma_wait3A_318 = arith.constant 0 : i32
          %dma_wait3A_319 = tpu.memref_slice %arg11[%dma_wait3A_316, %dma_wait3A_317, %dma_wait3A_318] : memref<5x100x64xf32, #tpu.memory_space<vmem>> -> memref<1x100x64xf32, #tpu.memory_space<vmem>>
          %dma_wait3A_320 = tpu.memref_squeeze %dma_wait3A_319 : memref<1x100x64xf32, #tpu.memory_space<vmem>> -> memref<100x64xf32, #tpu.memory_space<vmem>>
          %dma_wait3A_321 = arith.constant 0 : i32
          %dma_wait3A_322 = arith.constant 0 : i32
          %dma_wait3A_323 = tpu.memref_slice %arg6[%dma_wait3A_321, %dma_wait3A_322] : memref<10240x64xf32, #tpu.memory_space<hbm>> -> memref<100x64xf32, #tpu.memory_space<hbm>>
          %dma_wait3A_324 = arith.constant 0 : i32
          %dma_wait3A_325 = arith.constant 0 : i32
          %dma_wait3A_326 = tpu.memref_slice %arg11[%dma_wait3A_316, %dma_wait3A_324, %dma_wait3A_325] : memref<5x100x64xf32, #tpu.memory_space<vmem>> -> memref<1x100x64xf32, #tpu.memory_space<vmem>>
          %dma_wait3A_327 = tpu.memref_squeeze %dma_wait3A_326 : memref<1x100x64xf32, #tpu.memory_space<vmem>> -> memref<100x64xf32, #tpu.memory_space<vmem>>
          %dma_wait3A_328 = arith.constant 0 : i32
          %dma_wait3A_329 = arith.constant 0 : i32
          %dma_wait3A_330 = tpu.memref_slice %arg6[%dma_wait3A_328, %dma_wait3A_329] : memref<10240x64xf32, #tpu.memory_space<hbm>> -> memref<100x64xf32, #tpu.memory_space<hbm>>
          tpu.wait_dma2 semaphore(%arg21 : memref<!tpu.dma_semaphore, #tpu.memory_space<semaphore_mem>>) src(%dma_wait3A_330 : memref<100x64xf32, #tpu.memory_space<hbm>>) dst(%dma_wait3A_327 : memref<100x64xf32, #tpu.memory_space<vmem>>)
        } else {
        }
        %add3A_304 = arith.constant 3 : i32
        %add3A_305 = arith.addi %add3A_155, %add3A_304 : i32
        %eq3A_306 = arith.constant 0 : i32
        %eq3A_307 = arith.cmpi eq, %arg0, %eq3A_306 : i32
        %convert_element_type3A_308 = arith.extui %eq3A_307 : i1 to i32
        %cond3A_309 = arith.constant 0 : i32
        %cond3A_310 = arith.cmpi ne, %convert_element_type3A_308, %cond3A_309 : i32
        scf.if %cond3A_310 {
          %dma_start3A_316 = arith.constant 4 : i32
          %dma_start3A_317 = arith.constant 0 : i32
          %dma_start3A_318 = arith.constant 0 : i32
          %dma_start3A_319 = tpu.memref_slice %arg11[%dma_start3A_316, %dma_start3A_317, %dma_start3A_318] : memref<5x100x64xf32, #tpu.memory_space<vmem>> -> memref<1x100x64xf32, #tpu.memory_space<vmem>>
          %dma_start3A_320 = tpu.memref_squeeze %dma_start3A_319 : memref<1x100x64xf32, #tpu.memory_space<vmem>> -> memref<100x64xf32, #tpu.memory_space<vmem>>
          %dma_start3A_321 = arith.constant 0 : i32
          %dma_start3A_322 = tpu.memref_slice %arg9[%add3A_305, %dma_start3A_321] : memref<200x100xi32, #tpu.memory_space<vmem>> -> memref<1x100xi32, #tpu.memory_space<vmem>>
          %dma_start3A_323 = tpu.memref_squeeze %dma_start3A_322 : memref<1x100xi32, #tpu.memory_space<vmem>> -> memref<100xi32, #tpu.memory_space<vmem>>
          %dma_start3A_324 = arith.constant 0 : i32
          %dma_start3A_325 = arith.constant 0 : i32
          %dma_start3A_326 = tpu.memref_slice %arg2[%dma_start3A_324, %dma_start3A_325] : memref<10000x64xf32, #tpu.memory_space<hbm>> -> memref<10000x64xf32, #tpu.memory_space<hbm>>
          tpu.enqueue_indirect_dma source(%dma_start3A_326 : memref<10000x64xf32, #tpu.memory_space<hbm>>) target(%dma_start3A_320 : memref<100x64xf32, #tpu.memory_space<vmem>>) offsets(%dma_start3A_323 : memref<100xi32, #tpu.memory_space<vmem>>) semaphore(%arg16 : memref<!tpu.dma_semaphore, #tpu.memory_space<semaphore_mem>>)
        } else {
        }
        %eq3A_311 = arith.constant 1 : i32
        %eq3A_312 = arith.cmpi eq, %arg0, %eq3A_311 : i32
        %convert_element_type3A_313 = arith.extui %eq3A_312 : i1 to i32
        %cond3A_314 = arith.constant 0 : i32
        %cond3A_315 = arith.cmpi ne, %convert_element_type3A_313, %cond3A_314 : i32
        scf.if %cond3A_315 {
          %dma_start3A_316 = arith.constant 4 : i32
          %dma_start3A_317 = arith.constant 0 : i32
          %dma_start3A_318 = arith.constant 0 : i32
          %dma_start3A_319 = tpu.memref_slice %arg11[%dma_start3A_316, %dma_start3A_317, %dma_start3A_318] : memref<5x100x64xf32, #tpu.memory_space<vmem>> -> memref<1x100x64xf32, #tpu.memory_space<vmem>>
          %dma_start3A_320 = tpu.memref_squeeze %dma_start3A_319 : memref<1x100x64xf32, #tpu.memory_space<vmem>> -> memref<100x64xf32, #tpu.memory_space<vmem>>
          %dma_start3A_321 = arith.constant 0 : i32
          %dma_start3A_322 = tpu.memref_slice %arg9[%add3A_305, %dma_start3A_321] : memref<200x100xi32, #tpu.memory_space<vmem>> -> memref<1x100xi32, #tpu.memory_space<vmem>>
          %dma_start3A_323 = tpu.memref_squeeze %dma_start3A_322 : memref<1x100xi32, #tpu.memory_space<vmem>> -> memref<100xi32, #tpu.memory_space<vmem>>
          %dma_start3A_324 = arith.constant 0 : i32
          %dma_start3A_325 = arith.constant 0 : i32
          %dma_start3A_326 = tpu.memref_slice %arg3[%dma_start3A_324, %dma_start3A_325] : memref<10000x64xf32, #tpu.memory_space<hbm>> -> memref<10000x64xf32, #tpu.memory_space<hbm>>
          tpu.enqueue_indirect_dma source(%dma_start3A_326 : memref<10000x64xf32, #tpu.memory_space<hbm>>) target(%dma_start3A_320 : memref<100x64xf32, #tpu.memory_space<vmem>>) offsets(%dma_start3A_323 : memref<100xi32, #tpu.memory_space<vmem>>) semaphore(%arg16 : memref<!tpu.dma_semaphore, #tpu.memory_space<semaphore_mem>>)
        } else {
        }
      } else {
      }
      %dma_wait3A_163 = arith.constant 1 : i32
      %dma_wait3A_164 = arith.constant 0 : i32
      %dma_wait3A_165 = arith.constant 0 : i32
      %dma_wait3A_166 = tpu.memref_slice %arg11[%dma_wait3A_163, %dma_wait3A_164, %dma_wait3A_165] : memref<5x100x64xf32, #tpu.memory_space<vmem>> -> memref<1x100x64xf32, #tpu.memory_space<vmem>>
      %dma_wait3A_167 = tpu.memref_squeeze %dma_wait3A_166 : memref<1x100x64xf32, #tpu.memory_space<vmem>> -> memref<100x64xf32, #tpu.memory_space<vmem>>
      %dma_wait3A_168 = arith.constant 0 : i32
      %dma_wait3A_169 = arith.constant 0 : i32
      %dma_wait3A_170 = tpu.memref_slice %arg6[%dma_wait3A_168, %dma_wait3A_169] : memref<10240x64xf32, #tpu.memory_space<hbm>> -> memref<100x64xf32, #tpu.memory_space<hbm>>
      %dma_wait3A_171 = arith.constant 0 : i32
      %dma_wait3A_172 = arith.constant 0 : i32
      %dma_wait3A_173 = tpu.memref_slice %arg11[%dma_wait3A_163, %dma_wait3A_171, %dma_wait3A_172] : memref<5x100x64xf32, #tpu.memory_space<vmem>> -> memref<1x100x64xf32, #tpu.memory_space<vmem>>
      %dma_wait3A_174 = tpu.memref_squeeze %dma_wait3A_173 : memref<1x100x64xf32, #tpu.memory_space<vmem>> -> memref<100x64xf32, #tpu.memory_space<vmem>>
      %dma_wait3A_175 = arith.constant 0 : i32
      %dma_wait3A_176 = arith.constant 0 : i32
      %dma_wait3A_177 = tpu.memref_slice %arg6[%dma_wait3A_175, %dma_wait3A_176] : memref<10240x64xf32, #tpu.memory_space<hbm>> -> memref<100x64xf32, #tpu.memory_space<hbm>>
      tpu.wait_dma2 semaphore(%arg13 : memref<!tpu.dma_semaphore, #tpu.memory_space<semaphore_mem>>) src(%dma_wait3A_177 : memref<100x64xf32, #tpu.memory_space<hbm>>) dst(%dma_wait3A_174 : memref<100x64xf32, #tpu.memory_space<vmem>>)
      %dma_start3A_178 = arith.constant 1 : i32
      %dma_start3A_179 = arith.constant 0 : i32
      %dma_start3A_180 = arith.constant 0 : i32
      %dma_start3A_181 = tpu.memref_slice %arg11[%dma_start3A_178, %dma_start3A_179, %dma_start3A_180] : memref<5x100x64xf32, #tpu.memory_space<vmem>> -> memref<1x100x64xf32, #tpu.memory_space<vmem>>
      %dma_start3A_182 = tpu.memref_squeeze %dma_start3A_181 : memref<1x100x64xf32, #tpu.memory_space<vmem>> -> memref<100x64xf32, #tpu.memory_space<vmem>>
      %dma_start3A_183 = arith.constant 0 : i32
      %dma_start3A_184 = tpu.memref_slice %arg10[%add3A_155, %dma_start3A_183] : memref<200x100xi32, #tpu.memory_space<vmem>> -> memref<1x100xi32, #tpu.memory_space<vmem>>
      %dma_start3A_185 = tpu.memref_squeeze %dma_start3A_184 : memref<1x100xi32, #tpu.memory_space<vmem>> -> memref<100xi32, #tpu.memory_space<vmem>>
      %dma_start3A_186 = arith.constant 0 : i32
      %dma_start3A_187 = arith.constant 0 : i32
      %dma_start3A_188 = tpu.memref_slice %arg8[%dma_start3A_186, %dma_start3A_187] : memref<10240x64xf32, #tpu.memory_space<vmem_shared>> -> memref<10240x64xf32, #tpu.memory_space<vmem_shared>>
      tpu.enqueue_indirect_dma source(%dma_start3A_182 : memref<100x64xf32, #tpu.memory_space<vmem>>) target(%dma_start3A_188 : memref<10240x64xf32, #tpu.memory_space<vmem_shared>>) offsets(%dma_start3A_185 : memref<100xi32, #tpu.memory_space<vmem>>) semaphore(%arg18 : memref<!tpu.dma_semaphore, #tpu.memory_space<semaphore_mem>>) {add = true}
      %mul3A_189 = arith.constant 5 : i32
      %mul3A_190 = arith.muli %scan3A_116, %mul3A_189 : i32
      %add3A_191 = arith.constant 2 : i32
      %add3A_192 = arith.addi %mul3A_190, %add3A_191 : i32
      %add3A_193 = arith.constant 3 : i32
      %add3A_194 = arith.addi %add3A_192, %add3A_193 : i32
      %lt3A_195 = arith.constant 200 : i32
      %lt3A_196 = arith.cmpi slt, %add3A_194, %lt3A_195 : i32
      %convert_element_type3A_197 = arith.extui %lt3A_196 : i1 to i32
      %cond3A_198 = arith.constant 0 : i32
      %cond3A_199 = arith.cmpi ne, %convert_element_type3A_197, %cond3A_198 : i32
      scf.if %cond3A_199 {
        %ge3A = arith.constant 2 : i32
        %ge3A_300 = arith.cmpi sge, %add3A_192, %ge3A : i32
        %convert_element_type3A_301 = arith.extui %ge3A_300 : i1 to i32
        %cond3A_302 = arith.constant 0 : i32
        %cond3A_303 = arith.cmpi ne, %convert_element_type3A_301, %cond3A_302 : i32
        scf.if %cond3A_303 {
          %dma_wait3A_316 = arith.constant 0 : i32
          %dma_wait3A_317 = arith.constant 0 : i32
          %dma_wait3A_318 = arith.constant 0 : i32
          %dma_wait3A_319 = tpu.memref_slice %arg11[%dma_wait3A_316, %dma_wait3A_317, %dma_wait3A_318] : memref<5x100x64xf32, #tpu.memory_space<vmem>> -> memref<1x100x64xf32, #tpu.memory_space<vmem>>
          %dma_wait3A_320 = tpu.memref_squeeze %dma_wait3A_319 : memref<1x100x64xf32, #tpu.memory_space<vmem>> -> memref<100x64xf32, #tpu.memory_space<vmem>>
          %dma_wait3A_321 = arith.constant 0 : i32
          %dma_wait3A_322 = arith.constant 0 : i32
          %dma_wait3A_323 = tpu.memref_slice %arg6[%dma_wait3A_321, %dma_wait3A_322] : memref<10240x64xf32, #tpu.memory_space<hbm>> -> memref<100x64xf32, #tpu.memory_space<hbm>>
          %dma_wait3A_324 = arith.constant 0 : i32
          %dma_wait3A_325 = arith.constant 0 : i32
          %dma_wait3A_326 = tpu.memref_slice %arg11[%dma_wait3A_316, %dma_wait3A_324, %dma_wait3A_325] : memref<5x100x64xf32, #tpu.memory_space<vmem>> -> memref<1x100x64xf32, #tpu.memory_space<vmem>>
          %dma_wait3A_327 = tpu.memref_squeeze %dma_wait3A_326 : memref<1x100x64xf32, #tpu.memory_space<vmem>> -> memref<100x64xf32, #tpu.memory_space<vmem>>
          %dma_wait3A_328 = arith.constant 0 : i32
          %dma_wait3A_329 = arith.constant 0 : i32
          %dma_wait3A_330 = tpu.memref_slice %arg6[%dma_wait3A_328, %dma_wait3A_329] : memref<10240x64xf32, #tpu.memory_space<hbm>> -> memref<100x64xf32, #tpu.memory_space<hbm>>
          tpu.wait_dma2 semaphore(%arg17 : memref<!tpu.dma_semaphore, #tpu.memory_space<semaphore_mem>>) src(%dma_wait3A_330 : memref<100x64xf32, #tpu.memory_space<hbm>>) dst(%dma_wait3A_327 : memref<100x64xf32, #tpu.memory_space<vmem>>)
        } else {
        }
        %add3A_304 = arith.constant 3 : i32
        %add3A_305 = arith.addi %add3A_192, %add3A_304 : i32
        %eq3A_306 = arith.constant 0 : i32
        %eq3A_307 = arith.cmpi eq, %arg0, %eq3A_306 : i32
        %convert_element_type3A_308 = arith.extui %eq3A_307 : i1 to i32
        %cond3A_309 = arith.constant 0 : i32
        %cond3A_310 = arith.cmpi ne, %convert_element_type3A_308, %cond3A_309 : i32
        scf.if %cond3A_310 {
          %dma_start3A_316 = arith.constant 0 : i32
          %dma_start3A_317 = arith.constant 0 : i32
          %dma_start3A_318 = arith.constant 0 : i32
          %dma_start3A_319 = tpu.memref_slice %arg11[%dma_start3A_316, %dma_start3A_317, %dma_start3A_318] : memref<5x100x64xf32, #tpu.memory_space<vmem>> -> memref<1x100x64xf32, #tpu.memory_space<vmem>>
          %dma_start3A_320 = tpu.memref_squeeze %dma_start3A_319 : memref<1x100x64xf32, #tpu.memory_space<vmem>> -> memref<100x64xf32, #tpu.memory_space<vmem>>
          %dma_start3A_321 = arith.constant 0 : i32
          %dma_start3A_322 = tpu.memref_slice %arg9[%add3A_305, %dma_start3A_321] : memref<200x100xi32, #tpu.memory_space<vmem>> -> memref<1x100xi32, #tpu.memory_space<vmem>>
          %dma_start3A_323 = tpu.memref_squeeze %dma_start3A_322 : memref<1x100xi32, #tpu.memory_space<vmem>> -> memref<100xi32, #tpu.memory_space<vmem>>
          %dma_start3A_324 = arith.constant 0 : i32
          %dma_start3A_325 = arith.constant 0 : i32
          %dma_start3A_326 = tpu.memref_slice %arg2[%dma_start3A_324, %dma_start3A_325] : memref<10000x64xf32, #tpu.memory_space<hbm>> -> memref<10000x64xf32, #tpu.memory_space<hbm>>
          tpu.enqueue_indirect_dma source(%dma_start3A_326 : memref<10000x64xf32, #tpu.memory_space<hbm>>) target(%dma_start3A_320 : memref<100x64xf32, #tpu.memory_space<vmem>>) offsets(%dma_start3A_323 : memref<100xi32, #tpu.memory_space<vmem>>) semaphore(%arg12 : memref<!tpu.dma_semaphore, #tpu.memory_space<semaphore_mem>>)
        } else {
        }
        %eq3A_311 = arith.constant 1 : i32
        %eq3A_312 = arith.cmpi eq, %arg0, %eq3A_311 : i32
        %convert_element_type3A_313 = arith.extui %eq3A_312 : i1 to i32
        %cond3A_314 = arith.constant 0 : i32
        %cond3A_315 = arith.cmpi ne, %convert_element_type3A_313, %cond3A_314 : i32
        scf.if %cond3A_315 {
          %dma_start3A_316 = arith.constant 0 : i32
          %dma_start3A_317 = arith.constant 0 : i32
          %dma_start3A_318 = arith.constant 0 : i32
          %dma_start3A_319 = tpu.memref_slice %arg11[%dma_start3A_316, %dma_start3A_317, %dma_start3A_318] : memref<5x100x64xf32, #tpu.memory_space<vmem>> -> memref<1x100x64xf32, #tpu.memory_space<vmem>>
          %dma_start3A_320 = tpu.memref_squeeze %dma_start3A_319 : memref<1x100x64xf32, #tpu.memory_space<vmem>> -> memref<100x64xf32, #tpu.memory_space<vmem>>
          %dma_start3A_321 = arith.constant 0 : i32
          %dma_start3A_322 = tpu.memref_slice %arg9[%add3A_305, %dma_start3A_321] : memref<200x100xi32, #tpu.memory_space<vmem>> -> memref<1x100xi32, #tpu.memory_space<vmem>>
          %dma_start3A_323 = tpu.memref_squeeze %dma_start3A_322 : memref<1x100xi32, #tpu.memory_space<vmem>> -> memref<100xi32, #tpu.memory_space<vmem>>
          %dma_start3A_324 = arith.constant 0 : i32
          %dma_start3A_325 = arith.constant 0 : i32
          %dma_start3A_326 = tpu.memref_slice %arg3[%dma_start3A_324, %dma_start3A_325] : memref<10000x64xf32, #tpu.memory_space<hbm>> -> memref<10000x64xf32, #tpu.memory_space<hbm>>
          tpu.enqueue_indirect_dma source(%dma_start3A_326 : memref<10000x64xf32, #tpu.memory_space<hbm>>) target(%dma_start3A_320 : memref<100x64xf32, #tpu.memory_space<vmem>>) offsets(%dma_start3A_323 : memref<100xi32, #tpu.memory_space<vmem>>) semaphore(%arg12 : memref<!tpu.dma_semaphore, #tpu.memory_space<semaphore_mem>>)
        } else {
        }
      } else {
      }
      %dma_wait3A_200 = arith.constant 2 : i32
      %dma_wait3A_201 = arith.constant 0 : i32
      %dma_wait3A_202 = arith.constant 0 : i32
      %dma_wait3A_203 = tpu.memref_slice %arg11[%dma_wait3A_200, %dma_wait3A_201, %dma_wait3A_202] : memref<5x100x64xf32, #tpu.memory_space<vmem>> -> memref<1x100x64xf32, #tpu.memory_space<vmem>>
      %dma_wait3A_204 = tpu.memref_squeeze %dma_wait3A_203 : memref<1x100x64xf32, #tpu.memory_space<vmem>> -> memref<100x64xf32, #tpu.memory_space<vmem>>
      %dma_wait3A_205 = arith.constant 0 : i32
      %dma_wait3A_206 = arith.constant 0 : i32
      %dma_wait3A_207 = tpu.memref_slice %arg6[%dma_wait3A_205, %dma_wait3A_206] : memref<10240x64xf32, #tpu.memory_space<hbm>> -> memref<100x64xf32, #tpu.memory_space<hbm>>
      %dma_wait3A_208 = arith.constant 0 : i32
      %dma_wait3A_209 = arith.constant 0 : i32
      %dma_wait3A_210 = tpu.memref_slice %arg11[%dma_wait3A_200, %dma_wait3A_208, %dma_wait3A_209] : memref<5x100x64xf32, #tpu.memory_space<vmem>> -> memref<1x100x64xf32, #tpu.memory_space<vmem>>
      %dma_wait3A_211 = tpu.memref_squeeze %dma_wait3A_210 : memref<1x100x64xf32, #tpu.memory_space<vmem>> -> memref<100x64xf32, #tpu.memory_space<vmem>>
      %dma_wait3A_212 = arith.constant 0 : i32
      %dma_wait3A_213 = arith.constant 0 : i32
      %dma_wait3A_214 = tpu.memref_slice %arg6[%dma_wait3A_212, %dma_wait3A_213] : memref<10240x64xf32, #tpu.memory_space<hbm>> -> memref<100x64xf32, #tpu.memory_space<hbm>>
      tpu.wait_dma2 semaphore(%arg14 : memref<!tpu.dma_semaphore, #tpu.memory_space<semaphore_mem>>) src(%dma_wait3A_214 : memref<100x64xf32, #tpu.memory_space<hbm>>) dst(%dma_wait3A_211 : memref<100x64xf32, #tpu.memory_space<vmem>>)
      %dma_start3A_215 = arith.constant 2 : i32
      %dma_start3A_216 = arith.constant 0 : i32
      %dma_start3A_217 = arith.constant 0 : i32
      %dma_start3A_218 = tpu.memref_slice %arg11[%dma_start3A_215, %dma_start3A_216, %dma_start3A_217] : memref<5x100x64xf32, #tpu.memory_space<vmem>> -> memref<1x100x64xf32, #tpu.memory_space<vmem>>
      %dma_start3A_219 = tpu.memref_squeeze %dma_start3A_218 : memref<1x100x64xf32, #tpu.memory_space<vmem>> -> memref<100x64xf32, #tpu.memory_space<vmem>>
      %dma_start3A_220 = arith.constant 0 : i32
      %dma_start3A_221 = tpu.memref_slice %arg10[%add3A_192, %dma_start3A_220] : memref<200x100xi32, #tpu.memory_space<vmem>> -> memref<1x100xi32, #tpu.memory_space<vmem>>
      %dma_start3A_222 = tpu.memref_squeeze %dma_start3A_221 : memref<1x100xi32, #tpu.memory_space<vmem>> -> memref<100xi32, #tpu.memory_space<vmem>>
      %dma_start3A_223 = arith.constant 0 : i32
      %dma_start3A_224 = arith.constant 0 : i32
      %dma_start3A_225 = tpu.memref_slice %arg8[%dma_start3A_223, %dma_start3A_224] : memref<10240x64xf32, #tpu.memory_space<vmem_shared>> -> memref<10240x64xf32, #tpu.memory_space<vmem_shared>>
      tpu.enqueue_indirect_dma source(%dma_start3A_219 : memref<100x64xf32, #tpu.memory_space<vmem>>) target(%dma_start3A_225 : memref<10240x64xf32, #tpu.memory_space<vmem_shared>>) offsets(%dma_start3A_222 : memref<100xi32, #tpu.memory_space<vmem>>) semaphore(%arg19 : memref<!tpu.dma_semaphore, #tpu.memory_space<semaphore_mem>>) {add = true}
      %mul3A_226 = arith.constant 5 : i32
      %mul3A_227 = arith.muli %scan3A_116, %mul3A_226 : i32
      %add3A_228 = arith.constant 3 : i32
      %add3A_229 = arith.addi %mul3A_227, %add3A_228 : i32
      %add3A_230 = arith.constant 3 : i32
      %add3A_231 = arith.addi %add3A_229, %add3A_230 : i32
      %lt3A_232 = arith.constant 200 : i32
      %lt3A_233 = arith.cmpi slt, %add3A_231, %lt3A_232 : i32
      %convert_element_type3A_234 = arith.extui %lt3A_233 : i1 to i32
      %cond3A_235 = arith.constant 0 : i32
      %cond3A_236 = arith.cmpi ne, %convert_element_type3A_234, %cond3A_235 : i32
      scf.if %cond3A_236 {
        %ge3A = arith.constant 2 : i32
        %ge3A_300 = arith.cmpi sge, %add3A_229, %ge3A : i32
        %convert_element_type3A_301 = arith.extui %ge3A_300 : i1 to i32
        %cond3A_302 = arith.constant 0 : i32
        %cond3A_303 = arith.cmpi ne, %convert_element_type3A_301, %cond3A_302 : i32
        scf.if %cond3A_303 {
          %dma_wait3A_316 = arith.constant 1 : i32
          %dma_wait3A_317 = arith.constant 0 : i32
          %dma_wait3A_318 = arith.constant 0 : i32
          %dma_wait3A_319 = tpu.memref_slice %arg11[%dma_wait3A_316, %dma_wait3A_317, %dma_wait3A_318] : memref<5x100x64xf32, #tpu.memory_space<vmem>> -> memref<1x100x64xf32, #tpu.memory_space<vmem>>
          %dma_wait3A_320 = tpu.memref_squeeze %dma_wait3A_319 : memref<1x100x64xf32, #tpu.memory_space<vmem>> -> memref<100x64xf32, #tpu.memory_space<vmem>>
          %dma_wait3A_321 = arith.constant 0 : i32
          %dma_wait3A_322 = arith.constant 0 : i32
          %dma_wait3A_323 = tpu.memref_slice %arg6[%dma_wait3A_321, %dma_wait3A_322] : memref<10240x64xf32, #tpu.memory_space<hbm>> -> memref<100x64xf32, #tpu.memory_space<hbm>>
          %dma_wait3A_324 = arith.constant 0 : i32
          %dma_wait3A_325 = arith.constant 0 : i32
          %dma_wait3A_326 = tpu.memref_slice %arg11[%dma_wait3A_316, %dma_wait3A_324, %dma_wait3A_325] : memref<5x100x64xf32, #tpu.memory_space<vmem>> -> memref<1x100x64xf32, #tpu.memory_space<vmem>>
          %dma_wait3A_327 = tpu.memref_squeeze %dma_wait3A_326 : memref<1x100x64xf32, #tpu.memory_space<vmem>> -> memref<100x64xf32, #tpu.memory_space<vmem>>
          %dma_wait3A_328 = arith.constant 0 : i32
          %dma_wait3A_329 = arith.constant 0 : i32
          %dma_wait3A_330 = tpu.memref_slice %arg6[%dma_wait3A_328, %dma_wait3A_329] : memref<10240x64xf32, #tpu.memory_space<hbm>> -> memref<100x64xf32, #tpu.memory_space<hbm>>
          tpu.wait_dma2 semaphore(%arg18 : memref<!tpu.dma_semaphore, #tpu.memory_space<semaphore_mem>>) src(%dma_wait3A_330 : memref<100x64xf32, #tpu.memory_space<hbm>>) dst(%dma_wait3A_327 : memref<100x64xf32, #tpu.memory_space<vmem>>)
        } else {
        }
        %add3A_304 = arith.constant 3 : i32
        %add3A_305 = arith.addi %add3A_229, %add3A_304 : i32
        %eq3A_306 = arith.constant 0 : i32
        %eq3A_307 = arith.cmpi eq, %arg0, %eq3A_306 : i32
        %convert_element_type3A_308 = arith.extui %eq3A_307 : i1 to i32
        %cond3A_309 = arith.constant 0 : i32
        %cond3A_310 = arith.cmpi ne, %convert_element_type3A_308, %cond3A_309 : i32
        scf.if %cond3A_310 {
          %dma_start3A_316 = arith.constant 1 : i32
          %dma_start3A_317 = arith.constant 0 : i32
          %dma_start3A_318 = arith.constant 0 : i32
          %dma_start3A_319 = tpu.memref_slice %arg11[%dma_start3A_316, %dma_start3A_317, %dma_start3A_318] : memref<5x100x64xf32, #tpu.memory_space<vmem>> -> memref<1x100x64xf32, #tpu.memory_space<vmem>>
          %dma_start3A_320 = tpu.memref_squeeze %dma_start3A_319 : memref<1x100x64xf32, #tpu.memory_space<vmem>> -> memref<100x64xf32, #tpu.memory_space<vmem>>
          %dma_start3A_321 = arith.constant 0 : i32
          %dma_start3A_322 = tpu.memref_slice %arg9[%add3A_305, %dma_start3A_321] : memref<200x100xi32, #tpu.memory_space<vmem>> -> memref<1x100xi32, #tpu.memory_space<vmem>>
          %dma_start3A_323 = tpu.memref_squeeze %dma_start3A_322 : memref<1x100xi32, #tpu.memory_space<vmem>> -> memref<100xi32, #tpu.memory_space<vmem>>
          %dma_start3A_324 = arith.constant 0 : i32
          %dma_start3A_325 = arith.constant 0 : i32
          %dma_start3A_326 = tpu.memref_slice %arg2[%dma_start3A_324, %dma_start3A_325] : memref<10000x64xf32, #tpu.memory_space<hbm>> -> memref<10000x64xf32, #tpu.memory_space<hbm>>
          tpu.enqueue_indirect_dma source(%dma_start3A_326 : memref<10000x64xf32, #tpu.memory_space<hbm>>) target(%dma_start3A_320 : memref<100x64xf32, #tpu.memory_space<vmem>>) offsets(%dma_start3A_323 : memref<100xi32, #tpu.memory_space<vmem>>) semaphore(%arg13 : memref<!tpu.dma_semaphore, #tpu.memory_space<semaphore_mem>>)
        } else {
        }
        %eq3A_311 = arith.constant 1 : i32
        %eq3A_312 = arith.cmpi eq, %arg0, %eq3A_311 : i32
        %convert_element_type3A_313 = arith.extui %eq3A_312 : i1 to i32
        %cond3A_314 = arith.constant 0 : i32
        %cond3A_315 = arith.cmpi ne, %convert_element_type3A_313, %cond3A_314 : i32
        scf.if %cond3A_315 {
          %dma_start3A_316 = arith.constant 1 : i32
          %dma_start3A_317 = arith.constant 0 : i32
          %dma_start3A_318 = arith.constant 0 : i32
          %dma_start3A_319 = tpu.memref_slice %arg11[%dma_start3A_316, %dma_start3A_317, %dma_start3A_318] : memref<5x100x64xf32, #tpu.memory_space<vmem>> -> memref<1x100x64xf32, #tpu.memory_space<vmem>>
          %dma_start3A_320 = tpu.memref_squeeze %dma_start3A_319 : memref<1x100x64xf32, #tpu.memory_space<vmem>> -> memref<100x64xf32, #tpu.memory_space<vmem>>
          %dma_start3A_321 = arith.constant 0 : i32
          %dma_start3A_322 = tpu.memref_slice %arg9[%add3A_305, %dma_start3A_321] : memref<200x100xi32, #tpu.memory_space<vmem>> -> memref<1x100xi32, #tpu.memory_space<vmem>>
          %dma_start3A_323 = tpu.memref_squeeze %dma_start3A_322 : memref<1x100xi32, #tpu.memory_space<vmem>> -> memref<100xi32, #tpu.memory_space<vmem>>
          %dma_start3A_324 = arith.constant 0 : i32
          %dma_start3A_325 = arith.constant 0 : i32
          %dma_start3A_326 = tpu.memref_slice %arg3[%dma_start3A_324, %dma_start3A_325] : memref<10000x64xf32, #tpu.memory_space<hbm>> -> memref<10000x64xf32, #tpu.memory_space<hbm>>
          tpu.enqueue_indirect_dma source(%dma_start3A_326 : memref<10000x64xf32, #tpu.memory_space<hbm>>) target(%dma_start3A_320 : memref<100x64xf32, #tpu.memory_space<vmem>>) offsets(%dma_start3A_323 : memref<100xi32, #tpu.memory_space<vmem>>) semaphore(%arg13 : memref<!tpu.dma_semaphore, #tpu.memory_space<semaphore_mem>>)
        } else {
        }
      } else {
      }
      %dma_wait3A_237 = arith.constant 3 : i32
      %dma_wait3A_238 = arith.constant 0 : i32
      %dma_wait3A_239 = arith.constant 0 : i32
      %dma_wait3A_240 = tpu.memref_slice %arg11[%dma_wait3A_237, %dma_wait3A_238, %dma_wait3A_239] : memref<5x100x64xf32, #tpu.memory_space<vmem>> -> memref<1x100x64xf32, #tpu.memory_space<vmem>>
      %dma_wait3A_241 = tpu.memref_squeeze %dma_wait3A_240 : memref<1x100x64xf32, #tpu.memory_space<vmem>> -> memref<100x64xf32, #tpu.memory_space<vmem>>
      %dma_wait3A_242 = arith.constant 0 : i32
      %dma_wait3A_243 = arith.constant 0 : i32
      %dma_wait3A_244 = tpu.memref_slice %arg6[%dma_wait3A_242, %dma_wait3A_243] : memref<10240x64xf32, #tpu.memory_space<hbm>> -> memref<100x64xf32, #tpu.memory_space<hbm>>
      %dma_wait3A_245 = arith.constant 0 : i32
      %dma_wait3A_246 = arith.constant 0 : i32
      %dma_wait3A_247 = tpu.memref_slice %arg11[%dma_wait3A_237, %dma_wait3A_245, %dma_wait3A_246] : memref<5x100x64xf32, #tpu.memory_space<vmem>> -> memref<1x100x64xf32, #tpu.memory_space<vmem>>
      %dma_wait3A_248 = tpu.memref_squeeze %dma_wait3A_247 : memref<1x100x64xf32, #tpu.memory_space<vmem>> -> memref<100x64xf32, #tpu.memory_space<vmem>>
      %dma_wait3A_249 = arith.constant 0 : i32
      %dma_wait3A_250 = arith.constant 0 : i32
      %dma_wait3A_251 = tpu.memref_slice %arg6[%dma_wait3A_249, %dma_wait3A_250] : memref<10240x64xf32, #tpu.memory_space<hbm>> -> memref<100x64xf32, #tpu.memory_space<hbm>>
      tpu.wait_dma2 semaphore(%arg15 : memref<!tpu.dma_semaphore, #tpu.memory_space<semaphore_mem>>) src(%dma_wait3A_251 : memref<100x64xf32, #tpu.memory_space<hbm>>) dst(%dma_wait3A_248 : memref<100x64xf32, #tpu.memory_space<vmem>>)
      %dma_start3A_252 = arith.constant 3 : i32
      %dma_start3A_253 = arith.constant 0 : i32
      %dma_start3A_254 = arith.constant 0 : i32
      %dma_start3A_255 = tpu.memref_slice %arg11[%dma_start3A_252, %dma_start3A_253, %dma_start3A_254] : memref<5x100x64xf32, #tpu.memory_space<vmem>> -> memref<1x100x64xf32, #tpu.memory_space<vmem>>
      %dma_start3A_256 = tpu.memref_squeeze %dma_start3A_255 : memref<1x100x64xf32, #tpu.memory_space<vmem>> -> memref<100x64xf32, #tpu.memory_space<vmem>>
      %dma_start3A_257 = arith.constant 0 : i32
      %dma_start3A_258 = tpu.memref_slice %arg10[%add3A_229, %dma_start3A_257] : memref<200x100xi32, #tpu.memory_space<vmem>> -> memref<1x100xi32, #tpu.memory_space<vmem>>
      %dma_start3A_259 = tpu.memref_squeeze %dma_start3A_258 : memref<1x100xi32, #tpu.memory_space<vmem>> -> memref<100xi32, #tpu.memory_space<vmem>>
      %dma_start3A_260 = arith.constant 0 : i32
      %dma_start3A_261 = arith.constant 0 : i32
      %dma_start3A_262 = tpu.memref_slice %arg8[%dma_start3A_260, %dma_start3A_261] : memref<10240x64xf32, #tpu.memory_space<vmem_shared>> -> memref<10240x64xf32, #tpu.memory_space<vmem_shared>>
      tpu.enqueue_indirect_dma source(%dma_start3A_256 : memref<100x64xf32, #tpu.memory_space<vmem>>) target(%dma_start3A_262 : memref<10240x64xf32, #tpu.memory_space<vmem_shared>>) offsets(%dma_start3A_259 : memref<100xi32, #tpu.memory_space<vmem>>) semaphore(%arg20 : memref<!tpu.dma_semaphore, #tpu.memory_space<semaphore_mem>>) {add = true}
      %mul3A_263 = arith.constant 5 : i32
      %mul3A_264 = arith.muli %scan3A_116, %mul3A_263 : i32
      %add3A_265 = arith.constant 4 : i32
      %add3A_266 = arith.addi %mul3A_264, %add3A_265 : i32
      %add3A_267 = arith.constant 3 : i32
      %add3A_268 = arith.addi %add3A_266, %add3A_267 : i32
      %lt3A_269 = arith.constant 200 : i32
      %lt3A_270 = arith.cmpi slt, %add3A_268, %lt3A_269 : i32
      %convert_element_type3A_271 = arith.extui %lt3A_270 : i1 to i32
      %cond3A_272 = arith.constant 0 : i32
      %cond3A_273 = arith.cmpi ne, %convert_element_type3A_271, %cond3A_272 : i32
      scf.if %cond3A_273 {
        %ge3A = arith.constant 2 : i32
        %ge3A_300 = arith.cmpi sge, %add3A_266, %ge3A : i32
        %convert_element_type3A_301 = arith.extui %ge3A_300 : i1 to i32
        %cond3A_302 = arith.constant 0 : i32
        %cond3A_303 = arith.cmpi ne, %convert_element_type3A_301, %cond3A_302 : i32
        scf.if %cond3A_303 {
          %dma_wait3A_316 = arith.constant 2 : i32
          %dma_wait3A_317 = arith.constant 0 : i32
          %dma_wait3A_318 = arith.constant 0 : i32
          %dma_wait3A_319 = tpu.memref_slice %arg11[%dma_wait3A_316, %dma_wait3A_317, %dma_wait3A_318] : memref<5x100x64xf32, #tpu.memory_space<vmem>> -> memref<1x100x64xf32, #tpu.memory_space<vmem>>
          %dma_wait3A_320 = tpu.memref_squeeze %dma_wait3A_319 : memref<1x100x64xf32, #tpu.memory_space<vmem>> -> memref<100x64xf32, #tpu.memory_space<vmem>>
          %dma_wait3A_321 = arith.constant 0 : i32
          %dma_wait3A_322 = arith.constant 0 : i32
          %dma_wait3A_323 = tpu.memref_slice %arg6[%dma_wait3A_321, %dma_wait3A_322] : memref<10240x64xf32, #tpu.memory_space<hbm>> -> memref<100x64xf32, #tpu.memory_space<hbm>>
          %dma_wait3A_324 = arith.constant 0 : i32
          %dma_wait3A_325 = arith.constant 0 : i32
          %dma_wait3A_326 = tpu.memref_slice %arg11[%dma_wait3A_316, %dma_wait3A_324, %dma_wait3A_325] : memref<5x100x64xf32, #tpu.memory_space<vmem>> -> memref<1x100x64xf32, #tpu.memory_space<vmem>>
          %dma_wait3A_327 = tpu.memref_squeeze %dma_wait3A_326 : memref<1x100x64xf32, #tpu.memory_space<vmem>> -> memref<100x64xf32, #tpu.memory_space<vmem>>
          %dma_wait3A_328 = arith.constant 0 : i32
          %dma_wait3A_329 = arith.constant 0 : i32
          %dma_wait3A_330 = tpu.memref_slice %arg6[%dma_wait3A_328, %dma_wait3A_329] : memref<10240x64xf32, #tpu.memory_space<hbm>> -> memref<100x64xf32, #tpu.memory_space<hbm>>
          tpu.wait_dma2 semaphore(%arg19 : memref<!tpu.dma_semaphore, #tpu.memory_space<semaphore_mem>>) src(%dma_wait3A_330 : memref<100x64xf32, #tpu.memory_space<hbm>>) dst(%dma_wait3A_327 : memref<100x64xf32, #tpu.memory_space<vmem>>)
        } else {
        }
        %add3A_304 = arith.constant 3 : i32
        %add3A_305 = arith.addi %add3A_266, %add3A_304 : i32
        %eq3A_306 = arith.constant 0 : i32
        %eq3A_307 = arith.cmpi eq, %arg0, %eq3A_306 : i32
        %convert_element_type3A_308 = arith.extui %eq3A_307 : i1 to i32
        %cond3A_309 = arith.constant 0 : i32
        %cond3A_310 = arith.cmpi ne, %convert_element_type3A_308, %cond3A_309 : i32
        scf.if %cond3A_310 {
          %dma_start3A_316 = arith.constant 2 : i32
          %dma_start3A_317 = arith.constant 0 : i32
          %dma_start3A_318 = arith.constant 0 : i32
          %dma_start3A_319 = tpu.memref_slice %arg11[%dma_start3A_316, %dma_start3A_317, %dma_start3A_318] : memref<5x100x64xf32, #tpu.memory_space<vmem>> -> memref<1x100x64xf32, #tpu.memory_space<vmem>>
          %dma_start3A_320 = tpu.memref_squeeze %dma_start3A_319 : memref<1x100x64xf32, #tpu.memory_space<vmem>> -> memref<100x64xf32, #tpu.memory_space<vmem>>
          %dma_start3A_321 = arith.constant 0 : i32
          %dma_start3A_322 = tpu.memref_slice %arg9[%add3A_305, %dma_start3A_321] : memref<200x100xi32, #tpu.memory_space<vmem>> -> memref<1x100xi32, #tpu.memory_space<vmem>>
          %dma_start3A_323 = tpu.memref_squeeze %dma_start3A_322 : memref<1x100xi32, #tpu.memory_space<vmem>> -> memref<100xi32, #tpu.memory_space<vmem>>
          %dma_start3A_324 = arith.constant 0 : i32
          %dma_start3A_325 = arith.constant 0 : i32
          %dma_start3A_326 = tpu.memref_slice %arg2[%dma_start3A_324, %dma_start3A_325] : memref<10000x64xf32, #tpu.memory_space<hbm>> -> memref<10000x64xf32, #tpu.memory_space<hbm>>
          tpu.enqueue_indirect_dma source(%dma_start3A_326 : memref<10000x64xf32, #tpu.memory_space<hbm>>) target(%dma_start3A_320 : memref<100x64xf32, #tpu.memory_space<vmem>>) offsets(%dma_start3A_323 : memref<100xi32, #tpu.memory_space<vmem>>) semaphore(%arg14 : memref<!tpu.dma_semaphore, #tpu.memory_space<semaphore_mem>>)
        } else {
        }
        %eq3A_311 = arith.constant 1 : i32
        %eq3A_312 = arith.cmpi eq, %arg0, %eq3A_311 : i32
        %convert_element_type3A_313 = arith.extui %eq3A_312 : i1 to i32
        %cond3A_314 = arith.constant 0 : i32
        %cond3A_315 = arith.cmpi ne, %convert_element_type3A_313, %cond3A_314 : i32
        scf.if %cond3A_315 {
          %dma_start3A_316 = arith.constant 2 : i32
          %dma_start3A_317 = arith.constant 0 : i32
          %dma_start3A_318 = arith.constant 0 : i32
          %dma_start3A_319 = tpu.memref_slice %arg11[%dma_start3A_316, %dma_start3A_317, %dma_start3A_318] : memref<5x100x64xf32, #tpu.memory_space<vmem>> -> memref<1x100x64xf32, #tpu.memory_space<vmem>>
          %dma_start3A_320 = tpu.memref_squeeze %dma_start3A_319 : memref<1x100x64xf32, #tpu.memory_space<vmem>> -> memref<100x64xf32, #tpu.memory_space<vmem>>
          %dma_start3A_321 = arith.constant 0 : i32
          %dma_start3A_322 = tpu.memref_slice %arg9[%add3A_305, %dma_start3A_321] : memref<200x100xi32, #tpu.memory_space<vmem>> -> memref<1x100xi32, #tpu.memory_space<vmem>>
          %dma_start3A_323 = tpu.memref_squeeze %dma_start3A_322 : memref<1x100xi32, #tpu.memory_space<vmem>> -> memref<100xi32, #tpu.memory_space<vmem>>
          %dma_start3A_324 = arith.constant 0 : i32
          %dma_start3A_325 = arith.constant 0 : i32
          %dma_start3A_326 = tpu.memref_slice %arg3[%dma_start3A_324, %dma_start3A_325] : memref<10000x64xf32, #tpu.memory_space<hbm>> -> memref<10000x64xf32, #tpu.memory_space<hbm>>
          tpu.enqueue_indirect_dma source(%dma_start3A_326 : memref<10000x64xf32, #tpu.memory_space<hbm>>) target(%dma_start3A_320 : memref<100x64xf32, #tpu.memory_space<vmem>>) offsets(%dma_start3A_323 : memref<100xi32, #tpu.memory_space<vmem>>) semaphore(%arg14 : memref<!tpu.dma_semaphore, #tpu.memory_space<semaphore_mem>>)
        } else {
        }
      } else {
      }
      %dma_wait3A_274 = arith.constant 4 : i32
      %dma_wait3A_275 = arith.constant 0 : i32
      %dma_wait3A_276 = arith.constant 0 : i32
      %dma_wait3A_277 = tpu.memref_slice %arg11[%dma_wait3A_274, %dma_wait3A_275, %dma_wait3A_276] : memref<5x100x64xf32, #tpu.memory_space<vmem>> -> memref<1x100x64xf32, #tpu.memory_space<vmem>>
      %dma_wait3A_278 = tpu.memref_squeeze %dma_wait3A_277 : memref<1x100x64xf32, #tpu.memory_space<vmem>> -> memref<100x64xf32, #tpu.memory_space<vmem>>
      %dma_wait3A_279 = arith.constant 0 : i32
      %dma_wait3A_280 = arith.constant 0 : i32
      %dma_wait3A_281 = tpu.memref_slice %arg6[%dma_wait3A_279, %dma_wait3A_280] : memref<10240x64xf32, #tpu.memory_space<hbm>> -> memref<100x64xf32, #tpu.memory_space<hbm>>
      %dma_wait3A_282 = arith.constant 0 : i32
      %dma_wait3A_283 = arith.constant 0 : i32
      %dma_wait3A_284 = tpu.memref_slice %arg11[%dma_wait3A_274, %dma_wait3A_282, %dma_wait3A_283] : memref<5x100x64xf32, #tpu.memory_space<vmem>> -> memref<1x100x64xf32, #tpu.memory_space<vmem>>
      %dma_wait3A_285 = tpu.memref_squeeze %dma_wait3A_284 : memref<1x100x64xf32, #tpu.memory_space<vmem>> -> memref<100x64xf32, #tpu.memory_space<vmem>>
      %dma_wait3A_286 = arith.constant 0 : i32
      %dma_wait3A_287 = arith.constant 0 : i32
      %dma_wait3A_288 = tpu.memref_slice %arg6[%dma_wait3A_286, %dma_wait3A_287] : memref<10240x64xf32, #tpu.memory_space<hbm>> -> memref<100x64xf32, #tpu.memory_space<hbm>>
      tpu.wait_dma2 semaphore(%arg16 : memref<!tpu.dma_semaphore, #tpu.memory_space<semaphore_mem>>) src(%dma_wait3A_288 : memref<100x64xf32, #tpu.memory_space<hbm>>) dst(%dma_wait3A_285 : memref<100x64xf32, #tpu.memory_space<vmem>>)
      %dma_start3A_289 = arith.constant 4 : i32
      %dma_start3A_290 = arith.constant 0 : i32
      %dma_start3A_291 = arith.constant 0 : i32
      %dma_start3A_292 = tpu.memref_slice %arg11[%dma_start3A_289, %dma_start3A_290, %dma_start3A_291] : memref<5x100x64xf32, #tpu.memory_space<vmem>> -> memref<1x100x64xf32, #tpu.memory_space<vmem>>
      %dma_start3A_293 = tpu.memref_squeeze %dma_start3A_292 : memref<1x100x64xf32, #tpu.memory_space<vmem>> -> memref<100x64xf32, #tpu.memory_space<vmem>>
      %dma_start3A_294 = arith.constant 0 : i32
      %dma_start3A_295 = tpu.memref_slice %arg10[%add3A_266, %dma_start3A_294] : memref<200x100xi32, #tpu.memory_space<vmem>> -> memref<1x100xi32, #tpu.memory_space<vmem>>
      %dma_start3A_296 = tpu.memref_squeeze %dma_start3A_295 : memref<1x100xi32, #tpu.memory_space<vmem>> -> memref<100xi32, #tpu.memory_space<vmem>>
      %dma_start3A_297 = arith.constant 0 : i32
      %dma_start3A_298 = arith.constant 0 : i32
      %dma_start3A_299 = tpu.memref_slice %arg8[%dma_start3A_297, %dma_start3A_298] : memref<10240x64xf32, #tpu.memory_space<vmem_shared>> -> memref<10240x64xf32, #tpu.memory_space<vmem_shared>>
      tpu.enqueue_indirect_dma source(%dma_start3A_293 : memref<100x64xf32, #tpu.memory_space<vmem>>) target(%dma_start3A_299 : memref<10240x64xf32, #tpu.memory_space<vmem_shared>>) offsets(%dma_start3A_296 : memref<100xi32, #tpu.memory_space<vmem>>) semaphore(%arg21 : memref<!tpu.dma_semaphore, #tpu.memory_space<semaphore_mem>>) {add = true}
    }
    %scan3A_34 = arith.constant 40 : i32
    %dma_wait3A = arith.constant 0 : i32
    %dma_wait3A_35 = arith.constant 0 : i32
    %dma_wait3A_36 = arith.constant 0 : i32
    %dma_wait3A_37 = tpu.memref_slice %arg11[%dma_wait3A, %dma_wait3A_35, %dma_wait3A_36] : memref<5x100x64xf32, #tpu.memory_space<vmem>> -> memref<1x100x64xf32, #tpu.memory_space<vmem>>
    %dma_wait3A_38 = tpu.memref_squeeze %dma_wait3A_37 : memref<1x100x64xf32, #tpu.memory_space<vmem>> -> memref<100x64xf32, #tpu.memory_space<vmem>>
    %dma_wait3A_39 = arith.constant 0 : i32
    %dma_wait3A_40 = arith.constant 0 : i32
    %dma_wait3A_41 = tpu.memref_slice %arg6[%dma_wait3A_39, %dma_wait3A_40] : memref<10240x64xf32, #tpu.memory_space<hbm>> -> memref<100x64xf32, #tpu.memory_space<hbm>>
    %dma_wait3A_42 = arith.constant 0 : i32
    %dma_wait3A_43 = arith.constant 0 : i32
    %dma_wait3A_44 = tpu.memref_slice %arg11[%dma_wait3A, %dma_wait3A_42, %dma_wait3A_43] : memref<5x100x64xf32, #tpu.memory_space<vmem>> -> memref<1x100x64xf32, #tpu.memory_space<vmem>>
    %dma_wait3A_45 = tpu.memref_squeeze %dma_wait3A_44 : memref<1x100x64xf32, #tpu.memory_space<vmem>> -> memref<100x64xf32, #tpu.memory_space<vmem>>
    %dma_wait3A_46 = arith.constant 0 : i32
    %dma_wait3A_47 = arith.constant 0 : i32
    %dma_wait3A_48 = tpu.memref_slice %arg6[%dma_wait3A_46, %dma_wait3A_47] : memref<10240x64xf32, #tpu.memory_space<hbm>> -> memref<100x64xf32, #tpu.memory_space<hbm>>
    tpu.wait_dma2 semaphore(%arg17 : memref<!tpu.dma_semaphore, #tpu.memory_space<semaphore_mem>>) src(%dma_wait3A_48 : memref<100x64xf32, #tpu.memory_space<hbm>>) dst(%dma_wait3A_45 : memref<100x64xf32, #tpu.memory_space<vmem>>)
    %dma_wait3A_49 = arith.constant 1 : i32
    %dma_wait3A_50 = arith.constant 0 : i32
    %dma_wait3A_51 = arith.constant 0 : i32
    %dma_wait3A_52 = tpu.memref_slice %arg11[%dma_wait3A_49, %dma_wait3A_50, %dma_wait3A_51] : memref<5x100x64xf32, #tpu.memory_space<vmem>> -> memref<1x100x64xf32, #tpu.memory_space<vmem>>
    %dma_wait3A_53 = tpu.memref_squeeze %dma_wait3A_52 : memref<1x100x64xf32, #tpu.memory_space<vmem>> -> memref<100x64xf32, #tpu.memory_space<vmem>>
    %dma_wait3A_54 = arith.constant 0 : i32
    %dma_wait3A_55 = arith.constant 0 : i32
    %dma_wait3A_56 = tpu.memref_slice %arg6[%dma_wait3A_54, %dma_wait3A_55] : memref<10240x64xf32, #tpu.memory_space<hbm>> -> memref<100x64xf32, #tpu.memory_space<hbm>>
    %dma_wait3A_57 = arith.constant 0 : i32
    %dma_wait3A_58 = arith.constant 0 : i32
    %dma_wait3A_59 = tpu.memref_slice %arg11[%dma_wait3A_49, %dma_wait3A_57, %dma_wait3A_58] : memref<5x100x64xf32, #tpu.memory_space<vmem>> -> memref<1x100x64xf32, #tpu.memory_space<vmem>>
    %dma_wait3A_60 = tpu.memref_squeeze %dma_wait3A_59 : memref<1x100x64xf32, #tpu.memory_space<vmem>> -> memref<100x64xf32, #tpu.memory_space<vmem>>
    %dma_wait3A_61 = arith.constant 0 : i32
    %dma_wait3A_62 = arith.constant 0 : i32
    %dma_wait3A_63 = tpu.memref_slice %arg6[%dma_wait3A_61, %dma_wait3A_62] : memref<10240x64xf32, #tpu.memory_space<hbm>> -> memref<100x64xf32, #tpu.memory_space<hbm>>
    tpu.wait_dma2 semaphore(%arg18 : memref<!tpu.dma_semaphore, #tpu.memory_space<semaphore_mem>>) src(%dma_wait3A_63 : memref<100x64xf32, #tpu.memory_space<hbm>>) dst(%dma_wait3A_60 : memref<100x64xf32, #tpu.memory_space<vmem>>)
    %dma_wait3A_64 = arith.constant 2 : i32
    %dma_wait3A_65 = arith.constant 0 : i32
    %dma_wait3A_66 = arith.constant 0 : i32
    %dma_wait3A_67 = tpu.memref_slice %arg11[%dma_wait3A_64, %dma_wait3A_65, %dma_wait3A_66] : memref<5x100x64xf32, #tpu.memory_space<vmem>> -> memref<1x100x64xf32, #tpu.memory_space<vmem>>
    %dma_wait3A_68 = tpu.memref_squeeze %dma_wait3A_67 : memref<1x100x64xf32, #tpu.memory_space<vmem>> -> memref<100x64xf32, #tpu.memory_space<vmem>>
    %dma_wait3A_69 = arith.constant 0 : i32
    %dma_wait3A_70 = arith.constant 0 : i32
    %dma_wait3A_71 = tpu.memref_slice %arg6[%dma_wait3A_69, %dma_wait3A_70] : memref<10240x64xf32, #tpu.memory_space<hbm>> -> memref<100x64xf32, #tpu.memory_space<hbm>>
    %dma_wait3A_72 = arith.constant 0 : i32
    %dma_wait3A_73 = arith.constant 0 : i32
    %dma_wait3A_74 = tpu.memref_slice %arg11[%dma_wait3A_64, %dma_wait3A_72, %dma_wait3A_73] : memref<5x100x64xf32, #tpu.memory_space<vmem>> -> memref<1x100x64xf32, #tpu.memory_space<vmem>>
    %dma_wait3A_75 = tpu.memref_squeeze %dma_wait3A_74 : memref<1x100x64xf32, #tpu.memory_space<vmem>> -> memref<100x64xf32, #tpu.memory_space<vmem>>
    %dma_wait3A_76 = arith.constant 0 : i32
    %dma_wait3A_77 = arith.constant 0 : i32
    %dma_wait3A_78 = tpu.memref_slice %arg6[%dma_wait3A_76, %dma_wait3A_77] : memref<10240x64xf32, #tpu.memory_space<hbm>> -> memref<100x64xf32, #tpu.memory_space<hbm>>
    tpu.wait_dma2 semaphore(%arg19 : memref<!tpu.dma_semaphore, #tpu.memory_space<semaphore_mem>>) src(%dma_wait3A_78 : memref<100x64xf32, #tpu.memory_space<hbm>>) dst(%dma_wait3A_75 : memref<100x64xf32, #tpu.memory_space<vmem>>)
    %dma_wait3A_79 = arith.constant 3 : i32
    %dma_wait3A_80 = arith.constant 0 : i32
    %dma_wait3A_81 = arith.constant 0 : i32
    %dma_wait3A_82 = tpu.memref_slice %arg11[%dma_wait3A_79, %dma_wait3A_80, %dma_wait3A_81] : memref<5x100x64xf32, #tpu.memory_space<vmem>> -> memref<1x100x64xf32, #tpu.memory_space<vmem>>
    %dma_wait3A_83 = tpu.memref_squeeze %dma_wait3A_82 : memref<1x100x64xf32, #tpu.memory_space<vmem>> -> memref<100x64xf32, #tpu.memory_space<vmem>>
    %dma_wait3A_84 = arith.constant 0 : i32
    %dma_wait3A_85 = arith.constant 0 : i32
    %dma_wait3A_86 = tpu.memref_slice %arg6[%dma_wait3A_84, %dma_wait3A_85] : memref<10240x64xf32, #tpu.memory_space<hbm>> -> memref<100x64xf32, #tpu.memory_space<hbm>>
    %dma_wait3A_87 = arith.constant 0 : i32
    %dma_wait3A_88 = arith.constant 0 : i32
    %dma_wait3A_89 = tpu.memref_slice %arg11[%dma_wait3A_79, %dma_wait3A_87, %dma_wait3A_88] : memref<5x100x64xf32, #tpu.memory_space<vmem>> -> memref<1x100x64xf32, #tpu.memory_space<vmem>>
    %dma_wait3A_90 = tpu.memref_squeeze %dma_wait3A_89 : memref<1x100x64xf32, #tpu.memory_space<vmem>> -> memref<100x64xf32, #tpu.memory_space<vmem>>
    %dma_wait3A_91 = arith.constant 0 : i32
    %dma_wait3A_92 = arith.constant 0 : i32
    %dma_wait3A_93 = tpu.memref_slice %arg6[%dma_wait3A_91, %dma_wait3A_92] : memref<10240x64xf32, #tpu.memory_space<hbm>> -> memref<100x64xf32, #tpu.memory_space<hbm>>
    tpu.wait_dma2 semaphore(%arg20 : memref<!tpu.dma_semaphore, #tpu.memory_space<semaphore_mem>>) src(%dma_wait3A_93 : memref<100x64xf32, #tpu.memory_space<hbm>>) dst(%dma_wait3A_90 : memref<100x64xf32, #tpu.memory_space<vmem>>)
    %dma_wait3A_94 = arith.constant 4 : i32
    %dma_wait3A_95 = arith.constant 0 : i32
    %dma_wait3A_96 = arith.constant 0 : i32
    %dma_wait3A_97 = tpu.memref_slice %arg11[%dma_wait3A_94, %dma_wait3A_95, %dma_wait3A_96] : memref<5x100x64xf32, #tpu.memory_space<vmem>> -> memref<1x100x64xf32, #tpu.memory_space<vmem>>
    %dma_wait3A_98 = tpu.memref_squeeze %dma_wait3A_97 : memref<1x100x64xf32, #tpu.memory_space<vmem>> -> memref<100x64xf32, #tpu.memory_space<vmem>>
    %dma_wait3A_99 = arith.constant 0 : i32
    %dma_wait3A_100 = arith.constant 0 : i32
    %dma_wait3A_101 = tpu.memref_slice %arg6[%dma_wait3A_99, %dma_wait3A_100] : memref<10240x64xf32, #tpu.memory_space<hbm>> -> memref<100x64xf32, #tpu.memory_space<hbm>>
    %dma_wait3A_102 = arith.constant 0 : i32
    %dma_wait3A_103 = arith.constant 0 : i32
    %dma_wait3A_104 = tpu.memref_slice %arg11[%dma_wait3A_94, %dma_wait3A_102, %dma_wait3A_103] : memref<5x100x64xf32, #tpu.memory_space<vmem>> -> memref<1x100x64xf32, #tpu.memory_space<vmem>>
    %dma_wait3A_105 = tpu.memref_squeeze %dma_wait3A_104 : memref<1x100x64xf32, #tpu.memory_space<vmem>> -> memref<100x64xf32, #tpu.memory_space<vmem>>
    %dma_wait3A_106 = arith.constant 0 : i32
    %dma_wait3A_107 = arith.constant 0 : i32
    %dma_wait3A_108 = tpu.memref_slice %arg6[%dma_wait3A_106, %dma_wait3A_107] : memref<10240x64xf32, #tpu.memory_space<hbm>> -> memref<100x64xf32, #tpu.memory_space<hbm>>
    tpu.wait_dma2 semaphore(%arg21 : memref<!tpu.dma_semaphore, #tpu.memory_space<semaphore_mem>>) src(%dma_wait3A_108 : memref<100x64xf32, #tpu.memory_space<hbm>>) dst(%dma_wait3A_105 : memref<100x64xf32, #tpu.memory_space<vmem>>)
    %barrier3A_109 = arith.constant 0 : index
    tpu.barrier barrier_id(%barrier3A_109)
    %mul3A_110 = arith.constant 640 : i32
    %mul3A_111 = arith.muli %arg1, %mul3A_110 : i32
    %mul3A_112 = arith.constant 10240 : i32
    %mul3A_113 = arith.muli %arg0, %mul3A_112 : i32
    %mul3A_114 = arith.constant 640 : i32
    %mul3A_115 = arith.muli %arg1, %mul3A_114 : i32
    %add3A = arith.addi %mul3A_113, %mul3A_115 : i32
    "tpu.region"() ({
      %run_scoped3A = tpu.sem_alloc : memref<!tpu.dma_semaphore, #tpu.memory_space<semaphore_mem>>
      %dma_start3A = arith.constant 0 : i32
      %dma_start3A_116 = tpu.memref_slice %arg7[%add3A, %dma_start3A] : memref<20480x64xf32, #tpu.memory_space<hbm>> -> memref<640x64xf32, #tpu.memory_space<hbm>>
      %dma_start3A_117 = arith.constant 0 : i32
      %dma_start3A_118 = tpu.memref_slice %arg8[%mul3A_111, %dma_start3A_117] : memref<10240x64xf32, #tpu.memory_space<vmem_shared>> -> memref<640x64xf32, #tpu.memory_space<vmem_shared>>
      tpu.enqueue_dma source(%dma_start3A_118 : memref<640x64xf32, #tpu.memory_space<vmem_shared>>) target(%dma_start3A_116 : memref<640x64xf32, #tpu.memory_space<hbm>>) target_semaphore(%run_scoped3A : memref<!tpu.dma_semaphore, #tpu.memory_space<semaphore_mem>>)
      %dma_wait3A_119 = arith.constant 0 : i32
      %dma_wait3A_120 = tpu.memref_slice %arg7[%add3A, %dma_wait3A_119] : memref<20480x64xf32, #tpu.memory_space<hbm>> -> memref<640x64xf32, #tpu.memory_space<hbm>>
      %dma_wait3A_121 = arith.constant 0 : i32
      %dma_wait3A_122 = tpu.memref_slice %arg8[%mul3A_111, %dma_wait3A_121] : memref<10240x64xf32, #tpu.memory_space<vmem_shared>> -> memref<640x64xf32, #tpu.memory_space<vmem_shared>>
      tpu.wait_dma2 semaphore(%run_scoped3A : memref<!tpu.dma_semaphore, #tpu.memory_space<semaphore_mem>>) src(%dma_wait3A_122 : memref<640x64xf32, #tpu.memory_space<vmem_shared>>) dst(%dma_wait3A_120 : memref<640x64xf32, #tpu.memory_space<hbm>>)
      tpu.yield
    }) : () -> ()
    return
  }
}

#map = affine_map<(d0, d1) -> (0, 0, 0)>
#map1 = affine_map<(d0, d1) -> (0, 0)>
module attributes {stable_mosaic.version = 14 : i64} {
  func.func @_sc_degree(%arg0: i32, %arg1: i32, %arg2: memref<32x125x80xi32, #tpu.memory_space<hbm>>, %arg3: memref<10240x16xf32, #tpu.memory_space<hbm>>, %arg4: memref<20480x16xf32, #tpu.memory_space<hbm>>, %arg5: memref<10240x16xf32, #tpu.memory_space<vmem_shared>>, %arg6: memref<125x80xi32, #tpu.memory_space<vmem>>, %arg7: memref<80x16xf32, #tpu.memory_space<vmem>>) attributes {dimension_semantics = [#tpu.dimension_semantics<core_parallel>, #tpu.dimension_semantics<subcore_parallel>], iteration_bounds = array<i64: 2, 16>, scalar_prefetch = 0 : i64, scratch_operands = 3 : i64, tpu.core_type = #tpu.core_type<sc_vector_subcore>, window_params = [{transform_indices = #map}, {transform_indices = #map1}, {transform_indices = #map1}]} {
    %mul3A = arith.constant 2 : i32
    %mul3A_0 = arith.muli %arg1, %mul3A : i32
    %add3A = arith.addi %mul3A_0, %arg0 : i32
    %mul3A_1 = arith.constant 640 : i32
    %mul3A_2 = arith.muli %arg1, %mul3A_1 : i32
    %mul3A_3 = arith.constant 640 : i32
    %mul3A_4 = arith.muli %arg1, %mul3A_3 : i32
    "tpu.region"() ({
      %run_scoped3A = tpu.sem_alloc : memref<!tpu.dma_semaphore, #tpu.memory_space<semaphore_mem>>
      %dma_start3A = arith.constant 0 : i32
      %dma_start3A_24 = tpu.memref_slice %arg5[%mul3A_4, %dma_start3A] : memref<10240x16xf32, #tpu.memory_space<vmem_shared>> -> memref<640x16xf32, #tpu.memory_space<vmem_shared>>
      %dma_start3A_25 = arith.constant 0 : i32
      %dma_start3A_26 = tpu.memref_slice %arg3[%mul3A_2, %dma_start3A_25] : memref<10240x16xf32, #tpu.memory_space<hbm>> -> memref<640x16xf32, #tpu.memory_space<hbm>>
      tpu.enqueue_dma source(%dma_start3A_26 : memref<640x16xf32, #tpu.memory_space<hbm>>) target(%dma_start3A_24 : memref<640x16xf32, #tpu.memory_space<vmem_shared>>) target_semaphore(%run_scoped3A : memref<!tpu.dma_semaphore, #tpu.memory_space<semaphore_mem>>)
      %dma_wait3A = arith.constant 0 : i32
      %dma_wait3A_27 = tpu.memref_slice %arg5[%mul3A_4, %dma_wait3A] : memref<10240x16xf32, #tpu.memory_space<vmem_shared>> -> memref<640x16xf32, #tpu.memory_space<vmem_shared>>
      %dma_wait3A_28 = arith.constant 0 : i32
      %dma_wait3A_29 = tpu.memref_slice %arg3[%mul3A_2, %dma_wait3A_28] : memref<10240x16xf32, #tpu.memory_space<hbm>> -> memref<640x16xf32, #tpu.memory_space<hbm>>
      tpu.wait_dma2 semaphore(%run_scoped3A : memref<!tpu.dma_semaphore, #tpu.memory_space<semaphore_mem>>) src(%dma_wait3A_29 : memref<640x16xf32, #tpu.memory_space<hbm>>) dst(%dma_wait3A_27 : memref<640x16xf32, #tpu.memory_space<vmem_shared>>)
      tpu.yield
    }) : () -> ()
    "tpu.region"() ({
      %run_scoped3A = tpu.sem_alloc : memref<!tpu.dma_semaphore, #tpu.memory_space<semaphore_mem>>
      %dma_start3A = arith.constant 0 : i32
      %dma_start3A_24 = arith.constant 0 : i32
      %dma_start3A_25 = tpu.memref_slice %arg2[%add3A, %dma_start3A, %dma_start3A_24] : memref<32x125x80xi32, #tpu.memory_space<hbm>> -> memref<1x125x80xi32, #tpu.memory_space<hbm>>
      %dma_start3A_26 = tpu.memref_squeeze %dma_start3A_25 : memref<1x125x80xi32, #tpu.memory_space<hbm>> -> memref<125x80xi32, #tpu.memory_space<hbm>>
      %dma_start3A_27 = arith.constant 0 : i32
      %dma_start3A_28 = arith.constant 0 : i32
      %dma_start3A_29 = tpu.memref_slice %arg2[%add3A, %dma_start3A_27, %dma_start3A_28] : memref<32x125x80xi32, #tpu.memory_space<hbm>> -> memref<1x125x80xi32, #tpu.memory_space<hbm>>
      %dma_start3A_30 = tpu.memref_squeeze %dma_start3A_29 : memref<1x125x80xi32, #tpu.memory_space<hbm>> -> memref<125x80xi32, #tpu.memory_space<hbm>>
      tpu.enqueue_dma source(%dma_start3A_30 : memref<125x80xi32, #tpu.memory_space<hbm>>) target(%arg6 : memref<125x80xi32, #tpu.memory_space<vmem>>) target_semaphore(%run_scoped3A : memref<!tpu.dma_semaphore, #tpu.memory_space<semaphore_mem>>)
      %dma_wait3A = arith.constant 0 : i32
      %dma_wait3A_31 = arith.constant 0 : i32
      %dma_wait3A_32 = tpu.memref_slice %arg2[%add3A, %dma_wait3A, %dma_wait3A_31] : memref<32x125x80xi32, #tpu.memory_space<hbm>> -> memref<1x125x80xi32, #tpu.memory_space<hbm>>
      %dma_wait3A_33 = tpu.memref_squeeze %dma_wait3A_32 : memref<1x125x80xi32, #tpu.memory_space<hbm>> -> memref<125x80xi32, #tpu.memory_space<hbm>>
      %dma_wait3A_34 = arith.constant 0 : i32
      %dma_wait3A_35 = arith.constant 0 : i32
      %dma_wait3A_36 = tpu.memref_slice %arg2[%add3A, %dma_wait3A_34, %dma_wait3A_35] : memref<32x125x80xi32, #tpu.memory_space<hbm>> -> memref<1x125x80xi32, #tpu.memory_space<hbm>>
      %dma_wait3A_37 = tpu.memref_squeeze %dma_wait3A_36 : memref<1x125x80xi32, #tpu.memory_space<hbm>> -> memref<125x80xi32, #tpu.memory_space<hbm>>
      tpu.wait_dma2 semaphore(%run_scoped3A : memref<!tpu.dma_semaphore, #tpu.memory_space<semaphore_mem>>) src(%dma_wait3A_37 : memref<125x80xi32, #tpu.memory_space<hbm>>) dst(%arg6 : memref<125x80xi32, #tpu.memory_space<vmem>>)
      tpu.yield
    }) : () -> ()
    %scan3A = arith.constant 0 : i32
    %scan3A_5 = arith.constant 0 : i32
    %scan3A_6 = arith.constant 80 : i32
    %scan3A_7 = arith.addi %scan3A_5, %scan3A_6 : i32
    %scan3A_8 = arith.constant 1 : i32
    scf.for %scan3A_24 = %scan3A_5 to %scan3A_7 step %scan3A_8  : i32 {
      %broadcast_in_dim3A = arith.constant 1.000000e+00 : f32
      %broadcast_in_dim3A_25 = vector.broadcast %broadcast_in_dim3A : f32 to vector<16xf32>
      %swap3A = arith.index_cast %scan3A_24 : i32 to index
      %swap3A_26 = arith.constant 0 : index
      %swap3A_27 = tpu.vector_load %arg7[%swap3A, %swap3A_26] {strides = array<i32>} : memref<80x16xf32, #tpu.memory_space<vmem>>, vector<1x16xf32>,
      %swap3A_28 = vector.shape_cast %swap3A_27 : vector<1x16xf32> to vector<16xf32>
      %swap3A_29 = vector.shape_cast %broadcast_in_dim3A_25 : vector<16xf32> to vector<1x16xf32>
      tpu.vector_store %arg7[%swap3A, %swap3A_26], %swap3A_29 {strides = array<i32>} : memref<80x16xf32, #tpu.memory_space<vmem>>, vector<1x16xf32>,
    }
    %scan3A_9 = arith.constant 80 : i32
    %barrier3A = arith.constant 0 : index
    tpu.barrier barrier_id(%barrier3A)
    %scan3A_10 = arith.constant 0 : i32
    %scan3A_11 = arith.constant 0 : i32
    %scan3A_12 = arith.constant 125 : i32
    %scan3A_13 = arith.addi %scan3A_11, %scan3A_12 : i32
    %scan3A_14 = arith.constant 1 : i32
    scf.for %scan3A_24 = %scan3A_11 to %scan3A_13 step %scan3A_14  : i32 {
      "tpu.region"() ({
        %run_scoped3A = tpu.sem_alloc : memref<!tpu.dma_semaphore, #tpu.memory_space<semaphore_mem>>
        %dma_start3A = arith.constant 0 : i32
        %dma_start3A_25 = tpu.memref_slice %arg6[%scan3A_24, %dma_start3A] : memref<125x80xi32, #tpu.memory_space<vmem>> -> memref<1x80xi32, #tpu.memory_space<vmem>>
        %dma_start3A_26 = tpu.memref_squeeze %dma_start3A_25 : memref<1x80xi32, #tpu.memory_space<vmem>> -> memref<80xi32, #tpu.memory_space<vmem>>
        %dma_start3A_27 = arith.constant 0 : i32
        %dma_start3A_28 = arith.constant 0 : i32
        %dma_start3A_29 = tpu.memref_slice %arg5[%dma_start3A_27, %dma_start3A_28] : memref<10240x16xf32, #tpu.memory_space<vmem_shared>> -> memref<10240x16xf32, #tpu.memory_space<vmem_shared>>
        tpu.enqueue_indirect_dma source(%arg7 : memref<80x16xf32, #tpu.memory_space<vmem>>) target(%dma_start3A_29 : memref<10240x16xf32, #tpu.memory_space<vmem_shared>>) offsets(%dma_start3A_26 : memref<80xi32, #tpu.memory_space<vmem>>) semaphore(%run_scoped3A : memref<!tpu.dma_semaphore, #tpu.memory_space<semaphore_mem>>) {add = true}
        %dma_wait3A = arith.constant 0 : i32
        %dma_wait3A_30 = tpu.memref_slice %arg6[%scan3A_24, %dma_wait3A] : memref<125x80xi32, #tpu.memory_space<vmem>> -> memref<1x80xi32, #tpu.memory_space<vmem>>
        %dma_wait3A_31 = tpu.memref_squeeze %dma_wait3A_30 : memref<1x80xi32, #tpu.memory_space<vmem>> -> memref<80xi32, #tpu.memory_space<vmem>>
        %dma_wait3A_32 = arith.constant 0 : i32
        %dma_wait3A_33 = arith.constant 0 : i32
        %dma_wait3A_34 = tpu.memref_slice %arg5[%dma_wait3A_32, %dma_wait3A_33] : memref<10240x16xf32, #tpu.memory_space<vmem_shared>> -> memref<10240x16xf32, #tpu.memory_space<vmem_shared>>
        tpu.wait_indirect_dma semaphore(%run_scoped3A : memref<!tpu.dma_semaphore, #tpu.memory_space<semaphore_mem>>) src(%arg7 : memref<80x16xf32, #tpu.memory_space<vmem>>) dst(%dma_wait3A_34 : memref<10240x16xf32, #tpu.memory_space<vmem_shared>>)
        tpu.yield
      }) : () -> ()
    }
    %scan3A_15 = arith.constant 125 : i32
    %barrier3A_16 = arith.constant 0 : index
    tpu.barrier barrier_id(%barrier3A_16)
    %mul3A_17 = arith.constant 640 : i32
    %mul3A_18 = arith.muli %arg1, %mul3A_17 : i32
    %mul3A_19 = arith.constant 10240 : i32
    %mul3A_20 = arith.muli %arg0, %mul3A_19 : i32
    %mul3A_21 = arith.constant 640 : i32
    %mul3A_22 = arith.muli %arg1, %mul3A_21 : i32
    %add3A_23 = arith.addi %mul3A_20, %mul3A_22 : i32
    "tpu.region"() ({
      %run_scoped3A = tpu.sem_alloc : memref<!tpu.dma_semaphore, #tpu.memory_space<semaphore_mem>>
      %dma_start3A = arith.constant 0 : i32
      %dma_start3A_24 = tpu.memref_slice %arg4[%add3A_23, %dma_start3A] : memref<20480x16xf32, #tpu.memory_space<hbm>> -> memref<640x16xf32, #tpu.memory_space<hbm>>
      %dma_start3A_25 = arith.constant 0 : i32
      %dma_start3A_26 = tpu.memref_slice %arg5[%mul3A_18, %dma_start3A_25] : memref<10240x16xf32, #tpu.memory_space<vmem_shared>> -> memref<640x16xf32, #tpu.memory_space<vmem_shared>>
      tpu.enqueue_dma source(%dma_start3A_26 : memref<640x16xf32, #tpu.memory_space<vmem_shared>>) target(%dma_start3A_24 : memref<640x16xf32, #tpu.memory_space<hbm>>) target_semaphore(%run_scoped3A : memref<!tpu.dma_semaphore, #tpu.memory_space<semaphore_mem>>)
      %dma_wait3A = arith.constant 0 : i32
      %dma_wait3A_27 = tpu.memref_slice %arg4[%add3A_23, %dma_wait3A] : memref<20480x16xf32, #tpu.memory_space<hbm>> -> memref<640x16xf32, #tpu.memory_space<hbm>>
      %dma_wait3A_28 = arith.constant 0 : i32
      %dma_wait3A_29 = tpu.memref_slice %arg5[%mul3A_18, %dma_wait3A_28] : memref<10240x16xf32, #tpu.memory_space<vmem_shared>> -> memref<640x16xf32, #tpu.memory_space<vmem_shared>>
      tpu.wait_dma2 semaphore(%run_scoped3A : memref<!tpu.dma_semaphore, #tpu.memory_space<semaphore_mem>>) src(%dma_wait3A_29 : memref<640x16xf32, #tpu.memory_space<vmem_shared>>) dst(%dma_wait3A_27 : memref<640x16xf32, #tpu.memory_space<hbm>>)
      tpu.yield
    }) : () -> ()
    return
  }
}

module attributes {stable_mosaic.version = 14 : i64} {
  func.func @_tc_first_body(%arg0: i32, %arg1: memref<1000x16xf32, #tpu.memory_space<vmem>>, %arg2: memref<1000x16xf32, #tpu.memory_space<vmem>>, %arg3: memref<1000x128xf32, #tpu.memory_space<vmem>>, %arg4: memref<128x128xf32, #tpu.memory_space<vmem>>, %arg5: memref<1000x64xf32, #tpu.memory_space<vmem>>, %arg6: memref<1000x64xf32, #tpu.memory_space<vmem>>) attributes {dimension_semantics = [#tpu.dimension_semantics<arbitrary>], iteration_bounds = array<i64: 10>, scalar_prefetch = 0 : i64, scratch_operands = 0 : i64, tpu.core_type = #tpu.core_type<tc>, window_params = [{transform_indices = @transform_0, window_bounds = array<i64: 1000, 16>}, {transform_indices = @transform_1, window_bounds = array<i64: 1000, 16>}, {transform_indices = @transform_2, window_bounds = array<i64: 1000, 128>}, {pipeline_mode = #tpu.pipeline_mode<synchronous>, transform_indices = @transform_3, window_bounds = array<i64: 128, 128>}, {transform_indices = @transform_4, window_bounds = array<i64: 1000, 64>}, {transform_indices = @transform_5, window_bounds = array<i64: 1000, 64>}]} {
    %get3A = arith.constant 0 : index
    %get3A_0 = arith.constant 0 : index
    %get3A_1 = vector.load %arg3[%get3A, %get3A_0] : memref<1000x128xf32, #tpu.memory_space<vmem>>, vector<1000x128xf32>
    %get3A_2 = arith.constant 0 : index
    %get3A_3 = arith.constant 0 : index
    %get3A_4 = vector.load %arg4[%get3A_2, %get3A_3] : memref<128x128xf32, #tpu.memory_space<vmem>>, vector<128x128xf32>
    %dot_general3A = arith.constant dense<0.000000e+00> : vector<1000x128xf32>
    %dot_general3A_5 = tpu.matmul %get3A_1, %get3A_4, %dot_general3A {dimension_numbers = #tpu.dot_dimension_numbers<[1], [0], [0], [1], [0, 0, 1, 1], [], []>, transpose_lhs_hint = false} : vector<1000x128xf32>, vector<128x128xf32>, vector<1000x128xf32> -> vector<1000x128xf32>
    %get3A_6 = arith.constant 0 : index
    %get3A_7 = arith.constant 0 : index
    %get3A_8 = vector.load %arg1[%get3A_6, %get3A_7] : memref<1000x16xf32, #tpu.memory_space<vmem>>, vector<1000x16xf32>
    %get3A_9 = arith.constant 0 : index
    %get3A_10 = arith.constant 0 : index
    %get3A_11 = vector.load %arg2[%get3A_9, %get3A_10] : memref<1000x16xf32, #tpu.memory_space<vmem>>, vector<1000x16xf32>
    %slice3A = vector.extract_strided_slice %get3A_8 {offsets = [0, 0], sizes = [1000, 1], strides = [1, 1]} : vector<1000x16xf32> to vector<1000x1xf32>
    %add3A = arith.constant 1.000000e+00 : f32
    %add3A_12 = vector.broadcast %add3A : f32 to vector<1000x1xf32>
    %add3A_13 = arith.addf %add3A_12, %slice3A : vector<1000x1xf32>
    %slice3A_14 = vector.extract_strided_slice %get3A_11 {offsets = [0, 0], sizes = [1000, 1], strides = [1, 1]} : vector<1000x16xf32> to vector<1000x1xf32>
    %add3A_15 = arith.addf %add3A_13, %slice3A_14 : vector<1000x1xf32>
    %rsqrt3A = math.rsqrt %add3A_15 : vector<1000x1xf32>
    %mul3A = vector.broadcast %rsqrt3A : vector<1000x1xf32> to vector<1000x128xf32>
    %mul3A_16 = arith.mulf %dot_general3A_5, %mul3A : vector<1000x128xf32>
    %slice3A_17 = vector.extract_strided_slice %mul3A_16 {offsets = [0, 0], sizes = [1000, 64], strides = [1, 1]} : vector<1000x128xf32> to vector<1000x64xf32>
    %swap3A = arith.constant 0 : index
    %swap3A_18 = arith.constant 0 : index
    %swap3A_19 = vector.load %arg5[%swap3A, %swap3A_18] : memref<1000x64xf32, #tpu.memory_space<vmem>>, vector<1000x64xf32>
    tpu.vector_store %arg5[%swap3A, %swap3A_18], %slice3A_17 {strides = array<i32>} : memref<1000x64xf32, #tpu.memory_space<vmem>>, vector<1000x64xf32>,
    %slice3A_20 = vector.extract_strided_slice %mul3A_16 {offsets = [0, 64], sizes = [1000, 64], strides = [1, 1]} : vector<1000x128xf32> to vector<1000x64xf32>
    %swap3A_21 = arith.constant 0 : index
    %swap3A_22 = arith.constant 0 : index
    %swap3A_23 = vector.load %arg6[%swap3A_21, %swap3A_22] : memref<1000x64xf32, #tpu.memory_space<vmem>>, vector<1000x64xf32>
    tpu.vector_store %arg6[%swap3A_21, %swap3A_22], %slice3A_20 {strides = array<i32>} : memref<1000x64xf32, #tpu.memory_space<vmem>>, vector<1000x64xf32>,
    return
  }
  func.func @transform_0(%arg0: i32) -> (i32, i32) {
    %c0_i32 = arith.constant 0 : i32
    %c0_i32_0 = arith.constant 0 : i32
    return %arg0, %c0_i32 : i32, i32
  }
  func.func @transform_1(%arg0: i32) -> (i32, i32) {
    %c0_i32 = arith.constant 0 : i32
    %c0_i32_0 = arith.constant 0 : i32
    return %arg0, %c0_i32 : i32, i32
  }
  func.func @transform_2(%arg0: i32) -> (i32, i32) {
    %c0_i32 = arith.constant 0 : i32
    %c0_i32_0 = arith.constant 0 : i32
    return %arg0, %c0_i32 : i32, i32
  }
  func.func @transform_3(%arg0: i32) -> (i32, i32) {
    %c0_i32 = arith.constant 0 : i32
    %c0_i32_0 = arith.constant 0 : i32
    %c0_i32_1 = arith.constant 0 : i32
    return %c0_i32, %c0_i32_0 : i32, i32
  }
  func.func @transform_4(%arg0: i32) -> (i32, i32) {
    %c0_i32 = arith.constant 0 : i32
    %c0_i32_0 = arith.constant 0 : i32
    return %arg0, %c0_i32 : i32, i32
  }
  func.func @transform_5(%arg0: i32) -> (i32, i32) {
    %c0_i32 = arith.constant 0 : i32
    %c0_i32_0 = arith.constant 0 : i32
    return %arg0, %c0_i32 : i32, i32
  }
}

module attributes {stable_mosaic.version = 14 : i64} {
  func.func @_tc_mid_body(%arg0: i32, %arg1: memref<1000x16xf32, #tpu.memory_space<vmem>>, %arg2: memref<1000x16xf32, #tpu.memory_space<vmem>>, %arg3: memref<1000x64xf32, #tpu.memory_space<vmem>>, %arg4: memref<1000x64xf32, #tpu.memory_space<vmem>>, %arg5: memref<1000x64xf32, #tpu.memory_space<vmem>>, %arg6: memref<1000x64xf32, #tpu.memory_space<vmem>>, %arg7: memref<1x128xf32, #tpu.memory_space<vmem>>, %arg8: memref<128x128xf32, #tpu.memory_space<vmem>>, %arg9: memref<1000x64xf32, #tpu.memory_space<vmem>>, %arg10: memref<1000x64xf32, #tpu.memory_space<vmem>>) attributes {dimension_semantics = [#tpu.dimension_semantics<arbitrary>], iteration_bounds = array<i64: 10>, scalar_prefetch = 0 : i64, scratch_operands = 0 : i64, tpu.core_type = #tpu.core_type<tc>, window_params = [{transform_indices = @transform_0, window_bounds = array<i64: 1000, 16>}, {transform_indices = @transform_1, window_bounds = array<i64: 1000, 16>}, {transform_indices = @transform_2, window_bounds = array<i64: 1000, 64>}, {transform_indices = @transform_3, window_bounds = array<i64: 1000, 64>}, {transform_indices = @transform_4, window_bounds = array<i64: 1000, 64>}, {transform_indices = @transform_5, window_bounds = array<i64: 1000, 64>}, {pipeline_mode = #tpu.pipeline_mode<synchronous>, transform_indices = @transform_6, window_bounds = array<i64: 1, 128>}, {pipeline_mode = #tpu.pipeline_mode<synchronous>, transform_indices = @transform_7, window_bounds = array<i64: 128, 128>}, {transform_indices = @transform_8, window_bounds = array<i64: 1000, 64>}, {transform_indices = @transform_9, window_bounds = array<i64: 1000, 64>}]} {
    %get3A = arith.constant 0 : index
    %get3A_0 = arith.constant 0 : index
    %get3A_1 = vector.load %arg1[%get3A, %get3A_0] : memref<1000x16xf32, #tpu.memory_space<vmem>>, vector<1000x16xf32>
    %get3A_2 = arith.constant 0 : index
    %get3A_3 = arith.constant 0 : index
    %get3A_4 = vector.load %arg2[%get3A_2, %get3A_3] : memref<1000x16xf32, #tpu.memory_space<vmem>>, vector<1000x16xf32>
    %slice3A = vector.extract_strided_slice %get3A_1 {offsets = [0, 0], sizes = [1000, 1], strides = [1, 1]} : vector<1000x16xf32> to vector<1000x1xf32>
    %add3A = arith.constant 1.000000e+00 : f32
    %add3A_5 = vector.broadcast %add3A : f32 to vector<1000x1xf32>
    %add3A_6 = arith.addf %add3A_5, %slice3A : vector<1000x1xf32>
    %slice3A_7 = vector.extract_strided_slice %get3A_4 {offsets = [0, 0], sizes = [1000, 1], strides = [1, 1]} : vector<1000x16xf32> to vector<1000x1xf32>
    %add3A_8 = arith.addf %add3A_6, %slice3A_7 : vector<1000x1xf32>
    %rsqrt3A = math.rsqrt %add3A_8 : vector<1000x1xf32>
    %get3A_9 = arith.constant 0 : index
    %get3A_10 = arith.constant 0 : index
    %get3A_11 = vector.load %arg3[%get3A_9, %get3A_10] : memref<1000x64xf32, #tpu.memory_space<vmem>>, vector<1000x64xf32>
    %get3A_12 = arith.constant 0 : index
    %get3A_13 = arith.constant 0 : index
    %get3A_14 = vector.load %arg5[%get3A_12, %get3A_13] : memref<1000x64xf32, #tpu.memory_space<vmem>>, vector<1000x64xf32>
    %add3A_15 = arith.addf %get3A_11, %get3A_14 : vector<1000x64xf32>
    %get3A_16 = arith.constant 0 : index
    %get3A_17 = arith.constant 0 : index
    %get3A_18 = vector.load %arg4[%get3A_16, %get3A_17] : memref<1000x64xf32, #tpu.memory_space<vmem>>, vector<1000x64xf32>
    %get3A_19 = arith.constant 0 : index
    %get3A_20 = arith.constant 0 : index
    %get3A_21 = vector.load %arg6[%get3A_19, %get3A_20] : memref<1000x64xf32, #tpu.memory_space<vmem>>, vector<1000x64xf32>
    %add3A_22 = arith.addf %get3A_18, %get3A_21 : vector<1000x64xf32>
    %concatenate3A = tpu.concatenate %add3A_15, %add3A_22 in 1 : vector<1000x64xf32>, vector<1000x64xf32> -> vector<1000x128xf32>
    %mul3A = vector.broadcast %rsqrt3A : vector<1000x1xf32> to vector<1000x128xf32>
    %mul3A_23 = arith.mulf %concatenate3A, %mul3A : vector<1000x128xf32>
    %get3A_24 = arith.constant 0 : index
    %get3A_25 = arith.constant 0 : index
    %get3A_26 = vector.load %arg7[%get3A_24, %get3A_25] : memref<1x128xf32, #tpu.memory_space<vmem>>, vector<1x128xf32>
    %add3A_27 = vector.broadcast %get3A_26 : vector<1x128xf32> to vector<1000x128xf32>
    %add3A_28 = arith.addf %mul3A_23, %add3A_27 : vector<1000x128xf32>
    %max3A = arith.constant 0.000000e+00 : f32
    %max3A_29 = vector.broadcast %max3A : f32 to vector<1000x128xf32>
    %max3A_30 = arith.maximumf %add3A_28, %max3A_29 : vector<1000x128xf32>
    %get3A_31 = arith.constant 0 : index
    %get3A_32 = arith.constant 0 : index
    %get3A_33 = vector.load %arg8[%get3A_31, %get3A_32] : memref<128x128xf32, #tpu.memory_space<vmem>>, vector<128x128xf32>
    %dot_general3A = arith.constant dense<0.000000e+00> : vector<1000x128xf32>
    %dot_general3A_34 = tpu.matmul %max3A_30, %get3A_33, %dot_general3A {dimension_numbers = #tpu.dot_dimension_numbers<[1], [0], [0], [1], [0, 0, 1, 1], [], []>, transpose_lhs_hint = false} : vector<1000x128xf32>, vector<128x128xf32>, vector<1000x128xf32> -> vector<1000x128xf32>
    %mul3A_35 = vector.broadcast %rsqrt3A : vector<1000x1xf32> to vector<1000x128xf32>
    %mul3A_36 = arith.mulf %dot_general3A_34, %mul3A_35 : vector<1000x128xf32>
    %slice3A_37 = vector.extract_strided_slice %mul3A_36 {offsets = [0, 0], sizes = [1000, 64], strides = [1, 1]} : vector<1000x128xf32> to vector<1000x64xf32>
    %swap3A = arith.constant 0 : index
    %swap3A_38 = arith.constant 0 : index
    %swap3A_39 = vector.load %arg9[%swap3A, %swap3A_38] : memref<1000x64xf32, #tpu.memory_space<vmem>>, vector<1000x64xf32>
    tpu.vector_store %arg9[%swap3A, %swap3A_38], %slice3A_37 {strides = array<i32>} : memref<1000x64xf32, #tpu.memory_space<vmem>>, vector<1000x64xf32>,
    %slice3A_40 = vector.extract_strided_slice %mul3A_36 {offsets = [0, 64], sizes = [1000, 64], strides = [1, 1]} : vector<1000x128xf32> to vector<1000x64xf32>
    %swap3A_41 = arith.constant 0 : index
    %swap3A_42 = arith.constant 0 : index
    %swap3A_43 = vector.load %arg10[%swap3A_41, %swap3A_42] : memref<1000x64xf32, #tpu.memory_space<vmem>>, vector<1000x64xf32>
    tpu.vector_store %arg10[%swap3A_41, %swap3A_42], %slice3A_40 {strides = array<i32>} : memref<1000x64xf32, #tpu.memory_space<vmem>>, vector<1000x64xf32>,
    return
  }
  func.func @transform_0(%arg0: i32) -> (i32, i32) {
    %c0_i32 = arith.constant 0 : i32
    %c0_i32_0 = arith.constant 0 : i32
    return %arg0, %c0_i32 : i32, i32
  }
  func.func @transform_1(%arg0: i32) -> (i32, i32) {
    %c0_i32 = arith.constant 0 : i32
    %c0_i32_0 = arith.constant 0 : i32
    return %arg0, %c0_i32 : i32, i32
  }
  func.func @transform_2(%arg0: i32) -> (i32, i32) {
    %c0_i32 = arith.constant 0 : i32
    %c0_i32_0 = arith.constant 0 : i32
    return %arg0, %c0_i32 : i32, i32
  }
  func.func @transform_3(%arg0: i32) -> (i32, i32) {
    %c0_i32 = arith.constant 0 : i32
    %c0_i32_0 = arith.constant 0 : i32
    return %arg0, %c0_i32 : i32, i32
  }
  func.func @transform_4(%arg0: i32) -> (i32, i32) {
    %c0_i32 = arith.constant 0 : i32
    %c0_i32_0 = arith.constant 0 : i32
    return %arg0, %c0_i32 : i32, i32
  }
  func.func @transform_5(%arg0: i32) -> (i32, i32) {
    %c0_i32 = arith.constant 0 : i32
    %c0_i32_0 = arith.constant 0 : i32
    return %arg0, %c0_i32 : i32, i32
  }
  func.func @transform_6(%arg0: i32) -> (i32, i32) {
    %c0_i32 = arith.constant 0 : i32
    %c0_i32_0 = arith.constant 0 : i32
    %c0_i32_1 = arith.constant 0 : i32
    return %c0_i32, %c0_i32_0 : i32, i32
  }
  func.func @transform_7(%arg0: i32) -> (i32, i32) {
    %c0_i32 = arith.constant 0 : i32
    %c0_i32_0 = arith.constant 0 : i32
    %c0_i32_1 = arith.constant 0 : i32
    return %c0_i32, %c0_i32_0 : i32, i32
  }
  func.func @transform_8(%arg0: i32) -> (i32, i32) {
    %c0_i32 = arith.constant 0 : i32
    %c0_i32_0 = arith.constant 0 : i32
    return %arg0, %c0_i32 : i32, i32
  }
  func.func @transform_9(%arg0: i32) -> (i32, i32) {
    %c0_i32 = arith.constant 0 : i32
    %c0_i32_0 = arith.constant 0 : i32
    return %arg0, %c0_i32 : i32, i32
  }
}

module attributes {stable_mosaic.version = 14 : i64} {
  func.func @_tc_last_body(%arg0: i32, %arg1: memref<1000x16xf32, #tpu.memory_space<vmem>>, %arg2: memref<1000x16xf32, #tpu.memory_space<vmem>>, %arg3: memref<1000x64xf32, #tpu.memory_space<vmem>>, %arg4: memref<1000x64xf32, #tpu.memory_space<vmem>>, %arg5: memref<1000x64xf32, #tpu.memory_space<vmem>>, %arg6: memref<1000x64xf32, #tpu.memory_space<vmem>>, %arg7: memref<1x128xf32, #tpu.memory_space<vmem>>, %arg8: memref<1000x128xf32, #tpu.memory_space<vmem>>) attributes {dimension_semantics = [#tpu.dimension_semantics<arbitrary>], iteration_bounds = array<i64: 10>, scalar_prefetch = 0 : i64, scratch_operands = 0 : i64, tpu.core_type = #tpu.core_type<tc>, window_params = [{transform_indices = @transform_0, window_bounds = array<i64: 1000, 16>}, {transform_indices = @transform_1, window_bounds = array<i64: 1000, 16>}, {transform_indices = @transform_2, window_bounds = array<i64: 1000, 64>}, {transform_indices = @transform_3, window_bounds = array<i64: 1000, 64>}, {transform_indices = @transform_4, window_bounds = array<i64: 1000, 64>}, {transform_indices = @transform_5, window_bounds = array<i64: 1000, 64>}, {pipeline_mode = #tpu.pipeline_mode<synchronous>, transform_indices = @transform_6, window_bounds = array<i64: 1, 128>}, {transform_indices = @transform_7, window_bounds = array<i64: 1000, 128>}]} {
    %get3A = arith.constant 0 : index
    %get3A_0 = arith.constant 0 : index
    %get3A_1 = vector.load %arg1[%get3A, %get3A_0] : memref<1000x16xf32, #tpu.memory_space<vmem>>, vector<1000x16xf32>
    %get3A_2 = arith.constant 0 : index
    %get3A_3 = arith.constant 0 : index
    %get3A_4 = vector.load %arg2[%get3A_2, %get3A_3] : memref<1000x16xf32, #tpu.memory_space<vmem>>, vector<1000x16xf32>
    %slice3A = vector.extract_strided_slice %get3A_1 {offsets = [0, 0], sizes = [1000, 1], strides = [1, 1]} : vector<1000x16xf32> to vector<1000x1xf32>
    %add3A = arith.constant 1.000000e+00 : f32
    %add3A_5 = vector.broadcast %add3A : f32 to vector<1000x1xf32>
    %add3A_6 = arith.addf %add3A_5, %slice3A : vector<1000x1xf32>
    %slice3A_7 = vector.extract_strided_slice %get3A_4 {offsets = [0, 0], sizes = [1000, 1], strides = [1, 1]} : vector<1000x16xf32> to vector<1000x1xf32>
    %add3A_8 = arith.addf %add3A_6, %slice3A_7 : vector<1000x1xf32>
    %rsqrt3A = math.rsqrt %add3A_8 : vector<1000x1xf32>
    %get3A_9 = arith.constant 0 : index
    %get3A_10 = arith.constant 0 : index
    %get3A_11 = vector.load %arg3[%get3A_9, %get3A_10] : memref<1000x64xf32, #tpu.memory_space<vmem>>, vector<1000x64xf32>
    %get3A_12 = arith.constant 0 : index
    %get3A_13 = arith.constant 0 : index
    %get3A_14 = vector.load %arg5[%get3A_12, %get3A_13] : memref<1000x64xf32, #tpu.memory_space<vmem>>, vector<1000x64xf32>
    %add3A_15 = arith.addf %get3A_11, %get3A_14 : vector<1000x64xf32>
    %get3A_16 = arith.constant 0 : index
    %get3A_17 = arith.constant 0 : index
    %get3A_18 = vector.load %arg4[%get3A_16, %get3A_17] : memref<1000x64xf32, #tpu.memory_space<vmem>>, vector<1000x64xf32>
    %get3A_19 = arith.constant 0 : index
    %get3A_20 = arith.constant 0 : index
    %get3A_21 = vector.load %arg6[%get3A_19, %get3A_20] : memref<1000x64xf32, #tpu.memory_space<vmem>>, vector<1000x64xf32>
    %add3A_22 = arith.addf %get3A_18, %get3A_21 : vector<1000x64xf32>
    %concatenate3A = tpu.concatenate %add3A_15, %add3A_22 in 1 : vector<1000x64xf32>, vector<1000x64xf32> -> vector<1000x128xf32>
    %mul3A = vector.broadcast %rsqrt3A : vector<1000x1xf32> to vector<1000x128xf32>
    %mul3A_23 = arith.mulf %concatenate3A, %mul3A : vector<1000x128xf32>
    %get3A_24 = arith.constant 0 : index
    %get3A_25 = arith.constant 0 : index
    %get3A_26 = vector.load %arg7[%get3A_24, %get3A_25] : memref<1x128xf32, #tpu.memory_space<vmem>>, vector<1x128xf32>
    %add3A_27 = vector.broadcast %get3A_26 : vector<1x128xf32> to vector<1000x128xf32>
    %add3A_28 = arith.addf %mul3A_23, %add3A_27 : vector<1000x128xf32>
    %swap3A = arith.constant 0 : index
    %swap3A_29 = arith.constant 0 : index
    %swap3A_30 = vector.load %arg8[%swap3A, %swap3A_29] : memref<1000x128xf32, #tpu.memory_space<vmem>>, vector<1000x128xf32>
    tpu.vector_store %arg8[%swap3A, %swap3A_29], %add3A_28 {strides = array<i32>} : memref<1000x128xf32, #tpu.memory_space<vmem>>, vector<1000x128xf32>,
    return
  }
  func.func @transform_0(%arg0: i32) -> (i32, i32) {
    %c0_i32 = arith.constant 0 : i32
    %c0_i32_0 = arith.constant 0 : i32
    return %arg0, %c0_i32 : i32, i32
  }
  func.func @transform_1(%arg0: i32) -> (i32, i32) {
    %c0_i32 = arith.constant 0 : i32
    %c0_i32_0 = arith.constant 0 : i32
    return %arg0, %c0_i32 : i32, i32
  }
  func.func @transform_2(%arg0: i32) -> (i32, i32) {
    %c0_i32 = arith.constant 0 : i32
    %c0_i32_0 = arith.constant 0 : i32
    return %arg0, %c0_i32 : i32, i32
  }
  func.func @transform_3(%arg0: i32) -> (i32, i32) {
    %c0_i32 = arith.constant 0 : i32
    %c0_i32_0 = arith.constant 0 : i32
    return %arg0, %c0_i32 : i32, i32
  }
  func.func @transform_4(%arg0: i32) -> (i32, i32) {
    %c0_i32 = arith.constant 0 : i32
    %c0_i32_0 = arith.constant 0 : i32
    return %arg0, %c0_i32 : i32, i32
  }
  func.func @transform_5(%arg0: i32) -> (i32, i32) {
    %c0_i32 = arith.constant 0 : i32
    %c0_i32_0 = arith.constant 0 : i32
    return %arg0, %c0_i32 : i32, i32
  }
  func.func @transform_6(%arg0: i32) -> (i32, i32) {
    %c0_i32 = arith.constant 0 : i32
    %c0_i32_0 = arith.constant 0 : i32
    %c0_i32_1 = arith.constant 0 : i32
    return %c0_i32, %c0_i32_0 : i32, i32
  }
  func.func @transform_7(%arg0: i32) -> (i32, i32) {
    %c0_i32 = arith.constant 0 : i32
    %c0_i32_0 = arith.constant 0 : i32
    return %arg0, %c0_i32 : i32, i32
  }
}

</mosaic_0001>

<sc_bundles>
// kernel: kernel.11.cloned.1.call-start
scs
__scs_entry_jumppad:
0x0: {  	(pc) =	sbr.rel $0x88, $3  }
0x1: {  	(tag) =	ssettag $0x0;
	lr =	simm.s32 $0x1  }
0x2: {  	[smem:$0x3F9B] =	sst lr;
	_ =	strace $0xD0000000  }
0x3: {  	_ = 	snop  }
0x4: {  	_ = 	snop  }
0x5: {  	_ = 	snop  }
0x6: {  	_ = 	snop  }
0x7: {  	_ = 	snop  }
__scs_overlays_trampoline_lowered:
0x8: {  	[smem:$0x3FAA] =	sst s0  }
0x9: {  	[smem:$0x3FAB] =	sst s1  }
0xa: {  	[smem:$0x3FAC] =	sst s2  }
0xb: {  	[smem:$0x3FAD] =	sst s3  }
0xc: {  	[smem:$0x3FAE] =	sst s4  }
0xd: {  	[smem:$0x3FAF] =	sst s5  }
0xe: {  	[smem:$0x3FB0] =	sst s6  }
0xf: {  	[smem:$0x3FB1] =	sst s7  }
0x10: {  	[smem:$0x3FB2] =	sst s8  }
0x11: {  	[smem:$0x3FB3] =	sst s9;
	s0 =	simm.s32 @!p0 $0x0  }
0x12: {  	s1 =	sld [smem:$0x3F99];
	s0 =	simm.s32 @p0 $0x1  }
0x13: {  	[smem:$0x3FB4] =	sst s0;
	s0 =	simm.s32 @!p1 $0x0  }
0x14: {  	s2 =	sld [smem:$0x3F98];
	s0 =	simm.s32 @p1 $0x1  }
0x15: {  	[smem:$0x3FB5] =	sst s0;
	s0 =	simm.s32 @!p2 $0x0  }
0x16: {  	s3 =	sld [smem:$0x3FDB];
	s0 =	simm.s32 @p2 $0x1  }
0x17: {  	s4 =	simm.s32 $0x1BF5;
	[smem:$0x3FB7] =	sst s0  }
0x18: {  	s0 =	sld [smem:$0x3F9A];
	_ =	swait.ge [sflag:s4], $0x0  }
0x19: {  	s7 =	sld [smem:$0x3F9B]  }
0x1a: {  	s8 =	sadd.s32 $0xFFFFE003, lr  }
0x1b: {  	s9 =	sadd.s32 $0xFFFFFEF7, lr;
	s5 =	simm.s32 $0xFFFFFFFF;
	p2 =	slt.u32 s8, $0xFFFFF086  }
0x1c: {  	p1 =	slt.u32 s9, $0xF7A;
	s5 =	simm.s32 @!p2 $0x0  }
0x1d: {  	s5 =	simm.s32 @p1 $0x1;
	p0 =	seq.s32 s7, s2  }
0x1e: {  	s7 =	smul.u32 @!p0 $0xF7A, s2;
	p2 =	seq.s32 @!p0 s5, $0x0  }
0x1f: {  	s9 =	smul.u32 $0xF7A, s1;
	s8 =	simm.s32 @!p0 $0x1BF5;
	p2 =	por !p2, p0  }
0x20: {  	[sflag:s8] =	ssyncset.s32 @!p0 $0xFFFFF086;
	s6 =	sadd.s32 @!p0 s3, s7;
	s7 =	simm.s32 @!p0 $0x108  }
0x21: {  	s3 =	sadd.s32 s3, s9;
	s6 =	sadd.s32 @!p0 $0x88, s6;
	s7 =	simm.s32 @p2 $0x1082  }
0x22: {  	[simem:s7], [sflag:s8] =	dma.local @!p0 [hbm:s6], $0xF7A  }
0x23: {  	s9 =	sor.u32 $0xD0000000, s2;
	s6 =	simm.s32 $0x108;
	_ =	swait.ge @!p0 [sflag:s8], $0x0  }
0x24: {  	s3 =	sadd.s32 $0x88, s3;
	s6 =	simm.s32 @!p1 $0x1082;
	[sflag:s4] =	ssyncset.s32 $0xFFFFF086  }
0x25: {  	[simem:s6], [sflag:s4] =	dma.local [hbm:s3], $0xF7A  }
0x26: {  	[smem:$0x3F9B] =	sst s1;
	(tag) =	ssettag s2;
	_ =	strace s9  }
0x27: {  	s1 =	sld [smem:$0x3FAB]  }
0x28: {  	s2 =	sld [smem:$0x3FAC]  }
0x29: {  	s4 =	sld [smem:$0x3FAE]  }
0x2a: {  	p0 =	seq.s32 s5, $0x0;
	s5 =	sld [smem:$0x3FAF]  }
0x2b: {  	s6 =	sld [smem:$0x3FB0]  }
0x2c: {  	s7 =	sld [smem:$0x3FB1]  }
0x2d: {  	s3 =	simm.s32 $0x108;
	s8 =	sld [smem:$0x3FB2]  }
0x2e: {  	s3 =	simm.s32 @!p0 $0x1082;
	s9 =	sld [smem:$0x3FB3]  }
0x2f: {  	lr =	sadd.s32 s0, s3;
	s0 =	sld [smem:$0x3FAA]  }
0x30: {  	s3 =	sld [smem:$0x3FAD]  }
0x31: {  	[smem:$0x3FB6] =	sst s10  }
0x32: {  	s10 =	sld [smem:$0x3FB4];
	_ =	sdelay $0x3  }
0x33: {  	p0 =	seq.s32 s10, $0x1;
	s10 =	sld [smem:$0x3FB6];
	_ =	sdelay $0x3  }
0x34: {  	[smem:$0x3FB6] =	sst s10  }
0x35: {  	s10 =	sld [smem:$0x3FB5];
	_ =	sdelay $0x3  }
0x36: {  	p1 =	seq.s32 s10, $0x1;
	s10 =	sld [smem:$0x3FB6];
	_ =	sdelay $0x3  }
0x37: {  	[smem:$0x3FB6] =	sst s10  }
0x38: {  	s10 =	sld [smem:$0x3FB7]  }
0x39: {  	_ = 	snop;
	(pc) =	sbr.ind lr, $3  }
0x3a: {  	_ = 	snop  }
0x3b: {  	_ = 	snop  }
0x3c: {  	p2 =	seq.s32 s10, $0x1;
	s10 =	sld [smem:$0x3FB6]  }
0x3d: {  	_ =	shalt  }
0x3e: {  	_ =	shalt  }
0x3f: {  	_ =	shalt  }
0x40: {  	_ =	shalt  }
0x41: {  	_ =	shalt  }
0x42: {  	_ =	shalt  }
0x43: {  	_ =	shalt  }
0x44: {  	_ =	shalt  }
0x45: {  	_ =	shalt  }
0x46: {  	_ =	shalt  }
0x47: {  	_ =	shalt  }
0x48: {  	_ =	shalt  }
0x49: {  	_ =	shalt  }
0x4a: {  	_ =	shalt  }
0x4b: {  	_ =	shalt  }
0x4c: {  	_ =	shalt  }
0x4d: {  	_ =	shalt  }
0x4e: {  	_ =	shalt  }
0x4f: {  	_ =	shalt  }
0x50: {  	_ =	shalt  }
0x51: {  	_ =	shalt  }
0x52: {  	_ =	shalt  }
0x53: {  	_ =	shalt  }
0x54: {  	_ =	shalt  }
0x55: {  	_ =	shalt  }
0x56: {  	_ =	shalt  }
0x57: {  	_ =	shalt  }
0x58: {  	_ =	shalt  }
0x59: {  	_ =	shalt  }
0x5a: {  	_ =	shalt  }
0x5b: {  	_ =	shalt  }
0x5c: {  	_ =	shalt  }
0x5d: {  	_ =	shalt  }
0x5e: {  	_ =	shalt  }
0x5f: {  	_ =	shalt  }
0x60: {  	_ =	shalt  }
0x61: {  	_ =	shalt  }
0x62: {  	_ =	shalt  }
0x63: {  	_ =	shalt  }
0x64: {  	_ =	shalt  }
0x65: {  	_ =	shalt  }
0x66: {  	_ =	shalt  }
0x67: {  	_ =	shalt  }
0x68: {  	_ =	shalt  }
0x69: {  	_ =	shalt  }
0x6a: {  	_ =	shalt  }
0x6b: {  	_ =	shalt  }
0x6c: {  	_ =	shalt  }
0x6d: {  	_ =	shalt  }
0x6e: {  	_ =	shalt  }
0x6f: {  	_ =	shalt  }
0x70: {  	_ =	shalt  }
0x71: {  	_ =	shalt  }
0x72: {  	_ =	shalt  }
0x73: {  	_ =	shalt  }
0x74: {  	_ =	shalt  }
0x75: {  	_ =	shalt  }
0x76: {  	_ =	shalt  }
0x77: {  	_ =	shalt  }
0x78: {  	_ =	shalt  }
0x79: {  	_ =	shalt  }
0x7a: {  	_ =	shalt  }
0x7b: {  	_ =	shalt  }
0x7c: {  	_ =	shalt  }
0x7d: {  	_ =	shalt  }
0x7e: {  	_ =	shalt  }
0x7f: {  	_ =	shalt  }
0x80: {  	_ =	shalt  }
0x81: {  	_ =	shalt  }
0x82: {  	_ =	shalt  }
0x83: {  	_ =	shalt  }
0x84: {  	_ =	shalt  }
0x85: {  	_ =	shalt  }
0x86: {  	_ =	shalt  }
0x87: {  	_ =	shalt  }
.Lfunc_end0:
.L_simem_size_0:
called_computation.1_lowered:
.L_overlay_start_0:
0x88: {  	s2 =	sld [smem:$0x3FD9]  }
0x89: {  	s3 =	sld [smem:$0x3FFE];
	_ =	sdelay $0x1  }
0x8a: {  	s1 =	srdreg.scid  }
0x8b: {  	s0 =	sand.u32 $0x1, s1  }
0x8c: {  	s17 =	sshll.u32 s0, $0xA;
	s2 =	sadd.s32 s3, s2  }
0x8d: {  	s2 =	sadd.s32 s2, s17  }
0x8e: {  	[smem:$0x3FC2] =	sst s2  }
0x8f: {  	_ = 	snop  }
0x90: {  	s2 =	sld [smem:$0x3FD0];
	(tm) =	ssettm $0x1  }
0x91: {  	s18 =	sld [smem:$0x3FFB];
	_ =	sdelay $0x3  }
0x92: {  	_ =	strace s18  }
0x93: {  	s3 =	sld [smem:$0x3FFC];
	_ =	sdelay $0x3  }
0x94: {  	_ =	strace s3  }
0x95: {  	s3 =	sld [smem:$0x3FFD];
	_ =	sdelay $0x3  }
0x96: {  	_ =	strace s3  }
0x97: {  	_ =	strace $0x8FFFFFFF  }
0x98: {  	s19 =	sld [smem:$0x3FDB];
	_ =	sdelay $0x1  }
0x99: {  	s4 =	simm.s32 $_scs_section_size  }
0x9a: {  	s5 =	simm.s32 $_size__tile_overlayer_lowered;
	s6 =	simm.s32 $_tile_overlayer_lowered  }
0x9b: {  	s22 =	simm.s32 $0x1BFF;
	s21 =	sshll.u32 s6, $0x1;
	s3 =	sadd.s32 s4, s19  }
0x9c: {  	s7 =	simm.s32 $0x0;
	s20 =	sshll.u32 s5, $0x1;
	s5 =	sadd.s32 s21, s3  }
0x9d: {  	[timem:s7], [sflag:s22] =	dma.local [hbm:s5], s20  }
0x9e: {  	_ =	swait.ge [sflag:s22], s20  }
0x9f: {  	s4 =	ssub.s32 $0x0, s20;
	[sflag:s22] =	ssyncset.done $0x0  }
0xa0: {  	[sflag:s22] =	ssyncadd.s32 s4;
	_ =	sdelay $0x1  }
0xa1: {  	s23 =	simm.s32 $0x1B8B  }
0xa2: {  	_ =	swait.ge [sflag:s23], $0x1  }
0xa3: {  	[sflag:s23] =	ssyncset.done $0x0  }
0xa4: {  	s25 =	simm.s32 $0x1B8E;
	s24 =	sld [smem:$0x3FFE];
	[sflag:s23] =	ssyncadd.s32 $0xFFFFFFFF  }
0xa5: {  	s26 =	simm.s32 $execute0_lowered;
	[smem:$0x3FD2] =	sst s25  }
0xa6: {  	s5 =	sshll.u32 s26, $0x1;
	_ =	strace $0x80000049;
	[dreg:$0x1] =	wrdreg $0xFFFFFFFF  }
0xa7: {  	s28 =	simm.s32 $_size_execute0_lowered;
	s3 =	sadd.s32 s3, s5;
	[dreg:$0x0] =	wrdreg $0x0  }
0xa8: {  	s5 =	sshll.u32 s28, $0x1;
	[dreg:$0x2] =	wrdreg s3  }
0xa9: {  	[dreg:$0x3] =	wrdreg s5  }
0xaa: {  	[dreg:$0x4] =	wrdreg $0xC0  }
0xab: {  	_ =	task [dreg:s7], $0x5FFFF  }
0xac: {  	[dreg:$0x1] =	wrdreg $0xFFFFFFFF  }
0xad: {  	[dreg:$0x0] =	wrdreg $0x60  }
0xae: {  	[dreg:$0x2] =	wrdreg s2  }
0xaf: {  	[dreg:$0x3] =	wrdreg s24  }
0xb0: {  	[dreg:$0x4] =	wrdreg $0x0  }
0xb1: {  	[dreg:$0x5] =	wrdreg $0x9  }
0xb2: {  	_ =	task.clear_ibuf [dreg:s7], $0x6FFFF;
	_ =	strace $0x90000049  }
0xb3: {  	s29 =	simm.s32 $0x9;
	_ =	strace $0x8000004B  }
0xb4: {  	_ =	swait.ge [sflag:s29], $0x1  }
0xb5: {  	[sflag:s29] =	ssyncadd.s32 $0xFFFFFFFF  }
0xb6: {  	_ =	strace $0x9000004B  }
0xb7: {  	_ =	sfence  }
0xb8: {  	s30 =	sld [smem:$0x0];
	_ =	sdelay $0x2  }
0xb9: {  	s31 =	sshll.u32 s1, $0xD;
	s1 =	sshrl.u32 s1, $0x2  }
0xba: {  	s3 =	sand.u32 $0x4000, s31;
	s1 =	sadd.s32 s1, s30  }
0xbb: {  	s0 =	sor.u32 s3, s0;
	s1 =	sshll.u32 s1, $0x11  }
0xbc: {  	s0 =	sor.u32 s1, s0  }
0xbd: {  	s0 =	sadd.s32 $0x8F2B, s0  }
0xbe: {  	[sflag:s0] =	ssyncadd.remote.s32 $0x1  }
0xbf: {  	_ =	sfence.sel $0xFFFF  }
0xc0: {  	[dreg:$0x0] =	wrdreg $0xFFFFFFFF;
	(pc) =	sbr.abs _section_cstart, $3  }
0xc1: {  	[dreg:$0x1] =	wrdreg $0xFFFFFFFF  }
0xc2: {  	_ =	task.clear_ibuf [dreg:s7], $0x2FFFF;
	_ =	strace $0x9FFFFFFF  }
0xc3: {  	(tm) =	ssettm $0x7FFFFFFF  }
tec
execute0_lowered:
.L_overlay_start_1:
0x0: {  	(tag) =	ssettag $0x1  }
0x1: {  	s2 =	rddreg [dreg:$0x0]  }
0x2: {  	s0 =	rddreg [dreg:$0x1]  }
0x3: {  	s3 =	rddreg [dreg:$0x2]  }
0x4: {  	s10 =	stileid.u32;
	s5 =	srdreg.scid  }
0x5: {  	s6 =	simm.s32 $0x0;
	s15 =	simm.s32 $0xB;
	s18 =	simm.s32 $0x64  }
0x6: {  	s19 =	simm.s32 $0x14280;
	s21 =	simm.s32 $0x15B80;
	s30 =	simm.s32 $0x18D80  }
0x7: {  	s28 =	simm.s32 $0x5;
	s31 =	simm.s32 $0x8;
	s1 =	smul.u32 $0xA28, s10  }
0x8: {  	s17 =	simm.s32 $0x0;
	s4 =	smul.u32 $0xA000, s10;
	s5 =	sand.u32 $0x1, s5  }
0x9: {  	s7 =	smul.u32 $0x1400, s10;
	[smem:$0x7FF] =	sst s6;
	s6 =	sadd.s32 $0x73A00, s0  }
0xa: {  	s25 =	sshll.u32 s10, $0x6;
	s8 =	smul.u32 $0x14000, s5;
	_ =	strace $0x8000004A  }
0xb: {  	s23 =	ssub.s32 $0x2, s5;
	p0 =	seq.s32 s5, $0x0;
	s12 =	smov.u32 s6  }
0xc: {  	[dreg:$0x4] =	wrdreg s30;
	s1 =	sadd.s32 s1, s0;
	s9 =	sshrl.u32 s4, $0x3  }
0xd: {  	s24 =	sshrl.u32 s23, $0x1;
	s4 =	sadd.s32 s4, s3;
	s12 =	smov.u32 @p0 s2  }
0xe: {  	s7 =	sadd.s32 s7, s8;
	s9 =	sadd.s32 s9, s0;
	s8 =	sor.u32 $0x1C0B, s25  }
0xf: {  	s26 =	sadd.s32 $0x10E00, s1;
	s1 =	sadd.s32 $0x1B200, s1;
	s14 =	sshrl.u32 s4, $0x3  }
0x10: {  	s25 =	simm.s32 $0x1A680;
	s0 =	sadd.s32 s7, s0;
	[dreg:$0x6] =	wrdreg s26  }
0x11: {  	s7 =	ssub.s32 s23, s24;
	s9 =	sadd.s32 $0x87400, s9;
	[dreg:$0x7] =	wrdreg s1  }
0x12: {  	s24 =	simm.s32 $0x1;
	[dreg:$0x5] =	wrdreg s9;
	s0 =	sadd.s32 $0x9B400, s0  }
0x13: {  	s26 =	simm.s32 $0x2;
	s29 =	smax.u32 s7, $0x1;
	[dreg:$0x8] =	wrdreg s0  }
0x14: {  	s1 =	simm.s32 $0xA;
	[dreg:$0x9] =	wrdreg s29;
	s0 =	simm.s32 $0x9  }
.LBB2_1:
0x15: {  	s4 =	rddreg [dreg:$0x5]  }
0x16: {  	[spmem:s14], [sflag:s8] =	dma.local [hbm:s4], $0x1400  }
0x17: {  	_ =	swait.ge [sflag:s15], $0x1400  }
0x18: {  	s29 =	simm.s32 $0x0;
	[sflag:s15] =	ssyncset.done $0x0  }
0x19: {  	s9 =	simm.s32 $0xA000;
	s7 =	rddreg [dreg:$0x6];
	[sflag:s15] =	ssyncadd.s32 $0xFFFFEC00  }
0x1a: {  	[tilespmem:s9], [sflag:$0xB] =	stream.linear.gather [hbm4b:s7+s29], $0x5140, $0x38;
	[tilespmem:$0x1BF80] =	vst v63  }
0x1b: {  	_ =	swait.ge [sflag:s15], $0x5140  }
0x1c: {  	[sflag:s15] =	ssyncset.done $0x0  }
0x1d: {  	s10 =	simm.s32 $0xF140;
	s30 =	rddreg [dreg:$0x7];
	[sflag:s15] =	ssyncadd.s32 $0xFFFFAEC0  }
0x1e: {  	[tilespmem:s10], [sflag:$0xB] =	stream.linear.gather [hbm4b:s30+s29], $0x5140, $0x38;
	[tilespmem:$0x1BF80] =	vst v63  }
0x1f: {  	_ =	swait.ge [sflag:s15], $0x5140  }
0x20: {  	[sflag:s15] =	ssyncset.done $0x0  }
0x21: {  	[sflag:s15] =	ssyncadd.s32 $0xFFFFAEC0  }
0x22: {  	p0 =	por $0x1, $0x1;
	[bflag:$0x0] =	sbarrier.arrive $0xFFFF  }
0x23: {  	[tilespmem:s19], [sflag:$0x1] =	stream.indirect.gather [hbm4b:s12+s18], $0x40, s9, s18, $0xb8;
	[tilespmem:$0x1BF80] =	vst v63  }
0x24: {  	s11 =	simm.s32 $0xA068;
	p0 =	por p0, p0  }
0x25: {  	[tilespmem:s21], [sflag:$0x2] =	stream.indirect.gather [hbm4b:s12+s18], $0x40, s11, s18, $0xb8;
	[tilespmem:$0x1BF80] =	vst v63  }
0x26: {  	s13 =	simm.s32 $0xA0D0;
	s16 =	simm.s32 $0x17480;
	s4 =	simm.s32 @!p0 $0x9  }
0x27: {  	[tilespmem:s16], [sflag:$0x3] =	stream.indirect.gather [hbm4b:s12+s18], $0x40, s13, s18, $0xb8;
	[tilespmem:$0x1BF80] =	vst v63  }
0x28: {  	_ =	swait.ge @!p0 [sflag:s4], $0x1900  }
0x29: {  	[sflag:s4] =	ssyncset.done @!p0 $0x0  }
0x2a: {  	s22 =	simm.s32 $0xA138;
	s20 =	rddreg [dreg:$0x4];
	[sflag:s4] =	ssyncadd.s32 @!p0 $0xFFFFE700  }
0x2b: {  	[tilespmem:s20], [sflag:$0x4] =	stream.indirect.gather [hbm4b:s12+s18], $0x40, s22, s18, $0xb8;
	[tilespmem:$0x1BF80] =	vst v63  }
0x2c: {  	_ =	swait.ge [sflag:s24], $0x1900  }
0x2d: {  	[sflag:s24] =	ssyncset.done $0x0  }
0x2e: {  	s23 =	simm.s32 $0xF140;
	s7 =	simm.s32 @!p0 $0xA;
	[sflag:s24] =	ssyncadd.s32 $0xFFFFE700  }
0x2f: {  	[spmem:s3] =	stream.indirect.scatter.add.f32 [tilespmem:s19], [sflag:$0x6], $0x40, s23, s18, $0xb8;
	[tilespmem:$0x1BF80] =	vst v63  }
0x30: {  	_ =	swait.ge @!p0 [sflag:s7], $0x1900  }
0x31: {  	[sflag:s7] =	ssyncset.done @!p0 $0x0  }
0x32: {  	s29 =	simm.s32 $0xA1A0;
	[sflag:s7] =	ssyncadd.s32 @!p0 $0xFFFFE700  }
0x33: {  	[tilespmem:s25], [sflag:$0x5] =	stream.indirect.gather [hbm4b:s12+s18], $0x40, s29, s18, $0xb8;
	[tilespmem:$0x1BF80] =	vst v63  }
0x34: {  	_ =	swait.ge [sflag:s26], $0x1900  }
0x35: {  	p0 =	por $0x0, $0x0;
	[sflag:s26] =	ssyncset.done $0x0  }
0x36: {  	s30 =	simm.s32 $0xF1A8;
	s4 =	simm.s32 @p0 $0x3;
	[sflag:s26] =	ssyncadd.s32 $0xFFFFE700  }
0x37: {  	[spmem:s3] =	stream.indirect.scatter.add.f32 [tilespmem:s21], [sflag:$0x7], $0x40, s30, s18, $0xb8;
	[tilespmem:$0x1BF80] =	vst v63  }
0x38: {  	_ =	swait.ge @p0 [sflag:s4], $0x1900  }
0x39: {  	s7 =	simm.s32 @p0 $0xF210;
	[sflag:s4] =	ssyncset.done @p0 $0x0  }
0x3a: {  	s20 =	simm.s32 @p0 $0x64;
	[sflag:s4] =	ssyncadd.s32 @p0 $0xFFFFE700;
	s4 =	simm.s32 @p0 $0x17480  }
0x3b: {  	[spmem:s3] =	stream.indirect.scatter.add.f32 @p0 [tilespmem:s4], [sflag:$0x8], $0x40, s7, s20, $0xb8;
	[tilespmem:$0x1BF80] =	vst v63  }
0x3c: {  	s4 =	simm.s32 @p0 $0x4  }
0x3d: {  	_ =	swait.ge @p0 [sflag:s4], $0x1900  }
0x3e: {  	[sflag:s4] =	ssyncset.done @p0 $0x0  }
0x3f: {  	s7 =	simm.s32 @p0 $0xF278;
	[sflag:s4] =	ssyncadd.s32 @p0 $0xFFFFE700;
	s4 =	simm.s32 @p0 $0x18D80  }
0x40: {  	[spmem:s3] =	stream.indirect.scatter.add.f32 @p0 [tilespmem:s4], [sflag:$0x9], $0x40, s7, s20, $0xb8;
	[tilespmem:$0x1BF80] =	vst v63  }
0x41: {  	s4 =	simm.s32 @!p0 $0x6  }
0x42: {  	_ =	swait.ge @!p0 [sflag:s4], $0x1900  }
0x43: {  	s7 =	simm.s32 @!p0 $0xA208;
	[sflag:s4] =	ssyncset.done @!p0 $0x0  }
0x44: {  	s20 =	simm.s32 @!p0 $0x64;
	[sflag:s4] =	ssyncadd.s32 @!p0 $0xFFFFE700;
	s4 =	simm.s32 @!p0 $0x14280  }
0x45: {  	[tilespmem:s4], [sflag:$0x1] =	stream.indirect.gather @!p0 [hbm4b:s12+s20], $0x40, s7, s20, $0xb8;
	[tilespmem:$0x1BF80] =	vst v63  }
0x46: {  	s4 =	simm.s32 @!p0 $0x3  }
0x47: {  	_ =	swait.ge @!p0 [sflag:s4], $0x1900  }
0x48: {  	[sflag:s4] =	ssyncset.done @!p0 $0x0  }
0x49: {  	s7 =	simm.s32 @!p0 $0xF210;
	[sflag:s4] =	ssyncadd.s32 @!p0 $0xFFFFE700;
	s4 =	simm.s32 @!p0 $0x17480  }
0x4a: {  	[spmem:s3] =	stream.indirect.scatter.add.f32 @!p0 [tilespmem:s4], [sflag:$0x8], $0x40, s7, s20, $0xb8;
	[tilespmem:$0x1BF80] =	vst v63  }
0x4b: {  	s4 =	simm.s32 @!p0 $0x7  }
0x4c: {  	_ =	swait.ge @!p0 [sflag:s4], $0x1900  }
0x4d: {  	[sflag:s4] =	ssyncset.done @!p0 $0x0  }
0x4e: {  	s7 =	simm.s32 @!p0 $0xA270;
	[sflag:s4] =	ssyncadd.s32 @!p0 $0xFFFFE700;
	s4 =	simm.s32 @!p0 $0x15B80  }
0x4f: {  	[tilespmem:s4], [sflag:$0x2] =	stream.indirect.gather @!p0 [hbm4b:s12+s20], $0x40, s7, s20, $0xb8;
	[tilespmem:$0x1BF80] =	vst v63  }
0x50: {  	s4 =	simm.s32 @!p0 $0x4  }
0x51: {  	_ =	swait.ge @!p0 [sflag:s4], $0x1900  }
0x52: {  	[sflag:s4] =	ssyncset.done @!p0 $0x0  }
0x53: {  	s7 =	simm.s32 @!p0 $0xF278;
	[sflag:s4] =	ssyncadd.s32 @!p0 $0xFFFFE700;
	s4 =	simm.s32 @!p0 $0x18D80  }
0x54: {  	[spmem:s3] =	stream.indirect.scatter.add.f32 @!p0 [tilespmem:s4], [sflag:$0x9], $0x40, s7, s20, $0xb8;
	[tilespmem:$0x1BF80] =	vst v63  }
0x55: {  	p1 =	sne.s32 @!p0 s5, $0x0;
	s4 =	simm.s32 @!p0 $0x8  }
0x56: {  	p2 =	por !p1, p0;
	_ =	swait.ge @!p0 [sflag:s4], $0x1900  }
0x57: {  	p1 =	por p1, p0;
	s7 =	simm.s32 @!p0 $0xA2D8;
	[sflag:s4] =	ssyncset.done @!p0 $0x0  }
0x58: {  	s20 =	simm.s32 @!p2 $0x64;
	[sflag:s4] =	ssyncadd.s32 @!p0 $0xFFFFE700;
	s4 =	simm.s32 @!p2 $0x17480  }
0x59: {  	[tilespmem:s4], [sflag:$0x3] =	stream.indirect.gather @!p2 [hbm4b:s6+s20], $0x40, s7, s20, $0xb8;
	[tilespmem:$0x1BF80] =	vst v63  }
0x5a: {  	p6 =	por $0x0, $0x0;
	s4 =	simm.s32 @!p1 $0x64;
	s20 =	simm.s32 @!p1 $0x17480  }
0x5b: {  	[tilespmem:s20], [sflag:$0x3] =	stream.indirect.gather @!p1 [hbm4b:s2+s4], $0x40, s7, s4, $0xb8;
	[tilespmem:$0x1BF80] =	vst v63  }
0x5c: {  	s22 =	simm.s32 $0x1040;
	p0 =	por p6, p6;
	_ =	swait.ge [sflag:s28], $0x1900  }
0x5d: {  	s20 =	simm.s32 $0x820;
	s4 =	simm.s32 $0xF2E0;
	[sflag:s28] =	ssyncset.done $0x0  }
.LBB2_2:
0x5e: {  	s7 =	simm.s32 @!p0 $0x9;
	[sflag:s28] =	ssyncadd.s32 $0xFFFFE700  }
0x5f: {  	[spmem:s3] =	stream.indirect.scatter.add.f32 [tilespmem:s25], [sflag:$0xA], $0x40, s4, s18, $0xb8;
	[tilespmem:$0x1BF80] =	vst v63  }
0x60: {  	_ =	swait.ge @!p0 [sflag:s7], $0x1900  }
0x61: {  	s23 =	sshra.s32 s20, $0x2;
	[sflag:s7] =	ssyncset.done @!p0 $0x0  }
0x62: {  	s13 =	sadd.s32 $0xA138, s23;
	s9 =	rddreg [dreg:$0x4];
	[sflag:s7] =	ssyncadd.s32 @!p0 $0xFFFFE700  }
0x63: {  	[tilespmem:s9], [sflag:$0x4] =	stream.indirect.gather [hbm4b:s12+s18], $0x40, s13, s18, $0xb8;
	[tilespmem:$0x1BF80] =	vst v63  }
0x64: {  	_ =	swait.ge [sflag:s24], $0x1900  }
0x65: {  	[sflag:s24] =	ssyncset.done $0x0  }
0x66: {  	s16 =	sadd.s32 $0xF140, s23;
	s9 =	simm.s32 @!p0 $0xA;
	[sflag:s24] =	ssyncadd.s32 $0xFFFFE700  }
0x67: {  	[spmem:s3] =	stream.indirect.scatter.add.f32 [tilespmem:s19], [sflag:$0x6], $0x40, s16, s18, $0xb8;
	[tilespmem:$0x1BF80] =	vst v63  }
0x68: {  	_ =	swait.ge @!p0 [sflag:s9], $0x1900  }
0x69: {  	[sflag:s9] =	ssyncset.done @!p0 $0x0  }
0x6a: {  	s29 =	sadd.s32 $0xA1A0, s23;
	[sflag:s9] =	ssyncadd.s32 @!p0 $0xFFFFE700  }
0x6b: {  	[tilespmem:s25], [sflag:$0x5] =	stream.indirect.gather [hbm4b:s12+s18], $0x40, s29, s18, $0xb8;
	[tilespmem:$0x1BF80] =	vst v63  }
0x6c: {  	p2 =	seq.s32 s22, $0x0;
	_ =	swait.ge [sflag:s26], $0x1900  }
0x6d: {  	p0 =	por p2, p2;
	p2 =	seq.s32 s20, $0x13CE0;
	[sflag:s26] =	ssyncset.done $0x0  }
0x6e: {  	s30 =	sadd.s32 $0xF1A8, s23;
	s9 =	simm.s32 @p2 $0x3;
	[sflag:s26] =	ssyncadd.s32 $0xFFFFE700  }
0x6f: {  	[spmem:s3] =	stream.indirect.scatter.add.f32 [tilespmem:s21], [sflag:$0x7], $0x40, s30, s18, $0xb8;
	[tilespmem:$0x1BF80] =	vst v63  }
0x70: {  	s10 =	sshra.s32 @p2 s20, $0x2;
	s7 =	sshra.s32 @!p2 s20, $0x2;
	_ =	swait.ge @p2 [sflag:s9], $0x1900  }
0x71: {  	s16 =	simm.s32 @p2 $0x64;
	s11 =	simm.s32 @p2 $0x17480;
	[sflag:s9] =	ssyncset.done @p2 $0x0  }
0x72: {  	s20 =	sadd.s32 @p2 $0xF210, s10;
	[sflag:s9] =	ssyncadd.s32 @p2 $0xFFFFE700;
	s9 =	simm.s32 @p2 $0x4  }
0x73: {  	[spmem:s3] =	stream.indirect.scatter.add.f32 @p2 [tilespmem:s11], [sflag:$0x8], $0x40, s20, s16, $0xb8;
	[tilespmem:$0x1BF80] =	vst v63  }
0x74: {  	_ =	swait.ge @p2 [sflag:s9], $0x1900  }
0x75: {  	s10 =	sadd.s32 @p2 $0xF278, s10;
	[sflag:s9] =	ssyncset.done @p2 $0x0  }
0x76: {  	s20 =	simm.s32 @p2 $0x18D80;
	[sflag:s9] =	ssyncadd.s32 @p2 $0xFFFFE700;
	s9 =	simm.s32 @!p2 $0x6  }
0x77: {  	[spmem:s3] =	stream.indirect.scatter.add.f32 @p2 [tilespmem:s20], [sflag:$0x9], $0x40, s10, s16, $0xb8;
	[tilespmem:$0x1BF80] =	vst v63  }
0x78: {  	_ =	swait.ge @!p2 [sflag:s9], $0x1900  }
0x79: {  	s13 =	sadd.s32 @!p2 $0xA208, s7;
	s10 =	simm.s32 @!p2 $0x64;
	[sflag:s9] =	ssyncset.done @!p2 $0x0  }
0x7a: {  	s16 =	simm.s32 @!p2 $0x14280;
	[sflag:s9] =	ssyncadd.s32 @!p2 $0xFFFFE700;
	s9 =	simm.s32 @!p2 $0x3  }
0x7b: {  	[tilespmem:s16], [sflag:$0x1] =	stream.indirect.gather @!p2 [hbm4b:s12+s10], $0x40, s13, s10, $0xb8;
	[tilespmem:$0x1BF80] =	vst v63  }
0x7c: {  	s4 =	smov.u32 s22;
	_ =	swait.ge @!p2 [sflag:s9], $0x1900  }
0x7d: {  	s11 =	sadd.s32 @!p2 $0xF210, s7;
	s20 =	smov.u32 s4;
	[sflag:s9] =	ssyncset.done @!p2 $0x0  }
0x7e: {  	s4 =	simm.s32 @!p2 $0x17480;
	[sflag:s9] =	ssyncadd.s32 @!p2 $0xFFFFE700;
	s9 =	simm.s32 @!p2 $0x7  }
0x7f: {  	[spmem:s3] =	stream.indirect.scatter.add.f32 @!p2 [tilespmem:s4], [sflag:$0x8], $0x40, s11, s10, $0xb8;
	[tilespmem:$0x1BF80] =	vst v63  }
0x80: {  	_ =	swait.ge @!p2 [sflag:s9], $0x1900  }
0x81: {  	s29 =	sadd.s32 @!p2 $0xA270, s7;
	[sflag:s9] =	ssyncset.done @!p2 $0x0  }
0x82: {  	s4 =	simm.s32 @!p2 $0x15B80;
	[sflag:s9] =	ssyncadd.s32 @!p2 $0xFFFFE700;
	s9 =	simm.s32 @!p2 $0x4  }
0x83: {  	[tilespmem:s4], [sflag:$0x2] =	stream.indirect.gather @!p2 [hbm4b:s12+s10], $0x40, s29, s10, $0xb8;
	[tilespmem:$0x1BF80] =	vst v63  }
0x84: {  	_ =	swait.ge @!p2 [sflag:s9], $0x1900  }
0x85: {  	s22 =	sadd.s32 $0x820, s22;
	s30 =	sadd.s32 @!p2 $0xF278, s7;
	[sflag:s9] =	ssyncset.done @!p2 $0x0  }
0x86: {  	s4 =	simm.s32 @!p2 $0x18D80;
	[sflag:s9] =	ssyncadd.s32 @!p2 $0xFFFFE700;
	s9 =	simm.s32 @!p2 $0x8  }
0x87: {  	[spmem:s3] =	stream.indirect.scatter.add.f32 @!p2 [tilespmem:s4], [sflag:$0x9], $0x40, s30, s10, $0xb8;
	[tilespmem:$0x1BF80] =	vst v63  }
0x88: {  	p1 =	sne.s32 s22, $0x14500;
	p3 =	sne.s32 @!p2 s5, $0x0;
	_ =	swait.ge @!p2 [sflag:s9], $0x1900  }
0x89: {  	p4 =	por !p3, p2;
	s4 =	sadd.s32 @!p2 $0xA2D8, s7;
	[sflag:s9] =	ssyncset.done @!p2 $0x0  }
0x8a: {  	s7 =	simm.s32 @!p4 $0x64;
	s10 =	simm.s32 @!p4 $0x17480;
	[sflag:s9] =	ssyncadd.s32 @!p2 $0xFFFFE700  }
0x8b: {  	[tilespmem:s10], [sflag:$0x3] =	stream.indirect.gather @!p4 [hbm4b:s6+s7], $0x40, s4, s7, $0xb8;
	[tilespmem:$0x1BF80] =	vst v63  }
.Ltmp0:
0x8c: {  	p3 =	por p3, p2;
	(pc) =	sbr.rel @p1 .LBB2_2-.Ltmp0, $4  }
0x8d: {  	s11 =	simm.s32 @!p3 $0x17480;
	s9 =	simm.s32 @!p3 $0x64  }
0x8e: {  	[tilespmem:s11], [sflag:$0x3] =	stream.indirect.gather @!p3 [hbm4b:s2+s9], $0x40, s4, s9, $0xb8;
	[tilespmem:$0x1BF80] =	vst v63  }
0x8f: {  	_ =	swait.ge [sflag:s28], $0x1900  }
0x90: {  	s4 =	sadd.s32 $0xF2E0, s23;
	[sflag:s28] =	ssyncset.done $0x0  }
0x91: {  	s7 =	simm.s32 @!p0 $0x9;
	[sflag:s28] =	ssyncadd.s32 $0xFFFFE700  }
0x92: {  	[spmem:s3] =	stream.indirect.scatter.add.f32 [tilespmem:s25], [sflag:$0xA], $0x40, s4, s18, $0xb8;
	[tilespmem:$0x1BF80] =	vst v63  }
0x93: {  	_ =	swait.ge @!p0 [sflag:s7], $0x1900  }
0x94: {  	s30 =	sshra.s32 s20, $0x2;
	[sflag:s7] =	ssyncset.done @!p0 $0x0  }
0x95: {  	s10 =	sadd.s32 $0xA138, s30;
	s9 =	rddreg [dreg:$0x4];
	[sflag:s7] =	ssyncadd.s32 @!p0 $0xFFFFE700  }
0x96: {  	[tilespmem:s9], [sflag:$0x4] =	stream.indirect.gather [hbm4b:s12+s18], $0x40, s10, s18, $0xb8;
	[tilespmem:$0x1BF80] =	vst v63  }
0x97: {  	_ =	swait.ge [sflag:s24], $0x1900  }
0x98: {  	[sflag:s24] =	ssyncset.done $0x0  }
0x99: {  	s11 =	sadd.s32 $0xF140, s30;
	s9 =	simm.s32 @!p0 $0xA;
	[sflag:s24] =	ssyncadd.s32 $0xFFFFE700  }
0x9a: {  	[spmem:s3] =	stream.indirect.scatter.add.f32 [tilespmem:s19], [sflag:$0x6], $0x40, s11, s18, $0xb8;
	[tilespmem:$0x1BF80] =	vst v63  }
0x9b: {  	_ =	swait.ge @!p0 [sflag:s9], $0x1900  }
0x9c: {  	[sflag:s9] =	ssyncset.done @!p0 $0x0  }
0x9d: {  	s13 =	sadd.s32 $0xA1A0, s30;
	[sflag:s9] =	ssyncadd.s32 @!p0 $0xFFFFE700  }
0x9e: {  	[tilespmem:s25], [sflag:$0x5] =	stream.indirect.gather [hbm4b:s12+s18], $0x40, s13, s18, $0xb8;
	[tilespmem:$0x1BF80] =	vst v63  }
0x9f: {  	_ =	swait.ge [sflag:s26], $0x1900  }
0xa0: {  	p0 =	seq.s32 s20, $0x13CE0;
	[sflag:s26] =	ssyncset.done $0x0  }
0xa1: {  	s16 =	sadd.s32 $0xF1A8, s30;
	s7 =	simm.s32 @p0 $0x3;
	[sflag:s26] =	ssyncadd.s32 $0xFFFFE700  }
0xa2: {  	[spmem:s3] =	stream.indirect.scatter.add.f32 [tilespmem:s21], [sflag:$0x7], $0x40, s16, s18, $0xb8;
	[tilespmem:$0x1BF80] =	vst v63  }
0xa3: {  	_ =	swait.ge @p0 [sflag:s7], $0x1900  }
0xa4: {  	s9 =	sshra.s32 @p0 s20, $0x2;
	s11 =	simm.s32 @p0 $0x64;
	[sflag:s7] =	ssyncset.done @p0 $0x0  }
0xa5: {  	s10 =	sadd.s32 @p0 $0xF210, s9;
	[sflag:s7] =	ssyncadd.s32 @p0 $0xFFFFE700;
	s7 =	simm.s32 @p0 $0x17480  }
0xa6: {  	[spmem:s3] =	stream.indirect.scatter.add.f32 @p0 [tilespmem:s7], [sflag:$0x8], $0x40, s10, s11, $0xb8;
	[tilespmem:$0x1BF80] =	vst v63  }
0xa7: {  	s7 =	simm.s32 @p0 $0x4  }
0xa8: {  	_ =	swait.ge @p0 [sflag:s7], $0x1900  }
0xa9: {  	[sflag:s7] =	ssyncset.done @p0 $0x0  }
0xaa: {  	s9 =	sadd.s32 @p0 $0xF278, s9;
	[sflag:s7] =	ssyncadd.s32 @p0 $0xFFFFE700;
	s7 =	simm.s32 @p0 $0x18D80  }
0xab: {  	[spmem:s3] =	stream.indirect.scatter.add.f32 @p0 [tilespmem:s7], [sflag:$0x9], $0x40, s9, s11, $0xb8;
	[tilespmem:$0x1BF80] =	vst v63  }
0xac: {  	s7 =	simm.s32 @!p0 $0x6  }
0xad: {  	_ =	swait.ge @!p0 [sflag:s7], $0x1900  }
0xae: {  	s9 =	sshra.s32 @!p0 s20, $0x2;
	s11 =	simm.s32 @!p0 $0x64;
	[sflag:s7] =	ssyncset.done @!p0 $0x0  }
0xaf: {  	s10 =	sadd.s32 @!p0 $0xA208, s9;
	[sflag:s7] =	ssyncadd.s32 @!p0 $0xFFFFE700;
	s7 =	simm.s32 @!p0 $0x14280  }
0xb0: {  	[tilespmem:s7], [sflag:$0x1] =	stream.indirect.gather @!p0 [hbm4b:s12+s11], $0x40, s10, s11, $0xb8;
	[tilespmem:$0x1BF80] =	vst v63  }
0xb1: {  	s7 =	simm.s32 @!p0 $0x3  }
0xb2: {  	_ =	swait.ge @!p0 [sflag:s7], $0x1900  }
0xb3: {  	[sflag:s7] =	ssyncset.done @!p0 $0x0  }
0xb4: {  	s10 =	sadd.s32 @!p0 $0xF210, s9;
	[sflag:s7] =	ssyncadd.s32 @!p0 $0xFFFFE700;
	s7 =	simm.s32 @!p0 $0x17480  }
0xb5: {  	[spmem:s3] =	stream.indirect.scatter.add.f32 @!p0 [tilespmem:s7], [sflag:$0x8], $0x40, s10, s11, $0xb8;
	[tilespmem:$0x1BF80] =	vst v63  }
0xb6: {  	s7 =	simm.s32 @!p0 $0x7  }
0xb7: {  	_ =	swait.ge @!p0 [sflag:s7], $0x1900  }
0xb8: {  	[sflag:s7] =	ssyncset.done @!p0 $0x0  }
0xb9: {  	s10 =	sadd.s32 @!p0 $0xA270, s9;
	[sflag:s7] =	ssyncadd.s32 @!p0 $0xFFFFE700;
	s7 =	simm.s32 @!p0 $0x15B80  }
0xba: {  	[tilespmem:s7], [sflag:$0x2] =	stream.indirect.gather @!p0 [hbm4b:s12+s11], $0x40, s10, s11, $0xb8;
	[tilespmem:$0x1BF80] =	vst v63  }
0xbb: {  	s7 =	simm.s32 @!p0 $0x4  }
0xbc: {  	_ =	swait.ge @!p0 [sflag:s7], $0x1900  }
0xbd: {  	[sflag:s7] =	ssyncset.done @!p0 $0x0  }
0xbe: {  	s10 =	sadd.s32 @!p0 $0xF278, s9;
	[sflag:s7] =	ssyncadd.s32 @!p0 $0xFFFFE700;
	s7 =	simm.s32 @!p0 $0x18D80  }
0xbf: {  	[spmem:s3] =	stream.indirect.scatter.add.f32 @!p0 [tilespmem:s7], [sflag:$0x9], $0x40, s10, s11, $0xb8;
	[tilespmem:$0x1BF80] =	vst v63  }
0xc0: {  	p1 =	sne.s32 @!p0 s5, $0x0;
	s7 =	simm.s32 @!p0 $0x8  }
0xc1: {  	p2 =	por !p1, p0;
	_ =	swait.ge @!p0 [sflag:s7], $0x1900  }
0xc2: {  	p1 =	por p1, p0;
	s9 =	sadd.s32 @!p0 $0xA2D8, s9;
	[sflag:s7] =	ssyncset.done @!p0 $0x0  }
0xc3: {  	s10 =	simm.s32 @!p2 $0x64;
	[sflag:s7] =	ssyncadd.s32 @!p0 $0xFFFFE700;
	s7 =	simm.s32 @!p2 $0x17480  }
0xc4: {  	[tilespmem:s7], [sflag:$0x3] =	stream.indirect.gather @!p2 [hbm4b:s6+s10], $0x40, s9, s10, $0xb8;
	[tilespmem:$0x1BF80] =	vst v63  }
0xc5: {  	s7 =	simm.s32 @!p1 $0x64;
	s10 =	simm.s32 @!p1 $0x17480  }
0xc6: {  	[tilespmem:s10], [sflag:$0x3] =	stream.indirect.gather @!p1 [hbm4b:s2+s7], $0x40, s9, s7, $0xb8;
	[tilespmem:$0x1BF80] =	vst v63  }
0xc7: {  	_ =	swait.ge [sflag:s28], $0x1900  }
0xc8: {  	[sflag:s28] =	ssyncset.done $0x0  }
0xc9: {  	s22 =	simm.s32 $0x6;
	s4 =	sadd.s32 $0xF2E0, s30;
	[sflag:s28] =	ssyncadd.s32 $0xFFFFE700  }
0xca: {  	[spmem:s3] =	stream.indirect.scatter.add.f32 [tilespmem:s25], [sflag:$0xA], $0x40, s4, s18, $0xb8;
	[tilespmem:$0x1BF80] =	vst v63  }
0xcb: {  	_ =	swait.ge [sflag:s22], $0x1900  }
0xcc: {  	[sflag:s22] =	ssyncset.done $0x0  }
0xcd: {  	s23 =	simm.s32 $0x7;
	[sflag:s22] =	ssyncadd.s32 $0xFFFFE700  }
0xce: {  	_ =	swait.ge [sflag:s23], $0x1900  }
0xcf: {  	[sflag:s23] =	ssyncset.done $0x0  }
0xd0: {  	[sflag:s23] =	ssyncadd.s32 $0xFFFFE700  }
0xd1: {  	_ =	swait.ge [sflag:s31], $0x1900  }
0xd2: {  	[sflag:s31] =	ssyncset.done $0x0  }
0xd3: {  	[sflag:s31] =	ssyncadd.s32 $0xFFFFE700  }
0xd4: {  	_ =	swait.ge [sflag:s0], $0x1900  }
0xd5: {  	[sflag:s0] =	ssyncset.done $0x0  }
0xd6: {  	[sflag:s0] =	ssyncadd.s32 $0xFFFFE700  }
0xd7: {  	_ =	swait.ge [sflag:s1], $0x1900  }
0xd8: {  	[sflag:s1] =	ssyncset.done $0x0  }
0xd9: {  	[sflag:s1] =	ssyncadd.s32 $0xFFFFE700  }
0xda: {  	[bflag:$0x0] =	sbarrier.arrive $0xFFFF  }
0xdb: {  	s29 =	rddreg [dreg:$0x8]  }
0xdc: {  	[hbm:s29], [sflag:s8] =	dma.local [spmem:s14], $0x1400  }
0xdd: {  	_ =	swait.ge [sflag:s15], $0x1400  }
0xde: {  	s17 =	sadd.s32 $0x1, s17;
	s30 =	rddreg [dreg:$0x9]  }
0xdf: {  	p0 =	sne.s32 s17, s30  }
.Ltmp1:
0xe0: {  	_ = 	snop;
	(pc) =	sbr.rel @p0 .LBB2_1-.Ltmp1, $3  }
0xe1: {  	_ =	sdelay $0x1  }
0xe2: {  	[sflag:s15] =	ssyncset.done $0x0  }
0xe3: {  	[sflag:s15] =	ssyncadd.s32 $0xFFFFEC00  }
0xe4: {  	_ =	sfence.sel $0x180000  }
0xe5: {  	[bflag:$0x0] =	sbarrier.arrive $0xFFFF  }
0xe6: {  	_ =	strace $0x9000004A  }
0xe7: {  	s0 =	stileid.u32;
	[bflag:$0x2] =	sbarrier.arrive $0xFFFF  }
0xe8: {  	p0 =	sne.s32 s0, $0x0;
	s0 =	rddreg [dreg:$0x3]  }
0xe9: {  	s0 =	sadd.s32 @!p0 $0x100000, s0  }
0xea: {  	[sflag:s0] =	ssyncadd.tile.s32 @!p0 $0x1;
	_ =	shalt  }
.Lfunc_end2:
_tile_overlayer_lowered:
.L_overlay_start_2:
0xeb: {  	(tag) =	ssettag $0x2  }
0xec: {  	s0 =	rddreg [dreg:$0x0];
	s2 =	stileid.u32  }
0xed: {  	s1 =	rddreg [dreg:$0x1];
	p0 =	sne.s32 s2, $0x0  }
0xee: {  	s3 =	rddreg [dreg:$0x2];
	[bflag:$0x3] =	sbarrier.arrive $0xFFFF;
	s2 =	simm.s32 @!p0 $0x1C0B  }
0xef: {  	[timem:s3], [sflag:s2] =	dma.local @!p0 [hbm:s0], s1  }
0xf0: {  	s0 =	simm.s32 @!p0 $0xB  }
0xf1: {  	_ =	swait.ge @!p0 [sflag:s0], s1  }
0xf2: {  	s1 =	ssub.s32 @!p0 $0x0, s1;
	[sflag:s0] =	ssyncset.done @!p0 $0x0  }
0xf3: {  	[sflag:s0] =	ssyncadd.s32 @!p0 s1  }
0xf4: {  	[bflag:$0x3] =	sbarrier.arrive $0xFFFF  }
0xf5: {  	_ =	shalt  }

// kernel: kernel.14.cloned.1.call-start
scs
__scs_entry_jumppad:
0x0: {  	(pc) =	sbr.rel $0x88, $3  }
0x1: {  	(tag) =	ssettag $0x0;
	lr =	simm.s32 $0x1  }
0x2: {  	[smem:$0x3F9B] =	sst lr;
	_ =	strace $0xD0000000  }
0x3: {  	_ = 	snop  }
0x4: {  	_ = 	snop  }
0x5: {  	_ = 	snop  }
0x6: {  	_ = 	snop  }
0x7: {  	_ = 	snop  }
__scs_overlays_trampoline_lowered:
0x8: {  	[smem:$0x3FAA] =	sst s0  }
0x9: {  	[smem:$0x3FAB] =	sst s1  }
0xa: {  	[smem:$0x3FAC] =	sst s2  }
0xb: {  	[smem:$0x3FAD] =	sst s3  }
0xc: {  	[smem:$0x3FAE] =	sst s4  }
0xd: {  	[smem:$0x3FAF] =	sst s5  }
0xe: {  	[smem:$0x3FB0] =	sst s6  }
0xf: {  	[smem:$0x3FB1] =	sst s7  }
0x10: {  	[smem:$0x3FB2] =	sst s8  }
0x11: {  	[smem:$0x3FB3] =	sst s9;
	s0 =	simm.s32 @!p0 $0x0  }
0x12: {  	s1 =	sld [smem:$0x3F99];
	s0 =	simm.s32 @p0 $0x1  }
0x13: {  	[smem:$0x3FB4] =	sst s0;
	s0 =	simm.s32 @!p1 $0x0  }
0x14: {  	s2 =	sld [smem:$0x3F98];
	s0 =	simm.s32 @p1 $0x1  }
0x15: {  	[smem:$0x3FB5] =	sst s0;
	s0 =	simm.s32 @!p2 $0x0  }
0x16: {  	s3 =	sld [smem:$0x3FDB];
	s0 =	simm.s32 @p2 $0x1  }
0x17: {  	s4 =	simm.s32 $0x1BF5;
	[smem:$0x3FB7] =	sst s0  }
0x18: {  	s0 =	sld [smem:$0x3F9A];
	_ =	swait.ge [sflag:s4], $0x0  }
0x19: {  	s7 =	sld [smem:$0x3F9B]  }
0x1a: {  	s8 =	sadd.s32 $0xFFFFE003, lr  }
0x1b: {  	s9 =	sadd.s32 $0xFFFFFEF7, lr;
	s5 =	simm.s32 $0xFFFFFFFF;
	p2 =	slt.u32 s8, $0xFFFFF086  }
0x1c: {  	p1 =	slt.u32 s9, $0xF7A;
	s5 =	simm.s32 @!p2 $0x0  }
0x1d: {  	s5 =	simm.s32 @p1 $0x1;
	p0 =	seq.s32 s7, s2  }
0x1e: {  	s7 =	smul.u32 @!p0 $0xF7A, s2;
	p2 =	seq.s32 @!p0 s5, $0x0  }
0x1f: {  	s9 =	smul.u32 $0xF7A, s1;
	s8 =	simm.s32 @!p0 $0x1BF5;
	p2 =	por !p2, p0  }
0x20: {  	[sflag:s8] =	ssyncset.s32 @!p0 $0xFFFFF086;
	s6 =	sadd.s32 @!p0 s3, s7;
	s7 =	simm.s32 @!p0 $0x108  }
0x21: {  	s3 =	sadd.s32 s3, s9;
	s6 =	sadd.s32 @!p0 $0x88, s6;
	s7 =	simm.s32 @p2 $0x1082  }
0x22: {  	[simem:s7], [sflag:s8] =	dma.local @!p0 [hbm:s6], $0xF7A  }
0x23: {  	s9 =	sor.u32 $0xD0000000, s2;
	s6 =	simm.s32 $0x108;
	_ =	swait.ge @!p0 [sflag:s8], $0x0  }
0x24: {  	s3 =	sadd.s32 $0x88, s3;
	s6 =	simm.s32 @!p1 $0x1082;
	[sflag:s4] =	ssyncset.s32 $0xFFFFF086  }
0x25: {  	[simem:s6], [sflag:s4] =	dma.local [hbm:s3], $0xF7A  }
0x26: {  	[smem:$0x3F9B] =	sst s1;
	(tag) =	ssettag s2;
	_ =	strace s9  }
0x27: {  	s1 =	sld [smem:$0x3FAB]  }
0x28: {  	s2 =	sld [smem:$0x3FAC]  }
0x29: {  	s4 =	sld [smem:$0x3FAE]  }
0x2a: {  	p0 =	seq.s32 s5, $0x0;
	s5 =	sld [smem:$0x3FAF]  }
0x2b: {  	s6 =	sld [smem:$0x3FB0]  }
0x2c: {  	s7 =	sld [smem:$0x3FB1]  }
0x2d: {  	s3 =	simm.s32 $0x108;
	s8 =	sld [smem:$0x3FB2]  }
0x2e: {  	s3 =	simm.s32 @!p0 $0x1082;
	s9 =	sld [smem:$0x3FB3]  }
0x2f: {  	lr =	sadd.s32 s0, s3;
	s0 =	sld [smem:$0x3FAA]  }
0x30: {  	s3 =	sld [smem:$0x3FAD]  }
0x31: {  	[smem:$0x3FB6] =	sst s10  }
0x32: {  	s10 =	sld [smem:$0x3FB4];
	_ =	sdelay $0x3  }
0x33: {  	p0 =	seq.s32 s10, $0x1;
	s10 =	sld [smem:$0x3FB6];
	_ =	sdelay $0x3  }
0x34: {  	[smem:$0x3FB6] =	sst s10  }
0x35: {  	s10 =	sld [smem:$0x3FB5];
	_ =	sdelay $0x3  }
0x36: {  	p1 =	seq.s32 s10, $0x1;
	s10 =	sld [smem:$0x3FB6];
	_ =	sdelay $0x3  }
0x37: {  	[smem:$0x3FB6] =	sst s10  }
0x38: {  	s10 =	sld [smem:$0x3FB7]  }
0x39: {  	_ = 	snop;
	(pc) =	sbr.ind lr, $3  }
0x3a: {  	_ = 	snop  }
0x3b: {  	_ = 	snop  }
0x3c: {  	p2 =	seq.s32 s10, $0x1;
	s10 =	sld [smem:$0x3FB6]  }
0x3d: {  	_ =	shalt  }
0x3e: {  	_ =	shalt  }
0x3f: {  	_ =	shalt  }
0x40: {  	_ =	shalt  }
0x41: {  	_ =	shalt  }
0x42: {  	_ =	shalt  }
0x43: {  	_ =	shalt  }
0x44: {  	_ =	shalt  }
0x45: {  	_ =	shalt  }
0x46: {  	_ =	shalt  }
0x47: {  	_ =	shalt  }
0x48: {  	_ =	shalt  }
0x49: {  	_ =	shalt  }
0x4a: {  	_ =	shalt  }
0x4b: {  	_ =	shalt  }
0x4c: {  	_ =	shalt  }
0x4d: {  	_ =	shalt  }
0x4e: {  	_ =	shalt  }
0x4f: {  	_ =	shalt  }
0x50: {  	_ =	shalt  }
0x51: {  	_ =	shalt  }
0x52: {  	_ =	shalt  }
0x53: {  	_ =	shalt  }
0x54: {  	_ =	shalt  }
0x55: {  	_ =	shalt  }
0x56: {  	_ =	shalt  }
0x57: {  	_ =	shalt  }
0x58: {  	_ =	shalt  }
0x59: {  	_ =	shalt  }
0x5a: {  	_ =	shalt  }
0x5b: {  	_ =	shalt  }
0x5c: {  	_ =	shalt  }
0x5d: {  	_ =	shalt  }
0x5e: {  	_ =	shalt  }
0x5f: {  	_ =	shalt  }
0x60: {  	_ =	shalt  }
0x61: {  	_ =	shalt  }
0x62: {  	_ =	shalt  }
0x63: {  	_ =	shalt  }
0x64: {  	_ =	shalt  }
0x65: {  	_ =	shalt  }
0x66: {  	_ =	shalt  }
0x67: {  	_ =	shalt  }
0x68: {  	_ =	shalt  }
0x69: {  	_ =	shalt  }
0x6a: {  	_ =	shalt  }
0x6b: {  	_ =	shalt  }
0x6c: {  	_ =	shalt  }
0x6d: {  	_ =	shalt  }
0x6e: {  	_ =	shalt  }
0x6f: {  	_ =	shalt  }
0x70: {  	_ =	shalt  }
0x71: {  	_ =	shalt  }
0x72: {  	_ =	shalt  }
0x73: {  	_ =	shalt  }
0x74: {  	_ =	shalt  }
0x75: {  	_ =	shalt  }
0x76: {  	_ =	shalt  }
0x77: {  	_ =	shalt  }
0x78: {  	_ =	shalt  }
0x79: {  	_ =	shalt  }
0x7a: {  	_ =	shalt  }
0x7b: {  	_ =	shalt  }
0x7c: {  	_ =	shalt  }
0x7d: {  	_ =	shalt  }
0x7e: {  	_ =	shalt  }
0x7f: {  	_ =	shalt  }
0x80: {  	_ =	shalt  }
0x81: {  	_ =	shalt  }
0x82: {  	_ =	shalt  }
0x83: {  	_ =	shalt  }
0x84: {  	_ =	shalt  }
0x85: {  	_ =	shalt  }
0x86: {  	_ =	shalt  }
0x87: {  	_ =	shalt  }
.Lfunc_end0:
.L_simem_size_0:
called_computation.2_lowered:
.L_overlay_start_0:
0x88: {  	s2 =	sld [smem:$0x3FD9]  }
0x89: {  	s3 =	sld [smem:$0x3FFE];
	_ =	sdelay $0x1  }
0x8a: {  	s1 =	srdreg.scid  }
0x8b: {  	s0 =	sand.u32 $0x1, s1  }
0x8c: {  	s17 =	sshll.u32 s0, $0xA;
	s2 =	sadd.s32 s3, s2  }
0x8d: {  	s2 =	sadd.s32 s2, s17  }
0x8e: {  	[smem:$0x3FC2] =	sst s2  }
0x8f: {  	_ = 	snop  }
0x90: {  	s2 =	sld [smem:$0x3FD0];
	(tm) =	ssettm $0x1  }
0x91: {  	s18 =	sld [smem:$0x3FFB];
	_ =	sdelay $0x3  }
0x92: {  	_ =	strace s18  }
0x93: {  	s3 =	sld [smem:$0x3FFC];
	_ =	sdelay $0x3  }
0x94: {  	_ =	strace s3  }
0x95: {  	s3 =	sld [smem:$0x3FFD];
	_ =	sdelay $0x3  }
0x96: {  	_ =	strace s3  }
0x97: {  	_ =	strace $0x8FFFFFFF  }
0x98: {  	s19 =	sld [smem:$0x3FDB];
	_ =	sdelay $0x1  }
0x99: {  	s4 =	simm.s32 $_scs_section_size  }
0x9a: {  	s5 =	simm.s32 $_size__tile_overlayer_lowered;
	s6 =	simm.s32 $_tile_overlayer_lowered  }
0x9b: {  	s22 =	simm.s32 $0x1BFF;
	s21 =	sshll.u32 s6, $0x1;
	s3 =	sadd.s32 s4, s19  }
0x9c: {  	s7 =	simm.s32 $0x0;
	s20 =	sshll.u32 s5, $0x1;
	s5 =	sadd.s32 s21, s3  }
0x9d: {  	[timem:s7], [sflag:s22] =	dma.local [hbm:s5], s20  }
0x9e: {  	_ =	swait.ge [sflag:s22], s20  }
0x9f: {  	s4 =	ssub.s32 $0x0, s20;
	[sflag:s22] =	ssyncset.done $0x0  }
0xa0: {  	[sflag:s22] =	ssyncadd.s32 s4;
	_ =	sdelay $0x1  }
0xa1: {  	s23 =	simm.s32 $0x1B8B  }
0xa2: {  	_ =	swait.ge [sflag:s23], $0x1  }
0xa3: {  	[sflag:s23] =	ssyncset.done $0x0  }
0xa4: {  	s25 =	simm.s32 $0x1B8E;
	s24 =	sld [smem:$0x3FFE];
	[sflag:s23] =	ssyncadd.s32 $0xFFFFFFFF  }
0xa5: {  	s26 =	simm.s32 $execute0_lowered;
	[smem:$0x3FD2] =	sst s25  }
0xa6: {  	s5 =	sshll.u32 s26, $0x1;
	_ =	strace $0x8000004C;
	[dreg:$0x1] =	wrdreg $0xFFFFFFFF  }
0xa7: {  	s28 =	simm.s32 $_size_execute0_lowered;
	s3 =	sadd.s32 s3, s5;
	[dreg:$0x0] =	wrdreg $0x0  }
0xa8: {  	s5 =	sshll.u32 s28, $0x1;
	[dreg:$0x2] =	wrdreg s3  }
0xa9: {  	[dreg:$0x3] =	wrdreg s5  }
0xaa: {  	[dreg:$0x4] =	wrdreg $0xC0  }
0xab: {  	_ =	task [dreg:s7], $0x5FFFF  }
0xac: {  	[dreg:$0x1] =	wrdreg $0xFFFFFFFF  }
0xad: {  	[dreg:$0x0] =	wrdreg $0x60  }
0xae: {  	[dreg:$0x2] =	wrdreg s2  }
0xaf: {  	[dreg:$0x3] =	wrdreg s24  }
0xb0: {  	[dreg:$0x4] =	wrdreg $0x0  }
0xb1: {  	[dreg:$0x5] =	wrdreg $0x9  }
0xb2: {  	_ =	task.clear_ibuf [dreg:s7], $0x6FFFF;
	_ =	strace $0x9000004C  }
0xb3: {  	s29 =	simm.s32 $0x9;
	_ =	strace $0x8000004E  }
0xb4: {  	_ =	swait.ge [sflag:s29], $0x1  }
0xb5: {  	[sflag:s29] =	ssyncadd.s32 $0xFFFFFFFF  }
0xb6: {  	_ =	strace $0x9000004E  }
0xb7: {  	_ =	sfence  }
0xb8: {  	s30 =	sld [smem:$0x0];
	_ =	sdelay $0x2  }
0xb9: {  	s31 =	sshll.u32 s1, $0xD;
	s1 =	sshrl.u32 s1, $0x2  }
0xba: {  	s3 =	sand.u32 $0x4000, s31;
	s1 =	sadd.s32 s1, s30  }
0xbb: {  	s0 =	sor.u32 s3, s0;
	s1 =	sshll.u32 s1, $0x11  }
0xbc: {  	s0 =	sor.u32 s1, s0  }
0xbd: {  	s0 =	sadd.s32 $0x8F2B, s0  }
0xbe: {  	[sflag:s0] =	ssyncadd.remote.s32 $0x1  }
0xbf: {  	_ =	sfence.sel $0xFFFF  }
0xc0: {  	[dreg:$0x0] =	wrdreg $0xFFFFFFFF;
	(pc) =	sbr.abs _section_cstart, $3  }
0xc1: {  	[dreg:$0x1] =	wrdreg $0xFFFFFFFF  }
0xc2: {  	_ =	task.clear_ibuf [dreg:s7], $0x2FFFF;
	_ =	strace $0x9FFFFFFF  }
0xc3: {  	(tm) =	ssettm $0x7FFFFFFF  }
tec
execute0_lowered:
.L_overlay_start_1:
0x0: {  	(tag) =	ssettag $0x1  }
0x1: {  	s2 =	rddreg [dreg:$0x0]  }
0x2: {  	s0 =	rddreg [dreg:$0x1]  }
0x3: {  	s3 =	rddreg [dreg:$0x2]  }
0x4: {  	s10 =	stileid.u32;
	s5 =	srdreg.scid  }
0x5: {  	s6 =	simm.s32 $0x0;
	s15 =	simm.s32 $0xB;
	s18 =	simm.s32 $0x64  }
0x6: {  	s19 =	simm.s32 $0x14280;
	s21 =	simm.s32 $0x15B80;
	s30 =	simm.s32 $0x18D80  }
0x7: {  	s28 =	simm.s32 $0x5;
	s31 =	simm.s32 $0x8;
	s1 =	smul.u32 $0xA28, s10  }
0x8: {  	s17 =	simm.s32 $0x0;
	s4 =	smul.u32 $0xA000, s10;
	s5 =	sand.u32 $0x1, s5  }
0x9: {  	s7 =	smul.u32 $0x1400, s10;
	[smem:$0x7FF] =	sst s6;
	s6 =	sadd.s32 $0x73A00, s0  }
0xa: {  	s25 =	sshll.u32 s10, $0x6;
	s8 =	smul.u32 $0x14000, s5;
	_ =	strace $0x8000004D  }
0xb: {  	s23 =	ssub.s32 $0x2, s5;
	p0 =	seq.s32 s5, $0x0;
	s12 =	smov.u32 s6  }
0xc: {  	[dreg:$0x4] =	wrdreg s30;
	s1 =	sadd.s32 s1, s0;
	s9 =	sshrl.u32 s4, $0x3  }
0xd: {  	s24 =	sshrl.u32 s23, $0x1;
	s4 =	sadd.s32 s4, s3;
	s12 =	smov.u32 @p0 s2  }
0xe: {  	s7 =	sadd.s32 s7, s8;
	s9 =	sadd.s32 s9, s0;
	s8 =	sor.u32 $0x1C0B, s25  }
0xf: {  	s26 =	sadd.s32 $0x10E00, s1;
	s1 =	sadd.s32 $0x1B200, s1;
	s14 =	sshrl.u32 s4, $0x3  }
0x10: {  	s25 =	simm.s32 $0x1A680;
	s0 =	sadd.s32 s7, s0;
	[dreg:$0x6] =	wrdreg s26  }
0x11: {  	s7 =	ssub.s32 s23, s24;
	s9 =	sadd.s32 $0x87400, s9;
	[dreg:$0x7] =	wrdreg s1  }
0x12: {  	s24 =	simm.s32 $0x1;
	[dreg:$0x5] =	wrdreg s9;
	s0 =	sadd.s32 $0x9B400, s0  }
0x13: {  	s26 =	simm.s32 $0x2;
	s29 =	smax.u32 s7, $0x1;
	[dreg:$0x8] =	wrdreg s0  }
0x14: {  	s1 =	simm.s32 $0xA;
	[dreg:$0x9] =	wrdreg s29;
	s0 =	simm.s32 $0x9  }
.LBB2_1:
0x15: {  	s4 =	rddreg [dreg:$0x5]  }
0x16: {  	[spmem:s14], [sflag:s8] =	dma.local [hbm:s4], $0x1400  }
0x17: {  	_ =	swait.ge [sflag:s15], $0x1400  }
0x18: {  	s29 =	simm.s32 $0x0;
	[sflag:s15] =	ssyncset.done $0x0  }
0x19: {  	s9 =	simm.s32 $0xA000;
	s7 =	rddreg [dreg:$0x6];
	[sflag:s15] =	ssyncadd.s32 $0xFFFFEC00  }
0x1a: {  	[tilespmem:s9], [sflag:$0xB] =	stream.linear.gather [hbm4b:s7+s29], $0x5140, $0x38;
	[tilespmem:$0x1BF80] =	vst v63  }
0x1b: {  	_ =	swait.ge [sflag:s15], $0x5140  }
0x1c: {  	[sflag:s15] =	ssyncset.done $0x0  }
0x1d: {  	s10 =	simm.s32 $0xF140;
	s30 =	rddreg [dreg:$0x7];
	[sflag:s15] =	ssyncadd.s32 $0xFFFFAEC0  }
0x1e: {  	[tilespmem:s10], [sflag:$0xB] =	stream.linear.gather [hbm4b:s30+s29], $0x5140, $0x38;
	[tilespmem:$0x1BF80] =	vst v63  }
0x1f: {  	_ =	swait.ge [sflag:s15], $0x5140  }
0x20: {  	[sflag:s15] =	ssyncset.done $0x0  }
0x21: {  	[sflag:s15] =	ssyncadd.s32 $0xFFFFAEC0  }
0x22: {  	p0 =	por $0x1, $0x1;
	[bflag:$0x0] =	sbarrier.arrive $0xFFFF  }
0x23: {  	[tilespmem:s19], [sflag:$0x1] =	stream.indirect.gather [hbm4b:s12+s18], $0x40, s9, s18, $0xb8;
	[tilespmem:$0x1BF80] =	vst v63  }
0x24: {  	s11 =	simm.s32 $0xA068;
	p0 =	por p0, p0  }
0x25: {  	[tilespmem:s21], [sflag:$0x2] =	stream.indirect.gather [hbm4b:s12+s18], $0x40, s11, s18, $0xb8;
	[tilespmem:$0x1BF80] =	vst v63  }
0x26: {  	s13 =	simm.s32 $0xA0D0;
	s16 =	simm.s32 $0x17480;
	s4 =	simm.s32 @!p0 $0x9  }
0x27: {  	[tilespmem:s16], [sflag:$0x3] =	stream.indirect.gather [hbm4b:s12+s18], $0x40, s13, s18, $0xb8;
	[tilespmem:$0x1BF80] =	vst v63  }
0x28: {  	_ =	swait.ge @!p0 [sflag:s4], $0x1900  }
0x29: {  	[sflag:s4] =	ssyncset.done @!p0 $0x0  }
0x2a: {  	s22 =	simm.s32 $0xA138;
	s20 =	rddreg [dreg:$0x4];
	[sflag:s4] =	ssyncadd.s32 @!p0 $0xFFFFE700  }
0x2b: {  	[tilespmem:s20], [sflag:$0x4] =	stream.indirect.gather [hbm4b:s12+s18], $0x40, s22, s18, $0xb8;
	[tilespmem:$0x1BF80] =	vst v63  }
0x2c: {  	_ =	swait.ge [sflag:s24], $0x1900  }
0x2d: {  	[sflag:s24] =	ssyncset.done $0x0  }
0x2e: {  	s23 =	simm.s32 $0xF140;
	s7 =	simm.s32 @!p0 $0xA;
	[sflag:s24] =	ssyncadd.s32 $0xFFFFE700  }
0x2f: {  	[spmem:s3] =	stream.indirect.scatter.add.f32 [tilespmem:s19], [sflag:$0x6], $0x40, s23, s18, $0xb8;
	[tilespmem:$0x1BF80] =	vst v63  }
0x30: {  	_ =	swait.ge @!p0 [sflag:s7], $0x1900  }
0x31: {  	[sflag:s7] =	ssyncset.done @!p0 $0x0  }
0x32: {  	s29 =	simm.s32 $0xA1A0;
	[sflag:s7] =	ssyncadd.s32 @!p0 $0xFFFFE700  }
0x33: {  	[tilespmem:s25], [sflag:$0x5] =	stream.indirect.gather [hbm4b:s12+s18], $0x40, s29, s18, $0xb8;
	[tilespmem:$0x1BF80] =	vst v63  }
0x34: {  	_ =	swait.ge [sflag:s26], $0x1900  }
0x35: {  	p0 =	por $0x0, $0x0;
	[sflag:s26] =	ssyncset.done $0x0  }
0x36: {  	s30 =	simm.s32 $0xF1A8;
	s4 =	simm.s32 @p0 $0x3;
	[sflag:s26] =	ssyncadd.s32 $0xFFFFE700  }
0x37: {  	[spmem:s3] =	stream.indirect.scatter.add.f32 [tilespmem:s21], [sflag:$0x7], $0x40, s30, s18, $0xb8;
	[tilespmem:$0x1BF80] =	vst v63  }
0x38: {  	_ =	swait.ge @p0 [sflag:s4], $0x1900  }
0x39: {  	s7 =	simm.s32 @p0 $0xF210;
	[sflag:s4] =	ssyncset.done @p0 $0x0  }
0x3a: {  	s20 =	simm.s32 @p0 $0x64;
	[sflag:s4] =	ssyncadd.s32 @p0 $0xFFFFE700;
	s4 =	simm.s32 @p0 $0x17480  }
0x3b: {  	[spmem:s3] =	stream.indirect.scatter.add.f32 @p0 [tilespmem:s4], [sflag:$0x8], $0x40, s7, s20, $0xb8;
	[tilespmem:$0x1BF80] =	vst v63  }
0x3c: {  	s4 =	simm.s32 @p0 $0x4  }
0x3d: {  	_ =	swait.ge @p0 [sflag:s4], $0x1900  }
0x3e: {  	[sflag:s4] =	ssyncset.done @p0 $0x0  }
0x3f: {  	s7 =	simm.s32 @p0 $0xF278;
	[sflag:s4] =	ssyncadd.s32 @p0 $0xFFFFE700;
	s4 =	simm.s32 @p0 $0x18D80  }
0x40: {  	[spmem:s3] =	stream.indirect.scatter.add.f32 @p0 [tilespmem:s4], [sflag:$0x9], $0x40, s7, s20, $0xb8;
	[tilespmem:$0x1BF80] =	vst v63  }
0x41: {  	s4 =	simm.s32 @!p0 $0x6  }
0x42: {  	_ =	swait.ge @!p0 [sflag:s4], $0x1900  }
0x43: {  	s7 =	simm.s32 @!p0 $0xA208;
	[sflag:s4] =	ssyncset.done @!p0 $0x0  }
0x44: {  	s20 =	simm.s32 @!p0 $0x64;
	[sflag:s4] =	ssyncadd.s32 @!p0 $0xFFFFE700;
	s4 =	simm.s32 @!p0 $0x14280  }
0x45: {  	[tilespmem:s4], [sflag:$0x1] =	stream.indirect.gather @!p0 [hbm4b:s12+s20], $0x40, s7, s20, $0xb8;
	[tilespmem:$0x1BF80] =	vst v63  }
0x46: {  	s4 =	simm.s32 @!p0 $0x3  }
0x47: {  	_ =	swait.ge @!p0 [sflag:s4], $0x1900  }
0x48: {  	[sflag:s4] =	ssyncset.done @!p0 $0x0  }
0x49: {  	s7 =	simm.s32 @!p0 $0xF210;
	[sflag:s4] =	ssyncadd.s32 @!p0 $0xFFFFE700;
	s4 =	simm.s32 @!p0 $0x17480  }
0x4a: {  	[spmem:s3] =	stream.indirect.scatter.add.f32 @!p0 [tilespmem:s4], [sflag:$0x8], $0x40, s7, s20, $0xb8;
	[tilespmem:$0x1BF80] =	vst v63  }
0x4b: {  	s4 =	simm.s32 @!p0 $0x7  }
0x4c: {  	_ =	swait.ge @!p0 [sflag:s4], $0x1900  }
0x4d: {  	[sflag:s4] =	ssyncset.done @!p0 $0x0  }
0x4e: {  	s7 =	simm.s32 @!p0 $0xA270;
	[sflag:s4] =	ssyncadd.s32 @!p0 $0xFFFFE700;
	s4 =	simm.s32 @!p0 $0x15B80  }
0x4f: {  	[tilespmem:s4], [sflag:$0x2] =	stream.indirect.gather @!p0 [hbm4b:s12+s20], $0x40, s7, s20, $0xb8;
	[tilespmem:$0x1BF80] =	vst v63  }
0x50: {  	s4 =	simm.s32 @!p0 $0x4  }
0x51: {  	_ =	swait.ge @!p0 [sflag:s4], $0x1900  }
0x52: {  	[sflag:s4] =	ssyncset.done @!p0 $0x0  }
0x53: {  	s7 =	simm.s32 @!p0 $0xF278;
	[sflag:s4] =	ssyncadd.s32 @!p0 $0xFFFFE700;
	s4 =	simm.s32 @!p0 $0x18D80  }
0x54: {  	[spmem:s3] =	stream.indirect.scatter.add.f32 @!p0 [tilespmem:s4], [sflag:$0x9], $0x40, s7, s20, $0xb8;
	[tilespmem:$0x1BF80] =	vst v63  }
0x55: {  	p1 =	sne.s32 @!p0 s5, $0x0;
	s4 =	simm.s32 @!p0 $0x8  }
0x56: {  	p2 =	por !p1, p0;
	_ =	swait.ge @!p0 [sflag:s4], $0x1900  }
0x57: {  	p1 =	por p1, p0;
	s7 =	simm.s32 @!p0 $0xA2D8;
	[sflag:s4] =	ssyncset.done @!p0 $0x0  }
0x58: {  	s20 =	simm.s32 @!p2 $0x64;
	[sflag:s4] =	ssyncadd.s32 @!p0 $0xFFFFE700;
	s4 =	simm.s32 @!p2 $0x17480  }
0x59: {  	[tilespmem:s4], [sflag:$0x3] =	stream.indirect.gather @!p2 [hbm4b:s6+s20], $0x40, s7, s20, $0xb8;
	[tilespmem:$0x1BF80] =	vst v63  }
0x5a: {  	p6 =	por $0x0, $0x0;
	s4 =	simm.s32 @!p1 $0x64;
	s20 =	simm.s32 @!p1 $0x17480  }
0x5b: {  	[tilespmem:s20], [sflag:$0x3] =	stream.indirect.gather @!p1 [hbm4b:s2+s4], $0x40, s7, s4, $0xb8;
	[tilespmem:$0x1BF80] =	vst v63  }
0x5c: {  	s22 =	simm.s32 $0x1040;
	p0 =	por p6, p6;
	_ =	swait.ge [sflag:s28], $0x1900  }
0x5d: {  	s20 =	simm.s32 $0x820;
	s4 =	simm.s32 $0xF2E0;
	[sflag:s28] =	ssyncset.done $0x0  }
.LBB2_2:
0x5e: {  	s7 =	simm.s32 @!p0 $0x9;
	[sflag:s28] =	ssyncadd.s32 $0xFFFFE700  }
0x5f: {  	[spmem:s3] =	stream.indirect.scatter.add.f32 [tilespmem:s25], [sflag:$0xA], $0x40, s4, s18, $0xb8;
	[tilespmem:$0x1BF80] =	vst v63  }
0x60: {  	_ =	swait.ge @!p0 [sflag:s7], $0x1900  }
0x61: {  	s23 =	sshra.s32 s20, $0x2;
	[sflag:s7] =	ssyncset.done @!p0 $0x0  }
0x62: {  	s13 =	sadd.s32 $0xA138, s23;
	s9 =	rddreg [dreg:$0x4];
	[sflag:s7] =	ssyncadd.s32 @!p0 $0xFFFFE700  }
0x63: {  	[tilespmem:s9], [sflag:$0x4] =	stream.indirect.gather [hbm4b:s12+s18], $0x40, s13, s18, $0xb8;
	[tilespmem:$0x1BF80] =	vst v63  }
0x64: {  	_ =	swait.ge [sflag:s24], $0x1900  }
0x65: {  	[sflag:s24] =	ssyncset.done $0x0  }
0x66: {  	s16 =	sadd.s32 $0xF140, s23;
	s9 =	simm.s32 @!p0 $0xA;
	[sflag:s24] =	ssyncadd.s32 $0xFFFFE700  }
0x67: {  	[spmem:s3] =	stream.indirect.scatter.add.f32 [tilespmem:s19], [sflag:$0x6], $0x40, s16, s18, $0xb8;
	[tilespmem:$0x1BF80] =	vst v63  }
0x68: {  	_ =	swait.ge @!p0 [sflag:s9], $0x1900  }
0x69: {  	[sflag:s9] =	ssyncset.done @!p0 $0x0  }
0x6a: {  	s29 =	sadd.s32 $0xA1A0, s23;
	[sflag:s9] =	ssyncadd.s32 @!p0 $0xFFFFE700  }
0x6b: {  	[tilespmem:s25], [sflag:$0x5] =	stream.indirect.gather [hbm4b:s12+s18], $0x40, s29, s18, $0xb8;
	[tilespmem:$0x1BF80] =	vst v63  }
0x6c: {  	p2 =	seq.s32 s22, $0x0;
	_ =	swait.ge [sflag:s26], $0x1900  }
0x6d: {  	p0 =	por p2, p2;
	p2 =	seq.s32 s20, $0x13CE0;
	[sflag:s26] =	ssyncset.done $0x0  }
0x6e: {  	s30 =	sadd.s32 $0xF1A8, s23;
	s9 =	simm.s32 @p2 $0x3;
	[sflag:s26] =	ssyncadd.s32 $0xFFFFE700  }
0x6f: {  	[spmem:s3] =	stream.indirect.scatter.add.f32 [tilespmem:s21], [sflag:$0x7], $0x40, s30, s18, $0xb8;
	[tilespmem:$0x1BF80] =	vst v63  }
0x70: {  	s10 =	sshra.s32 @p2 s20, $0x2;
	s7 =	sshra.s32 @!p2 s20, $0x2;
	_ =	swait.ge @p2 [sflag:s9], $0x1900  }
0x71: {  	s16 =	simm.s32 @p2 $0x64;
	s11 =	simm.s32 @p2 $0x17480;
	[sflag:s9] =	ssyncset.done @p2 $0x0  }
0x72: {  	s20 =	sadd.s32 @p2 $0xF210, s10;
	[sflag:s9] =	ssyncadd.s32 @p2 $0xFFFFE700;
	s9 =	simm.s32 @p2 $0x4  }
0x73: {  	[spmem:s3] =	stream.indirect.scatter.add.f32 @p2 [tilespmem:s11], [sflag:$0x8], $0x40, s20, s16, $0xb8;
	[tilespmem:$0x1BF80] =	vst v63  }
0x74: {  	_ =	swait.ge @p2 [sflag:s9], $0x1900  }
0x75: {  	s10 =	sadd.s32 @p2 $0xF278, s10;
	[sflag:s9] =	ssyncset.done @p2 $0x0  }
0x76: {  	s20 =	simm.s32 @p2 $0x18D80;
	[sflag:s9] =	ssyncadd.s32 @p2 $0xFFFFE700;
	s9 =	simm.s32 @!p2 $0x6  }
0x77: {  	[spmem:s3] =	stream.indirect.scatter.add.f32 @p2 [tilespmem:s20], [sflag:$0x9], $0x40, s10, s16, $0xb8;
	[tilespmem:$0x1BF80] =	vst v63  }
0x78: {  	_ =	swait.ge @!p2 [sflag:s9], $0x1900  }
0x79: {  	s13 =	sadd.s32 @!p2 $0xA208, s7;
	s10 =	simm.s32 @!p2 $0x64;
	[sflag:s9] =	ssyncset.done @!p2 $0x0  }
0x7a: {  	s16 =	simm.s32 @!p2 $0x14280;
	[sflag:s9] =	ssyncadd.s32 @!p2 $0xFFFFE700;
	s9 =	simm.s32 @!p2 $0x3  }
0x7b: {  	[tilespmem:s16], [sflag:$0x1] =	stream.indirect.gather @!p2 [hbm4b:s12+s10], $0x40, s13, s10, $0xb8;
	[tilespmem:$0x1BF80] =	vst v63  }
0x7c: {  	s4 =	smov.u32 s22;
	_ =	swait.ge @!p2 [sflag:s9], $0x1900  }
0x7d: {  	s11 =	sadd.s32 @!p2 $0xF210, s7;
	s20 =	smov.u32 s4;
	[sflag:s9] =	ssyncset.done @!p2 $0x0  }
0x7e: {  	s4 =	simm.s32 @!p2 $0x17480;
	[sflag:s9] =	ssyncadd.s32 @!p2 $0xFFFFE700;
	s9 =	simm.s32 @!p2 $0x7  }
0x7f: {  	[spmem:s3] =	stream.indirect.scatter.add.f32 @!p2 [tilespmem:s4], [sflag:$0x8], $0x40, s11, s10, $0xb8;
	[tilespmem:$0x1BF80] =	vst v63  }
0x80: {  	_ =	swait.ge @!p2 [sflag:s9], $0x1900  }
0x81: {  	s29 =	sadd.s32 @!p2 $0xA270, s7;
	[sflag:s9] =	ssyncset.done @!p2 $0x0  }
0x82: {  	s4 =	simm.s32 @!p2 $0x15B80;
	[sflag:s9] =	ssyncadd.s32 @!p2 $0xFFFFE700;
	s9 =	simm.s32 @!p2 $0x4  }
0x83: {  	[tilespmem:s4], [sflag:$0x2] =	stream.indirect.gather @!p2 [hbm4b:s12+s10], $0x40, s29, s10, $0xb8;
	[tilespmem:$0x1BF80] =	vst v63  }
0x84: {  	_ =	swait.ge @!p2 [sflag:s9], $0x1900  }
0x85: {  	s22 =	sadd.s32 $0x820, s22;
	s30 =	sadd.s32 @!p2 $0xF278, s7;
	[sflag:s9] =	ssyncset.done @!p2 $0x0  }
0x86: {  	s4 =	simm.s32 @!p2 $0x18D80;
	[sflag:s9] =	ssyncadd.s32 @!p2 $0xFFFFE700;
	s9 =	simm.s32 @!p2 $0x8  }
0x87: {  	[spmem:s3] =	stream.indirect.scatter.add.f32 @!p2 [tilespmem:s4], [sflag:$0x9], $0x40, s30, s10, $0xb8;
	[tilespmem:$0x1BF80] =	vst v63  }
0x88: {  	p1 =	sne.s32 s22, $0x14500;
	p3 =	sne.s32 @!p2 s5, $0x0;
	_ =	swait.ge @!p2 [sflag:s9], $0x1900  }
0x89: {  	p4 =	por !p3, p2;
	s4 =	sadd.s32 @!p2 $0xA2D8, s7;
	[sflag:s9] =	ssyncset.done @!p2 $0x0  }
0x8a: {  	s7 =	simm.s32 @!p4 $0x64;
	s10 =	simm.s32 @!p4 $0x17480;
	[sflag:s9] =	ssyncadd.s32 @!p2 $0xFFFFE700  }
0x8b: {  	[tilespmem:s10], [sflag:$0x3] =	stream.indirect.gather @!p4 [hbm4b:s6+s7], $0x40, s4, s7, $0xb8;
	[tilespmem:$0x1BF80] =	vst v63  }
.Ltmp0:
0x8c: {  	p3 =	por p3, p2;
	(pc) =	sbr.rel @p1 .LBB2_2-.Ltmp0, $4  }
0x8d: {  	s11 =	simm.s32 @!p3 $0x17480;
	s9 =	simm.s32 @!p3 $0x64  }
0x8e: {  	[tilespmem:s11], [sflag:$0x3] =	stream.indirect.gather @!p3 [hbm4b:s2+s9], $0x40, s4, s9, $0xb8;
	[tilespmem:$0x1BF80] =	vst v63  }
0x8f: {  	_ =	swait.ge [sflag:s28], $0x1900  }
0x90: {  	s4 =	sadd.s32 $0xF2E0, s23;
	[sflag:s28] =	ssyncset.done $0x0  }
0x91: {  	s7 =	simm.s32 @!p0 $0x9;
	[sflag:s28] =	ssyncadd.s32 $0xFFFFE700  }
0x92: {  	[spmem:s3] =	stream.indirect.scatter.add.f32 [tilespmem:s25], [sflag:$0xA], $0x40, s4, s18, $0xb8;
	[tilespmem:$0x1BF80] =	vst v63  }
0x93: {  	_ =	swait.ge @!p0 [sflag:s7], $0x1900  }
0x94: {  	s30 =	sshra.s32 s20, $0x2;
	[sflag:s7] =	ssyncset.done @!p0 $0x0  }
0x95: {  	s10 =	sadd.s32 $0xA138, s30;
	s9 =	rddreg [dreg:$0x4];
	[sflag:s7] =	ssyncadd.s32 @!p0 $0xFFFFE700  }
0x96: {  	[tilespmem:s9], [sflag:$0x4] =	stream.indirect.gather [hbm4b:s12+s18], $0x40, s10, s18, $0xb8;
	[tilespmem:$0x1BF80] =	vst v63  }
0x97: {  	_ =	swait.ge [sflag:s24], $0x1900  }
0x98: {  	[sflag:s24] =	ssyncset.done $0x0  }
0x99: {  	s11 =	sadd.s32 $0xF140, s30;
	s9 =	simm.s32 @!p0 $0xA;
	[sflag:s24] =	ssyncadd.s32 $0xFFFFE700  }
0x9a: {  	[spmem:s3] =	stream.indirect.scatter.add.f32 [tilespmem:s19], [sflag:$0x6], $0x40, s11, s18, $0xb8;
	[tilespmem:$0x1BF80] =	vst v63  }
0x9b: {  	_ =	swait.ge @!p0 [sflag:s9], $0x1900  }
0x9c: {  	[sflag:s9] =	ssyncset.done @!p0 $0x0  }
0x9d: {  	s13 =	sadd.s32 $0xA1A0, s30;
	[sflag:s9] =	ssyncadd.s32 @!p0 $0xFFFFE700  }
0x9e: {  	[tilespmem:s25], [sflag:$0x5] =	stream.indirect.gather [hbm4b:s12+s18], $0x40, s13, s18, $0xb8;
	[tilespmem:$0x1BF80] =	vst v63  }
0x9f: {  	_ =	swait.ge [sflag:s26], $0x1900  }
0xa0: {  	p0 =	seq.s32 s20, $0x13CE0;
	[sflag:s26] =	ssyncset.done $0x0  }
0xa1: {  	s16 =	sadd.s32 $0xF1A8, s30;
	s7 =	simm.s32 @p0 $0x3;
	[sflag:s26] =	ssyncadd.s32 $0xFFFFE700  }
0xa2: {  	[spmem:s3] =	stream.indirect.scatter.add.f32 [tilespmem:s21], [sflag:$0x7], $0x40, s16, s18, $0xb8;
	[tilespmem:$0x1BF80] =	vst v63  }
0xa3: {  	_ =	swait.ge @p0 [sflag:s7], $0x1900  }
0xa4: {  	s9 =	sshra.s32 @p0 s20, $0x2;
	s11 =	simm.s32 @p0 $0x64;
	[sflag:s7] =	ssyncset.done @p0 $0x0  }
0xa5: {  	s10 =	sadd.s32 @p0 $0xF210, s9;
	[sflag:s7] =	ssyncadd.s32 @p0 $0xFFFFE700;
	s7 =	simm.s32 @p0 $0x17480  }
0xa6: {  	[spmem:s3] =	stream.indirect.scatter.add.f32 @p0 [tilespmem:s7], [sflag:$0x8], $0x40, s10, s11, $0xb8;
	[tilespmem:$0x1BF80] =	vst v63  }
0xa7: {  	s7 =	simm.s32 @p0 $0x4  }
0xa8: {  	_ =	swait.ge @p0 [sflag:s7], $0x1900  }
0xa9: {  	[sflag:s7] =	ssyncset.done @p0 $0x0  }
0xaa: {  	s9 =	sadd.s32 @p0 $0xF278, s9;
	[sflag:s7] =	ssyncadd.s32 @p0 $0xFFFFE700;
	s7 =	simm.s32 @p0 $0x18D80  }
0xab: {  	[spmem:s3] =	stream.indirect.scatter.add.f32 @p0 [tilespmem:s7], [sflag:$0x9], $0x40, s9, s11, $0xb8;
	[tilespmem:$0x1BF80] =	vst v63  }
0xac: {  	s7 =	simm.s32 @!p0 $0x6  }
0xad: {  	_ =	swait.ge @!p0 [sflag:s7], $0x1900  }
0xae: {  	s9 =	sshra.s32 @!p0 s20, $0x2;
	s11 =	simm.s32 @!p0 $0x64;
	[sflag:s7] =	ssyncset.done @!p0 $0x0  }
0xaf: {  	s10 =	sadd.s32 @!p0 $0xA208, s9;
	[sflag:s7] =	ssyncadd.s32 @!p0 $0xFFFFE700;
	s7 =	simm.s32 @!p0 $0x14280  }
0xb0: {  	[tilespmem:s7], [sflag:$0x1] =	stream.indirect.gather @!p0 [hbm4b:s12+s11], $0x40, s10, s11, $0xb8;
	[tilespmem:$0x1BF80] =	vst v63  }
0xb1: {  	s7 =	simm.s32 @!p0 $0x3  }
0xb2: {  	_ =	swait.ge @!p0 [sflag:s7], $0x1900  }
0xb3: {  	[sflag:s7] =	ssyncset.done @!p0 $0x0  }
0xb4: {  	s10 =	sadd.s32 @!p0 $0xF210, s9;
	[sflag:s7] =	ssyncadd.s32 @!p0 $0xFFFFE700;
	s7 =	simm.s32 @!p0 $0x17480  }
0xb5: {  	[spmem:s3] =	stream.indirect.scatter.add.f32 @!p0 [tilespmem:s7], [sflag:$0x8], $0x40, s10, s11, $0xb8;
	[tilespmem:$0x1BF80] =	vst v63  }
0xb6: {  	s7 =	simm.s32 @!p0 $0x7  }
0xb7: {  	_ =	swait.ge @!p0 [sflag:s7], $0x1900  }
0xb8: {  	[sflag:s7] =	ssyncset.done @!p0 $0x0  }
0xb9: {  	s10 =	sadd.s32 @!p0 $0xA270, s9;
	[sflag:s7] =	ssyncadd.s32 @!p0 $0xFFFFE700;
	s7 =	simm.s32 @!p0 $0x15B80  }
0xba: {  	[tilespmem:s7], [sflag:$0x2] =	stream.indirect.gather @!p0 [hbm4b:s12+s11], $0x40, s10, s11, $0xb8;
	[tilespmem:$0x1BF80] =	vst v63  }
0xbb: {  	s7 =	simm.s32 @!p0 $0x4  }
0xbc: {  	_ =	swait.ge @!p0 [sflag:s7], $0x1900  }
0xbd: {  	[sflag:s7] =	ssyncset.done @!p0 $0x0  }
0xbe: {  	s10 =	sadd.s32 @!p0 $0xF278, s9;
	[sflag:s7] =	ssyncadd.s32 @!p0 $0xFFFFE700;
	s7 =	simm.s32 @!p0 $0x18D80  }
0xbf: {  	[spmem:s3] =	stream.indirect.scatter.add.f32 @!p0 [tilespmem:s7], [sflag:$0x9], $0x40, s10, s11, $0xb8;
	[tilespmem:$0x1BF80] =	vst v63  }
0xc0: {  	p1 =	sne.s32 @!p0 s5, $0x0;
	s7 =	simm.s32 @!p0 $0x8  }
0xc1: {  	p2 =	por !p1, p0;
	_ =	swait.ge @!p0 [sflag:s7], $0x1900  }
0xc2: {  	p1 =	por p1, p0;
	s9 =	sadd.s32 @!p0 $0xA2D8, s9;
	[sflag:s7] =	ssyncset.done @!p0 $0x0  }
0xc3: {  	s10 =	simm.s32 @!p2 $0x64;
	[sflag:s7] =	ssyncadd.s32 @!p0 $0xFFFFE700;
	s7 =	simm.s32 @!p2 $0x17480  }
0xc4: {  	[tilespmem:s7], [sflag:$0x3] =	stream.indirect.gather @!p2 [hbm4b:s6+s10], $0x40, s9, s10, $0xb8;
	[tilespmem:$0x1BF80] =	vst v63  }
0xc5: {  	s7 =	simm.s32 @!p1 $0x64;
	s10 =	simm.s32 @!p1 $0x17480  }
0xc6: {  	[tilespmem:s10], [sflag:$0x3] =	stream.indirect.gather @!p1 [hbm4b:s2+s7], $0x40, s9, s7, $0xb8;
	[tilespmem:$0x1BF80] =	vst v63  }
0xc7: {  	_ =	swait.ge [sflag:s28], $0x1900  }
0xc8: {  	[sflag:s28] =	ssyncset.done $0x0  }
0xc9: {  	s22 =	simm.s32 $0x6;
	s4 =	sadd.s32 $0xF2E0, s30;
	[sflag:s28] =	ssyncadd.s32 $0xFFFFE700  }
0xca: {  	[spmem:s3] =	stream.indirect.scatter.add.f32 [tilespmem:s25], [sflag:$0xA], $0x40, s4, s18, $0xb8;
	[tilespmem:$0x1BF80] =	vst v63  }
0xcb: {  	_ =	swait.ge [sflag:s22], $0x1900  }
0xcc: {  	[sflag:s22] =	ssyncset.done $0x0  }
0xcd: {  	s23 =	simm.s32 $0x7;
	[sflag:s22] =	ssyncadd.s32 $0xFFFFE700  }
0xce: {  	_ =	swait.ge [sflag:s23], $0x1900  }
0xcf: {  	[sflag:s23] =	ssyncset.done $0x0  }
0xd0: {  	[sflag:s23] =	ssyncadd.s32 $0xFFFFE700  }
0xd1: {  	_ =	swait.ge [sflag:s31], $0x1900  }
0xd2: {  	[sflag:s31] =	ssyncset.done $0x0  }
0xd3: {  	[sflag:s31] =	ssyncadd.s32 $0xFFFFE700  }
0xd4: {  	_ =	swait.ge [sflag:s0], $0x1900  }
0xd5: {  	[sflag:s0] =	ssyncset.done $0x0  }
0xd6: {  	[sflag:s0] =	ssyncadd.s32 $0xFFFFE700  }
0xd7: {  	_ =	swait.ge [sflag:s1], $0x1900  }
0xd8: {  	[sflag:s1] =	ssyncset.done $0x0  }
0xd9: {  	[sflag:s1] =	ssyncadd.s32 $0xFFFFE700  }
0xda: {  	[bflag:$0x0] =	sbarrier.arrive $0xFFFF  }
0xdb: {  	s29 =	rddreg [dreg:$0x8]  }
0xdc: {  	[hbm:s29], [sflag:s8] =	dma.local [spmem:s14], $0x1400  }
0xdd: {  	_ =	swait.ge [sflag:s15], $0x1400  }
0xde: {  	s17 =	sadd.s32 $0x1, s17;
	s30 =	rddreg [dreg:$0x9]  }
0xdf: {  	p0 =	sne.s32 s17, s30  }
.Ltmp1:
0xe0: {  	_ = 	snop;
	(pc) =	sbr.rel @p0 .LBB2_1-.Ltmp1, $3  }
0xe1: {  	_ =	sdelay $0x1  }
0xe2: {  	[sflag:s15] =	ssyncset.done $0x0  }
0xe3: {  	[sflag:s15] =	ssyncadd.s32 $0xFFFFEC00  }
0xe4: {  	_ =	sfence.sel $0x180000  }
0xe5: {  	[bflag:$0x0] =	sbarrier.arrive $0xFFFF  }
0xe6: {  	_ =	strace $0x9000004D  }
0xe7: {  	s0 =	stileid.u32;
	[bflag:$0x2] =	sbarrier.arrive $0xFFFF  }
0xe8: {  	p0 =	sne.s32 s0, $0x0;
	s0 =	rddreg [dreg:$0x3]  }
0xe9: {  	s0 =	sadd.s32 @!p0 $0x100000, s0  }
0xea: {  	[sflag:s0] =	ssyncadd.tile.s32 @!p0 $0x1;
	_ =	shalt  }
.Lfunc_end2:
_tile_overlayer_lowered:
.L_overlay_start_2:
0xeb: {  	(tag) =	ssettag $0x2  }
0xec: {  	s0 =	rddreg [dreg:$0x0];
	s2 =	stileid.u32  }
0xed: {  	s1 =	rddreg [dreg:$0x1];
	p0 =	sne.s32 s2, $0x0  }
0xee: {  	s3 =	rddreg [dreg:$0x2];
	[bflag:$0x3] =	sbarrier.arrive $0xFFFF;
	s2 =	simm.s32 @!p0 $0x1C0B  }
0xef: {  	[timem:s3], [sflag:s2] =	dma.local @!p0 [hbm:s0], s1  }
0xf0: {  	s0 =	simm.s32 @!p0 $0xB  }
0xf1: {  	_ =	swait.ge @!p0 [sflag:s0], s1  }
0xf2: {  	s1 =	ssub.s32 @!p0 $0x0, s1;
	[sflag:s0] =	ssyncset.done @!p0 $0x0  }
0xf3: {  	[sflag:s0] =	ssyncadd.s32 @!p0 s1  }
0xf4: {  	[bflag:$0x3] =	sbarrier.arrive $0xFFFF  }
0xf5: {  	_ =	shalt  }

// kernel: kernel.8.cloned.1.call-start
scs
__scs_entry_jumppad:
0x0: {  	(pc) =	sbr.rel $0x88, $3  }
0x1: {  	(tag) =	ssettag $0x0;
	lr =	simm.s32 $0x1  }
0x2: {  	[smem:$0x3F9B] =	sst lr;
	_ =	strace $0xD0000000  }
0x3: {  	_ = 	snop  }
0x4: {  	_ = 	snop  }
0x5: {  	_ = 	snop  }
0x6: {  	_ = 	snop  }
0x7: {  	_ = 	snop  }
__scs_overlays_trampoline_lowered:
0x8: {  	[smem:$0x3FAA] =	sst s0  }
0x9: {  	[smem:$0x3FAB] =	sst s1  }
0xa: {  	[smem:$0x3FAC] =	sst s2  }
0xb: {  	[smem:$0x3FAD] =	sst s3  }
0xc: {  	[smem:$0x3FAE] =	sst s4  }
0xd: {  	[smem:$0x3FAF] =	sst s5  }
0xe: {  	[smem:$0x3FB0] =	sst s6  }
0xf: {  	[smem:$0x3FB1] =	sst s7  }
0x10: {  	[smem:$0x3FB2] =	sst s8  }
0x11: {  	[smem:$0x3FB3] =	sst s9;
	s0 =	simm.s32 @!p0 $0x0  }
0x12: {  	s1 =	sld [smem:$0x3F99];
	s0 =	simm.s32 @p0 $0x1  }
0x13: {  	[smem:$0x3FB4] =	sst s0;
	s0 =	simm.s32 @!p1 $0x0  }
0x14: {  	s2 =	sld [smem:$0x3F98];
	s0 =	simm.s32 @p1 $0x1  }
0x15: {  	[smem:$0x3FB5] =	sst s0;
	s0 =	simm.s32 @!p2 $0x0  }
0x16: {  	s3 =	sld [smem:$0x3FDB];
	s0 =	simm.s32 @p2 $0x1  }
0x17: {  	s4 =	simm.s32 $0x1BF5;
	[smem:$0x3FB7] =	sst s0  }
0x18: {  	s0 =	sld [smem:$0x3F9A];
	_ =	swait.ge [sflag:s4], $0x0  }
0x19: {  	s7 =	sld [smem:$0x3F9B]  }
0x1a: {  	s8 =	sadd.s32 $0xFFFFE003, lr  }
0x1b: {  	s9 =	sadd.s32 $0xFFFFFEF7, lr;
	s5 =	simm.s32 $0xFFFFFFFF;
	p2 =	slt.u32 s8, $0xFFFFF086  }
0x1c: {  	p1 =	slt.u32 s9, $0xF7A;
	s5 =	simm.s32 @!p2 $0x0  }
0x1d: {  	s5 =	simm.s32 @p1 $0x1;
	p0 =	seq.s32 s7, s2  }
0x1e: {  	s7 =	smul.u32 @!p0 $0xF7A, s2;
	p2 =	seq.s32 @!p0 s5, $0x0  }
0x1f: {  	s9 =	smul.u32 $0xF7A, s1;
	s8 =	simm.s32 @!p0 $0x1BF5;
	p2 =	por !p2, p0  }
0x20: {  	[sflag:s8] =	ssyncset.s32 @!p0 $0xFFFFF086;
	s6 =	sadd.s32 @!p0 s3, s7;
	s7 =	simm.s32 @!p0 $0x108  }
0x21: {  	s3 =	sadd.s32 s3, s9;
	s6 =	sadd.s32 @!p0 $0x88, s6;
	s7 =	simm.s32 @p2 $0x1082  }
0x22: {  	[simem:s7], [sflag:s8] =	dma.local @!p0 [hbm:s6], $0xF7A  }
0x23: {  	s9 =	sor.u32 $0xD0000000, s2;
	s6 =	simm.s32 $0x108;
	_ =	swait.ge @!p0 [sflag:s8], $0x0  }
0x24: {  	s3 =	sadd.s32 $0x88, s3;
	s6 =	simm.s32 @!p1 $0x1082;
	[sflag:s4] =	ssyncset.s32 $0xFFFFF086  }
0x25: {  	[simem:s6], [sflag:s4] =	dma.local [hbm:s3], $0xF7A  }
0x26: {  	[smem:$0x3F9B] =	sst s1;
	(tag) =	ssettag s2;
	_ =	strace s9  }
0x27: {  	s1 =	sld [smem:$0x3FAB]  }
0x28: {  	s2 =	sld [smem:$0x3FAC]  }
0x29: {  	s4 =	sld [smem:$0x3FAE]  }
0x2a: {  	p0 =	seq.s32 s5, $0x0;
	s5 =	sld [smem:$0x3FAF]  }
0x2b: {  	s6 =	sld [smem:$0x3FB0]  }
0x2c: {  	s7 =	sld [smem:$0x3FB1]  }
0x2d: {  	s3 =	simm.s32 $0x108;
	s8 =	sld [smem:$0x3FB2]  }
0x2e: {  	s3 =	simm.s32 @!p0 $0x1082;
	s9 =	sld [smem:$0x3FB3]  }
0x2f: {  	lr =	sadd.s32 s0, s3;
	s0 =	sld [smem:$0x3FAA]  }
0x30: {  	s3 =	sld [smem:$0x3FAD]  }
0x31: {  	[smem:$0x3FB6] =	sst s10  }
0x32: {  	s10 =	sld [smem:$0x3FB4];
	_ =	sdelay $0x3  }
0x33: {  	p0 =	seq.s32 s10, $0x1;
	s10 =	sld [smem:$0x3FB6];
	_ =	sdelay $0x3  }
0x34: {  	[smem:$0x3FB6] =	sst s10  }
0x35: {  	s10 =	sld [smem:$0x3FB5];
	_ =	sdelay $0x3  }
0x36: {  	p1 =	seq.s32 s10, $0x1;
	s10 =	sld [smem:$0x3FB6];
	_ =	sdelay $0x3  }
0x37: {  	[smem:$0x3FB6] =	sst s10  }
0x38: {  	s10 =	sld [smem:$0x3FB7]  }
0x39: {  	_ = 	snop;
	(pc) =	sbr.ind lr, $3  }
0x3a: {  	_ = 	snop  }
0x3b: {  	_ = 	snop  }
0x3c: {  	p2 =	seq.s32 s10, $0x1;
	s10 =	sld [smem:$0x3FB6]  }
0x3d: {  	_ =	shalt  }
0x3e: {  	_ =	shalt  }
0x3f: {  	_ =	shalt  }
0x40: {  	_ =	shalt  }
0x41: {  	_ =	shalt  }
0x42: {  	_ =	shalt  }
0x43: {  	_ =	shalt  }
0x44: {  	_ =	shalt  }
0x45: {  	_ =	shalt  }
0x46: {  	_ =	shalt  }
0x47: {  	_ =	shalt  }
0x48: {  	_ =	shalt  }
0x49: {  	_ =	shalt  }
0x4a: {  	_ =	shalt  }
0x4b: {  	_ =	shalt  }
0x4c: {  	_ =	shalt  }
0x4d: {  	_ =	shalt  }
0x4e: {  	_ =	shalt  }
0x4f: {  	_ =	shalt  }
0x50: {  	_ =	shalt  }
0x51: {  	_ =	shalt  }
0x52: {  	_ =	shalt  }
0x53: {  	_ =	shalt  }
0x54: {  	_ =	shalt  }
0x55: {  	_ =	shalt  }
0x56: {  	_ =	shalt  }
0x57: {  	_ =	shalt  }
0x58: {  	_ =	shalt  }
0x59: {  	_ =	shalt  }
0x5a: {  	_ =	shalt  }
0x5b: {  	_ =	shalt  }
0x5c: {  	_ =	shalt  }
0x5d: {  	_ =	shalt  }
0x5e: {  	_ =	shalt  }
0x5f: {  	_ =	shalt  }
0x60: {  	_ =	shalt  }
0x61: {  	_ =	shalt  }
0x62: {  	_ =	shalt  }
0x63: {  	_ =	shalt  }
0x64: {  	_ =	shalt  }
0x65: {  	_ =	shalt  }
0x66: {  	_ =	shalt  }
0x67: {  	_ =	shalt  }
0x68: {  	_ =	shalt  }
0x69: {  	_ =	shalt  }
0x6a: {  	_ =	shalt  }
0x6b: {  	_ =	shalt  }
0x6c: {  	_ =	shalt  }
0x6d: {  	_ =	shalt  }
0x6e: {  	_ =	shalt  }
0x6f: {  	_ =	shalt  }
0x70: {  	_ =	shalt  }
0x71: {  	_ =	shalt  }
0x72: {  	_ =	shalt  }
0x73: {  	_ =	shalt  }
0x74: {  	_ =	shalt  }
0x75: {  	_ =	shalt  }
0x76: {  	_ =	shalt  }
0x77: {  	_ =	shalt  }
0x78: {  	_ =	shalt  }
0x79: {  	_ =	shalt  }
0x7a: {  	_ =	shalt  }
0x7b: {  	_ =	shalt  }
0x7c: {  	_ =	shalt  }
0x7d: {  	_ =	shalt  }
0x7e: {  	_ =	shalt  }
0x7f: {  	_ =	shalt  }
0x80: {  	_ =	shalt  }
0x81: {  	_ =	shalt  }
0x82: {  	_ =	shalt  }
0x83: {  	_ =	shalt  }
0x84: {  	_ =	shalt  }
0x85: {  	_ =	shalt  }
0x86: {  	_ =	shalt  }
0x87: {  	_ =	shalt  }
.Lfunc_end0:
.L_simem_size_0:
called_computation_lowered:
.L_overlay_start_0:
0x88: {  	s2 =	sld [smem:$0x3FD9]  }
0x89: {  	s3 =	sld [smem:$0x3FFE];
	_ =	sdelay $0x1  }
0x8a: {  	s1 =	srdreg.scid  }
0x8b: {  	s0 =	sand.u32 $0x1, s1  }
0x8c: {  	s17 =	sshll.u32 s0, $0xA;
	s2 =	sadd.s32 s3, s2  }
0x8d: {  	s2 =	sadd.s32 s2, s17  }
0x8e: {  	[smem:$0x3FC2] =	sst s2  }
0x8f: {  	_ = 	snop  }
0x90: {  	s2 =	sld [smem:$0x3FD0];
	(tm) =	ssettm $0x1  }
0x91: {  	s18 =	sld [smem:$0x3FFB];
	_ =	sdelay $0x3  }
0x92: {  	_ =	strace s18  }
0x93: {  	s3 =	sld [smem:$0x3FFC];
	_ =	sdelay $0x3  }
0x94: {  	_ =	strace s3  }
0x95: {  	s3 =	sld [smem:$0x3FFD];
	_ =	sdelay $0x3  }
0x96: {  	_ =	strace s3  }
0x97: {  	_ =	strace $0x8FFFFFFF  }
0x98: {  	s19 =	sld [smem:$0x3FDB];
	_ =	sdelay $0x1  }
0x99: {  	s4 =	simm.s32 $_scs_section_size  }
0x9a: {  	s5 =	simm.s32 $_size__tile_overlayer_lowered;
	s6 =	simm.s32 $_tile_overlayer_lowered  }
0x9b: {  	s22 =	simm.s32 $0x1BFF;
	s21 =	sshll.u32 s6, $0x1;
	s3 =	sadd.s32 s4, s19  }
0x9c: {  	s7 =	simm.s32 $0x0;
	s20 =	sshll.u32 s5, $0x1;
	s5 =	sadd.s32 s21, s3  }
0x9d: {  	[timem:s7], [sflag:s22] =	dma.local [hbm:s5], s20  }
0x9e: {  	_ =	swait.ge [sflag:s22], s20  }
0x9f: {  	s4 =	ssub.s32 $0x0, s20;
	[sflag:s22] =	ssyncset.done $0x0  }
0xa0: {  	[sflag:s22] =	ssyncadd.s32 s4;
	_ =	sdelay $0x1  }
0xa1: {  	s23 =	simm.s32 $0x1B8B  }
0xa2: {  	_ =	swait.ge [sflag:s23], $0x1  }
0xa3: {  	[sflag:s23] =	ssyncset.done $0x0  }
0xa4: {  	s25 =	simm.s32 $0x1B8E;
	s24 =	sld [smem:$0x3FFE];
	[sflag:s23] =	ssyncadd.s32 $0xFFFFFFFF  }
0xa5: {  	s26 =	simm.s32 $execute0_lowered;
	[smem:$0x3FD2] =	sst s25  }
0xa6: {  	s5 =	sshll.u32 s26, $0x1;
	_ =	strace $0x80000046;
	[dreg:$0x1] =	wrdreg $0xFFFFFFFF  }
0xa7: {  	s28 =	simm.s32 $_size_execute0_lowered;
	s3 =	sadd.s32 s3, s5;
	[dreg:$0x0] =	wrdreg $0x0  }
0xa8: {  	s5 =	sshll.u32 s28, $0x1;
	[dreg:$0x2] =	wrdreg s3  }
0xa9: {  	[dreg:$0x3] =	wrdreg s5  }
0xaa: {  	[dreg:$0x4] =	wrdreg $0xC0  }
0xab: {  	_ =	task [dreg:s7], $0x5FFFF  }
0xac: {  	[dreg:$0x1] =	wrdreg $0xFFFFFFFF  }
0xad: {  	[dreg:$0x0] =	wrdreg $0x60  }
0xae: {  	[dreg:$0x2] =	wrdreg s24  }
0xaf: {  	[dreg:$0x3] =	wrdreg s2  }
0xb0: {  	[dreg:$0x4] =	wrdreg $0x0  }
0xb1: {  	[dreg:$0x5] =	wrdreg $0x9  }
0xb2: {  	_ =	task.clear_ibuf [dreg:s7], $0x6FFFF;
	_ =	strace $0x90000046  }
0xb3: {  	s29 =	simm.s32 $0x9;
	_ =	strace $0x80000048  }
0xb4: {  	_ =	swait.ge [sflag:s29], $0x1  }
0xb5: {  	[sflag:s29] =	ssyncadd.s32 $0xFFFFFFFF  }
0xb6: {  	_ =	strace $0x90000048  }
0xb7: {  	_ =	sfence  }
0xb8: {  	s30 =	sld [smem:$0x0];
	_ =	sdelay $0x2  }
0xb9: {  	s31 =	sshll.u32 s1, $0xD;
	s1 =	sshrl.u32 s1, $0x2  }
0xba: {  	s3 =	sand.u32 $0x4000, s31;
	s1 =	sadd.s32 s1, s30  }
0xbb: {  	s0 =	sor.u32 s3, s0;
	s1 =	sshll.u32 s1, $0x11  }
0xbc: {  	s0 =	sor.u32 s1, s0  }
0xbd: {  	s0 =	sadd.s32 $0x8F2B, s0  }
0xbe: {  	[sflag:s0] =	ssyncadd.remote.s32 $0x1  }
0xbf: {  	_ =	sfence.sel $0xFFFF  }
0xc0: {  	[dreg:$0x0] =	wrdreg $0xFFFFFFFF;
	(pc) =	sbr.abs _section_cstart, $3  }
0xc1: {  	[dreg:$0x1] =	wrdreg $0xFFFFFFFF  }
0xc2: {  	_ =	task.clear_ibuf [dreg:s7], $0x2FFFF;
	_ =	strace $0x9FFFFFFF  }
0xc3: {  	(tm) =	ssettm $0x7FFFFFFF  }
tec
execute0_lowered:
.L_overlay_start_1:
0x0: {  	(tag) =	ssettag $0x1  }
0x1: {  	s4 =	rddreg [dreg:$0x0]  }
0x2: {  	s1 =	srdreg.scid;
	s7 =	rddreg [dreg:$0x1]  }
0x3: {  	s0 =	stileid.u32;
	s2 =	rddreg [dreg:$0x2];
	s3 =	simm.s32 $0x0  }
0x4: {  	s13 =	simm.s32 $0x4F10;
	s14 =	simm.s32 $0x0;
	s5 =	sand.u32 $0x1, s1  }
0x5: {  	s26 =	sshll.u32 s0, $0x1;
	s1 =	rddreg [dreg:$0x3];
	s8 =	smul.u32 $0x2800, s0  }
0x6: {  	[smem:$0x7FF] =	sst s3;
	s11 =	smul.u32 $0x500, s0;
	s30 =	sshll.u32 s0, $0x6  }
0x7: {  	s6 =	sor.u32 s5, s26;
	_ =	strace $0x80000047;
	s12 =	smul.u32 $0x5000, s5  }
0x8: {  	s10 =	ssub.s32 $0x2, s5;
	s5 =	sor.u32 $0x1C01, s30;
	s6 =	smul.u32 $0x4E2, s6  }
0x9: {  	s9 =	sshrl.u32 s8, $0x3;
	s28 =	sshrl.u32 s10, $0x1;
	s29 =	sadd.s32 s8, s2  }
0xa: {  	s31 =	sadd.s32 s11, s12;
	s11 =	simm.s32 $0x2800;
	s12 =	simm.s32 $0x50  }
0xb: {  	s6 =	sadd.s32 s6, s4;
	s4 =	sadd.s32 s9, s4;
	s9 =	ssub.s32 s10, s28  }
0xc: {  	s7 =	sadd.s32 s7, s31;
	s10 =	simm.s32 $0x1;
	s4 =	sadd.s32 $0xBE00, s4  }
0xd: {  	v0 =	vimm.f32 $1.000000000e+00;
	s6 =	sadd.s32 $0x2000, s6;
	s8 =	smax.u32 s9, $0x1;
	s9 =	sshrl.u32 s29, $0x3  }
.LBB2_1:
0xe: {  	[spmem:s9], [sflag:s5] =	dma.local [hbm:s4], $0x500  }
0xf: {  	_ =	swait.ge [sflag:s10], $0x500  }
0x10: {  	[sflag:s10] =	ssyncset.done $0x0  }
0x11: {  	[sflag:s10] =	ssyncadd.s32 $0xFFFFFB00  }
0x12: {  	[tilespmem:s11], [sflag:$0x1] =	stream.linear.gather [hbm4b:s6+s3], $0x2710, $0x38;
	[tilespmem:$0x5410] =	vst v63  }
0x13: {  	_ =	swait.ge [sflag:s10], $0x2710  }
0x14: {  	[sflag:s10] =	ssyncset.done $0x0  }
0x15: {  	s15 =	simm.s32 $0x40;
	s16 =	simm.s32 $0x0;
	[sflag:s10] =	ssyncadd.s32 $0xFFFFD8F0  }
.LBB2_2:
0x16: {  	p0 =	sne.s32 s15, $0x13C0;
	[tilespmem:s16+$0x4F10] =	vst v0;
	s16 =	smov.u32 s15;
	s15 =	sadd.s32 $0x40, s15  }
.Ltmp0:
0x17: {  	(pc) =	sbr.rel @p0 .LBB2_2-.Ltmp0, $2  }
0x18: {  	_ =	sdelay $0x2  }
0x19: {  	s16 =	sshra.s32 s16, $0x2  }
0x1a: {  	[tilespmem:s16+$0x4F10] =	vst v0  }
0x1b: {  	s15 =	simm.s32 $0x2800;
	[bflag:$0x0] =	sbarrier.arrive $0xFFFF  }
0x1c: {  	[spmem:s2] =	stream.indirect.scatter.add.f32 [tilespmem:s13], [sflag:$0x1], $0x10, s15, s12, $0xb8;
	[tilespmem:$0x5410] =	vst v63  }
0x1d: {  	s15 =	simm.s32 $0x140;
	_ =	swait.ge [sflag:s10], $0x500  }
.LBB2_4:
0x1e: {  	s16 =	sshra.s32 s15, $0x2;
	[sflag:s10] =	ssyncset.done $0x0;
	p0 =	sne.s32 s15, $0x9B00  }
.Ltmp1:
0x1f: {  	s16 =	sadd.s32 $0x2800, s16;
	[sflag:s10] =	ssyncadd.s32 $0xFFFFFB00;
	(pc) =	sbr.rel @p0 .LBB2_4-.Ltmp1, $3  }
0x20: {  	[spmem:s2] =	stream.indirect.scatter.add.f32 [tilespmem:s13], [sflag:$0x1], $0x10, s16, s12, $0xb8;
	[tilespmem:$0x5410] =	vst v63  }
0x21: {  	s15 =	sadd.s32 $0x140, s15;
	_ =	sdelay $0x1  }
0x22: {  	_ =	swait.ge [sflag:s10], $0x500  }
0x23: {  	[sflag:s10] =	ssyncset.done $0x0;
	s14 =	sadd.s32 $0x1, s14  }
0x24: {  	[sflag:s10] =	ssyncadd.s32 $0xFFFFFB00;
	p0 =	sne.s32 s14, s8  }
.Ltmp2:
0x25: {  	[bflag:$0x0] =	sbarrier.arrive $0xFFFF;
	(pc) =	sbr.rel @p0 .LBB2_1-.Ltmp2, $4  }
0x26: {  	[hbm:s7], [sflag:s5] =	dma.local [spmem:s9], $0x500  }
0x27: {  	_ =	swait.ge [sflag:s10], $0x500  }
0x28: {  	[sflag:s10] =	ssyncset.done $0x0  }
0x29: {  	[sflag:s10] =	ssyncadd.s32 $0xFFFFFB00  }
0x2a: {  	_ =	sfence.sel $0x180000  }
0x2b: {  	[bflag:$0x0] =	sbarrier.arrive $0xFFFF  }
0x2c: {  	p0 =	sne.s32 s0, $0x0;
	_ =	strace $0x90000047  }
0x2d: {  	s0 =	sadd.s32 @!p0 $0x100000, s1;
	[bflag:$0x2] =	sbarrier.arrive $0xFFFF  }
0x2e: {  	[sflag:s0] =	ssyncadd.tile.s32 @!p0 $0x1;
	_ =	shalt  }
.Lfunc_end2:
_tile_overlayer_lowered:
.L_overlay_start_2:
0x2f: {  	(tag) =	ssettag $0x2  }
0x30: {  	s0 =	rddreg [dreg:$0x0];
	s2 =	stileid.u32  }
0x31: {  	s1 =	rddreg [dreg:$0x1];
	p0 =	sne.s32 s2, $0x0  }
0x32: {  	s3 =	rddreg [dreg:$0x2];
	[bflag:$0x3] =	sbarrier.arrive $0xFFFF;
	s2 =	simm.s32 @!p0 $0x1C01  }
0x33: {  	[timem:s3], [sflag:s2] =	dma.local @!p0 [hbm:s0], s1  }
0x34: {  	s0 =	simm.s32 @!p0 $0x1  }
0x35: {  	_ =	swait.ge @!p0 [sflag:s0], s1  }
0x36: {  	s1 =	ssub.s32 @!p0 $0x0, s1;
	[sflag:s0] =	ssyncset.done @!p0 $0x0  }
0x37: {  	[sflag:s0] =	ssyncadd.s32 @!p0 s1  }
0x38: {  	[bflag:$0x3] =	sbarrier.arrive $0xFFFF  }
0x39: {  	_ =	shalt  }

</sc_bundles>
